<compile_context>
chip_gen: v7x
topology: tpu7x:2x2x1
jax: 0.10.2.dev20260603
libtpu: 0.0.44.dev20260713+nightly
codegen_flags: <defaults>
</compile_context>

<pallas_src>
import functools

import jax
import jax.numpy as jnp
from jax import lax
from jax.experimental import pallas as pl
from jax.experimental.pallas import tpu as pltpu
from jax.experimental.pallas import tpu_sc as plsc

BATCH = 16384
D = 64
L = 16
NROWS = 1000000
BLK = 128
LAST_TC = (NROWS // BLK) - 1
EDGE0 = (NROWS // BLK) * BLK


def _build_sc_call():
    mesh = plsc.VectorSubcoreMesh(core_axis_name="c", subcore_axis_name="s")
    nc, ns = mesh.num_cores, mesh.num_subcores
    b_per_w = BATCH // (nc * ns)
    n_pairs = b_per_w // 2

    @functools.partial(
        pl.kernel,
        out_type=jax.ShapeDtypeStruct((BATCH,), jnp.float32),
        mesh=mesh,
        scratch_types=[
            pltpu.VMEM((b_per_w + L,), jnp.int32),
            pltpu.VMEM((b_per_w + L,), jnp.int32),
            pltpu.VMEM((7, D, BLK), jnp.float32),
            pltpu.VMEM((7, D, BLK), jnp.float32),
            pltpu.VMEM((b_per_w,), jnp.float32),
            pltpu.VMEM((D,), jnp.float32),
            pltpu.VMEM((L,), jnp.float32),
            pltpu.SemaphoreType.DMA,
            pltpu.SemaphoreType.DMA,
            pltpu.SemaphoreType.DMA,
            pltpu.SemaphoreType.DMA,
            pltpu.SemaphoreType.DMA,
            pltpu.SemaphoreType.DMA,
        ],
        compiler_params=pltpu.CompilerParams(
            use_tc_tiling_on_sc=True, needs_layout_passes=False),
    )
    def neumf_kernel(uidx_hbm, iidx_hbm, ut_hbm, it_hbm, uedge_hbm, iedge_hbm,
                     w_hbm, b_hbm, out_hbm, idx_u, idx_i, u_all, i_all, out_v,
                     w_v, b_v, sem0, sem1, sem2, sem3, sem4, sem5):
        wid = lax.axis_index("s") * nc + lax.axis_index("c")
        base = wid * b_per_w
        pltpu.sync_copy(uidx_hbm.at[pl.ds(base, b_per_w)],
                        idx_u.at[pl.ds(0, b_per_w)])
        pltpu.sync_copy(iidx_hbm.at[pl.ds(base, b_per_w)],
                        idx_i.at[pl.ds(0, b_per_w)])

        def sidx(ref, e):
            return ref[pl.ds(e, L)][0]
        pltpu.sync_copy(w_hbm, w_v)
        pltpu.sync_copy(b_hbm, b_v)
        pltpu.sync_copy(uedge_hbm, u_all.at[6])
        pltpu.sync_copy(iedge_hbm, i_all.at[6])

        sems = (sem0, sem1, sem2, sem3, sem4, sem5)
        lane = lax.iota(jnp.int32, L)
        perms = [jnp.bitwise_xor(lane, d) for d in (1, 2, 4, 8)]
        dnums = lax.GatherDimensionNumbers(
            offset_dims=(), collapsed_slice_dims=(0,), start_index_map=(0,))

        def lane_sum(s):
            for p in perms:
                s = s + lax.gather(s, p[:, None], dnums, (1,),
                                   mode=lax.GatherScatterMode.PROMISE_IN_BOUNDS)
            return s

        w_chunks = [w_v[pl.ds(c * L, L)] for c in range(D // L)]
        bd = b_v[...]

        def fire(e, par):
            tcu = jnp.minimum(sidx(idx_u, e) >> 7, LAST_TC)
            tci = jnp.minimum(sidx(idx_i, e) >> 7, LAST_TC)
            pltpu.async_copy(ut_hbm.at[:, pl.ds(tcu * BLK, BLK)],
                             u_all.at[par], sems[par])
            pltpu.async_copy(it_hbm.at[:, pl.ds(tci * BLK, BLK)],
                             i_all.at[par], sems[par])

        def drain(par):
            dummy = ut_hbm.at[:, pl.ds(0, BLK)]
            pltpu.make_async_copy(dummy, u_all.at[par], sems[par]).wait()
            pltpu.make_async_copy(dummy, i_all.at[par], sems[par]).wait()

        def element_value(e, par):
            ru = sidx(idx_u, e)
            ri = sidx(idx_i, e)
            srcu = jnp.full((L,), jnp.where(ru >= EDGE0, 6, par), jnp.int32)
            srci = jnp.full((L,), jnp.where(ri >= EDGE0, 6, par), jnp.int32)
            rcu = jnp.full((L,), ru & (BLK - 1), jnp.int32)
            rci = jnp.full((L,), ri & (BLK - 1), jnp.int32)
            s = bd
            for c in range(D // L):
                fv = c * L + lane
                gu = plsc.load_gather(u_all, [srcu, fv, rcu])
                gi = plsc.load_gather(i_all, [srci, fv, rci])
                s = s + gu * gi * w_chunks[c]
            return lane_sum(s)

        NBUF = 6
        n_iters = (b_per_w + NBUF - 1) // NBUF
        for par in range(NBUF):
            fire(par, par)

        def ring_body(t, carry):
            e0 = NBUF * t
            for par in range(NBUF):
                e = jnp.minimum(e0 + par, b_per_w - 1)
                drain(par)
                v = element_value(e, par)
                fire(jnp.minimum(e0 + par + NBUF, b_per_w - 1), par)
                plsc.store_scatter(out_v, [jnp.full((L,), e, jnp.int32)], v,
                                   mask=lane == 0)
            return carry

        lax.fori_loop(0, n_iters, ring_body, 0)
        for par in range(NBUF):
            drain(par)

        pltpu.sync_copy(out_v, out_hbm.at[pl.ds(base, b_per_w)])

    return neumf_kernel


def kernel(users_index, items_index, user_mf_emb, item_mf_emb, W_pred, b_pred):
    ut = user_mf_emb.T
    it = item_mf_emb.T
    uedge = jnp.pad(user_mf_emb[EDGE0:].T, ((0, 0), (0, BLK - (NROWS - EDGE0))))
    iedge = jnp.pad(item_mf_emb[EDGE0:].T, ((0, 0), (0, BLK - (NROWS - EDGE0))))
    w_flat = W_pred.reshape(D)
    b_lane = jnp.full((L,), b_pred[0] / L, dtype=jnp.float32)
    call = _build_sc_call()
    out = call(users_index.astype(jnp.int32), items_index.astype(jnp.int32),
               ut, it, uedge, iedge, w_flat, b_lane)
    return out.reshape(BATCH, 1)

# --- scband reference (transcript-rebuilt; emitter-appended) ---
"""Pipeline reference for scband-neu-mf-46531675684883 (READ-ONLY COPY).

The authoritative reference and input builder live on the scoring server;
editing this copy changes nothing except your own understanding.
"""

import jax, jax.numpy as jnp
import numpy as np

N_USERS = 1000000
N_ITEMS = 1000000
N_FACTORS = 64
BATCH = 16384


def setup_inputs(seed: int = 0) -> dict:
    key = jax.random.key(seed)
    k1, k2, k3, k4, k5, k6 = jax.random.split(key, 6)
    users_index = jax.random.randint(k1, (BATCH,), 0, N_USERS, dtype=jnp.int64 if jax.config.jax_enable_x64 else jnp.int32)
    items_index = jax.random.randint(k2, (BATCH,), 0, N_ITEMS, dtype=jnp.int64 if jax.config.jax_enable_x64 else jnp.int32)
    # Embedding tables initialized like the torch module: 0.1 * uniform[0,1)
    user_mf_emb = 0.1 * jax.random.uniform(k3, (N_USERS, N_FACTORS), dtype=jnp.float32)
    item_mf_emb = 0.1 * jax.random.uniform(k4, (N_ITEMS, N_FACTORS), dtype=jnp.float32)
    # predict_layer: Linear(n_factors, 1) since mf_train=True, mlp_train=False
    bound = 1.0 / np.sqrt(N_FACTORS)
    W_pred = jax.random.uniform(k5, (N_FACTORS, 1), minval=-bound, maxval=bound, dtype=jnp.float32)
    b_pred = jax.random.uniform(k6, (1,), minval=-bound, maxval=bound, dtype=jnp.float32)
    return {
        "users_index": users_index,
        "items_index": items_index,
        "user_mf_emb": user_mf_emb,
        "item_mf_emb": item_mf_emb,
        "W_pred": W_pred,
        "b_pred": b_pred,
    }


def reference(users_index, items_index, user_mf_emb, item_mf_emb, W_pred, b_pred):
    # NeuMF forward with mf_train=True, mlp_train=False
    user_mf_e = jnp.take(user_mf_emb, users_index, axis=0)  # [B, n_factors]
    item_mf_e = jnp.take(item_mf_emb, items_index, axis=0)  # [B, n_factors]
    mf_output = user_mf_e * item_mf_e                        # elementwise mul (GMF)
    prediction = mf_output @ W_pred + b_pred                 # predict_layer: Linear(n_factors, 1)
    return prediction

if __name__ == "__main__":
    import jax
    _d = setup_inputs()
    print(jax.jit(kernel)(*tuple(_d.values())))

</pallas_src>

<mosaic_0001>
#map = affine_map<(d0, d1) -> (0)>
#map1 = affine_map<(d0, d1) -> (0, 0)>
module attributes {stable_mosaic.version = 14 : i64} {
  func.func @neumf_kernel(%arg0: i32, %arg1: i32, %arg2: memref<16384xi32, #tpu.memory_space<hbm>>, %arg3: memref<16384xi32, #tpu.memory_space<hbm>>, %arg4: memref<64x1000000xf32, #tpu.memory_space<hbm>>, %arg5: memref<64x1000000xf32, #tpu.memory_space<hbm>>, %arg6: memref<64x128xf32, #tpu.memory_space<hbm>>, %arg7: memref<64x128xf32, #tpu.memory_space<hbm>>, %arg8: memref<64xf32, #tpu.memory_space<hbm>>, %arg9: memref<16xf32, #tpu.memory_space<hbm>>, %arg10: memref<16384xf32, #tpu.memory_space<hbm>>, %arg11: memref<528xi32, #tpu.memory_space<vmem>>, %arg12: memref<528xi32, #tpu.memory_space<vmem>>, %arg13: memref<7x64x128xf32, #tpu.memory_space<vmem>>, %arg14: memref<7x64x128xf32, #tpu.memory_space<vmem>>, %arg15: memref<512xf32, #tpu.memory_space<vmem>>, %arg16: memref<64xf32, #tpu.memory_space<vmem>>, %arg17: memref<16xf32, #tpu.memory_space<vmem>>, %arg18: memref<!tpu.dma_semaphore, #tpu.memory_space<semaphore_mem>>, %arg19: memref<!tpu.dma_semaphore, #tpu.memory_space<semaphore_mem>>, %arg20: memref<!tpu.dma_semaphore, #tpu.memory_space<semaphore_mem>>, %arg21: memref<!tpu.dma_semaphore, #tpu.memory_space<semaphore_mem>>, %arg22: memref<!tpu.dma_semaphore, #tpu.memory_space<semaphore_mem>>, %arg23: memref<!tpu.dma_semaphore, #tpu.memory_space<semaphore_mem>>) attributes {dimension_semantics = [#tpu.dimension_semantics<core_parallel>, #tpu.dimension_semantics<subcore_parallel>], iteration_bounds = array<i64: 2, 16>, scalar_prefetch = 0 : i64, scratch_operands = 13 : i64, tpu.core_type = #tpu.core_type<sc_vector_subcore>, window_params = [{transform_indices = #map}, {transform_indices = #map}, {transform_indices = #map1}, {transform_indices = #map1}, {transform_indices = #map1}, {transform_indices = #map1}, {transform_indices = #map}, {transform_indices = #map}, {transform_indices = #map}]} {
    %mul3A = arith.constant 2 : i32
    %mul3A_0 = arith.muli %arg1, %mul3A : i32
    %add3A = arith.addi %mul3A_0, %arg0 : i32
    %mul3A_1 = arith.constant 512 : i32
    %mul3A_2 = arith.muli %add3A, %mul3A_1 : i32
    "tpu.region"() ({
      %run_scoped3A_479 = tpu.sem_alloc : memref<!tpu.dma_semaphore, #tpu.memory_space<semaphore_mem>>
      %dma_start3A_480 = arith.constant 0 : i32
      %dma_start3A_481 = tpu.memref_slice %arg11[%dma_start3A_480] : memref<528xi32, #tpu.memory_space<vmem>> -> memref<512xi32, #tpu.memory_space<vmem>>
      %dma_start3A_482 = tpu.memref_slice %arg2[%mul3A_2] : memref<16384xi32, #tpu.memory_space<hbm>> -> memref<512xi32, #tpu.memory_space<hbm>>
      %dma_start3A_483 = arith.constant 0 : i32
      %dma_start3A_484 = tpu.memref_slice %arg11[%dma_start3A_483] : memref<528xi32, #tpu.memory_space<vmem>> -> memref<512xi32, #tpu.memory_space<vmem>>
      %dma_start3A_485 = tpu.memref_slice %arg2[%mul3A_2] : memref<16384xi32, #tpu.memory_space<hbm>> -> memref<512xi32, #tpu.memory_space<hbm>>
      tpu.enqueue_dma source(%dma_start3A_485 : memref<512xi32, #tpu.memory_space<hbm>>) target(%dma_start3A_484 : memref<512xi32, #tpu.memory_space<vmem>>) target_semaphore(%run_scoped3A_479 : memref<!tpu.dma_semaphore, #tpu.memory_space<semaphore_mem>>)
      %dma_wait3A_486 = arith.constant 0 : i32
      %dma_wait3A_487 = tpu.memref_slice %arg11[%dma_wait3A_486] : memref<528xi32, #tpu.memory_space<vmem>> -> memref<512xi32, #tpu.memory_space<vmem>>
      %dma_wait3A_488 = tpu.memref_slice %arg2[%mul3A_2] : memref<16384xi32, #tpu.memory_space<hbm>> -> memref<512xi32, #tpu.memory_space<hbm>>
      %dma_wait3A_489 = arith.constant 0 : i32
      %dma_wait3A_490 = tpu.memref_slice %arg11[%dma_wait3A_489] : memref<528xi32, #tpu.memory_space<vmem>> -> memref<512xi32, #tpu.memory_space<vmem>>
      %dma_wait3A_491 = tpu.memref_slice %arg2[%mul3A_2] : memref<16384xi32, #tpu.memory_space<hbm>> -> memref<512xi32, #tpu.memory_space<hbm>>
      tpu.wait_dma2 semaphore(%run_scoped3A_479 : memref<!tpu.dma_semaphore, #tpu.memory_space<semaphore_mem>>) src(%dma_wait3A_491 : memref<512xi32, #tpu.memory_space<hbm>>) dst(%dma_wait3A_490 : memref<512xi32, #tpu.memory_space<vmem>>)
      tpu.yield
    }) : () -> ()
    "tpu.region"() ({
      %run_scoped3A_479 = tpu.sem_alloc : memref<!tpu.dma_semaphore, #tpu.memory_space<semaphore_mem>>
      %dma_start3A_480 = arith.constant 0 : i32
      %dma_start3A_481 = tpu.memref_slice %arg12[%dma_start3A_480] : memref<528xi32, #tpu.memory_space<vmem>> -> memref<512xi32, #tpu.memory_space<vmem>>
      %dma_start3A_482 = tpu.memref_slice %arg3[%mul3A_2] : memref<16384xi32, #tpu.memory_space<hbm>> -> memref<512xi32, #tpu.memory_space<hbm>>
      %dma_start3A_483 = arith.constant 0 : i32
      %dma_start3A_484 = tpu.memref_slice %arg12[%dma_start3A_483] : memref<528xi32, #tpu.memory_space<vmem>> -> memref<512xi32, #tpu.memory_space<vmem>>
      %dma_start3A_485 = tpu.memref_slice %arg3[%mul3A_2] : memref<16384xi32, #tpu.memory_space<hbm>> -> memref<512xi32, #tpu.memory_space<hbm>>
      tpu.enqueue_dma source(%dma_start3A_485 : memref<512xi32, #tpu.memory_space<hbm>>) target(%dma_start3A_484 : memref<512xi32, #tpu.memory_space<vmem>>) target_semaphore(%run_scoped3A_479 : memref<!tpu.dma_semaphore, #tpu.memory_space<semaphore_mem>>)
      %dma_wait3A_486 = arith.constant 0 : i32
      %dma_wait3A_487 = tpu.memref_slice %arg12[%dma_wait3A_486] : memref<528xi32, #tpu.memory_space<vmem>> -> memref<512xi32, #tpu.memory_space<vmem>>
      %dma_wait3A_488 = tpu.memref_slice %arg3[%mul3A_2] : memref<16384xi32, #tpu.memory_space<hbm>> -> memref<512xi32, #tpu.memory_space<hbm>>
      %dma_wait3A_489 = arith.constant 0 : i32
      %dma_wait3A_490 = tpu.memref_slice %arg12[%dma_wait3A_489] : memref<528xi32, #tpu.memory_space<vmem>> -> memref<512xi32, #tpu.memory_space<vmem>>
      %dma_wait3A_491 = tpu.memref_slice %arg3[%mul3A_2] : memref<16384xi32, #tpu.memory_space<hbm>> -> memref<512xi32, #tpu.memory_space<hbm>>
      tpu.wait_dma2 semaphore(%run_scoped3A_479 : memref<!tpu.dma_semaphore, #tpu.memory_space<semaphore_mem>>) src(%dma_wait3A_491 : memref<512xi32, #tpu.memory_space<hbm>>) dst(%dma_wait3A_490 : memref<512xi32, #tpu.memory_space<vmem>>)
      tpu.yield
    }) : () -> ()
    "tpu.region"() ({
      %run_scoped3A_479 = tpu.sem_alloc : memref<!tpu.dma_semaphore, #tpu.memory_space<semaphore_mem>>
      tpu.enqueue_dma source(%arg8 : memref<64xf32, #tpu.memory_space<hbm>>) target(%arg16 : memref<64xf32, #tpu.memory_space<vmem>>) target_semaphore(%run_scoped3A_479 : memref<!tpu.dma_semaphore, #tpu.memory_space<semaphore_mem>>)
      tpu.wait_dma2 semaphore(%run_scoped3A_479 : memref<!tpu.dma_semaphore, #tpu.memory_space<semaphore_mem>>) src(%arg8 : memref<64xf32, #tpu.memory_space<hbm>>) dst(%arg16 : memref<64xf32, #tpu.memory_space<vmem>>)
      tpu.yield
    }) : () -> ()
    "tpu.region"() ({
      %run_scoped3A_479 = tpu.sem_alloc : memref<!tpu.dma_semaphore, #tpu.memory_space<semaphore_mem>>
      tpu.enqueue_dma source(%arg9 : memref<16xf32, #tpu.memory_space<hbm>>) target(%arg17 : memref<16xf32, #tpu.memory_space<vmem>>) target_semaphore(%run_scoped3A_479 : memref<!tpu.dma_semaphore, #tpu.memory_space<semaphore_mem>>)
      tpu.wait_dma2 semaphore(%run_scoped3A_479 : memref<!tpu.dma_semaphore, #tpu.memory_space<semaphore_mem>>) src(%arg9 : memref<16xf32, #tpu.memory_space<hbm>>) dst(%arg17 : memref<16xf32, #tpu.memory_space<vmem>>)
      tpu.yield
    }) : () -> ()
    %run_scoped3A = arith.constant 6 : i32
    "tpu.region"() ({
      %run_scoped3A_479 = tpu.sem_alloc : memref<!tpu.dma_semaphore, #tpu.memory_space<semaphore_mem>>
      %dma_start3A_480 = arith.constant 0 : i32
      %dma_start3A_481 = arith.constant 0 : i32
      %dma_start3A_482 = tpu.memref_slice %arg13[%run_scoped3A, %dma_start3A_480, %dma_start3A_481] : memref<7x64x128xf32, #tpu.memory_space<vmem>> -> memref<1x64x128xf32, #tpu.memory_space<vmem>>
      %dma_start3A_483 = tpu.memref_squeeze %dma_start3A_482 : memref<1x64x128xf32, #tpu.memory_space<vmem>> -> memref<64x128xf32, #tpu.memory_space<vmem>>
      %dma_start3A_484 = arith.constant 0 : i32
      %dma_start3A_485 = arith.constant 0 : i32
      %dma_start3A_486 = tpu.memref_slice %arg13[%run_scoped3A, %dma_start3A_484, %dma_start3A_485] : memref<7x64x128xf32, #tpu.memory_space<vmem>> -> memref<1x64x128xf32, #tpu.memory_space<vmem>>
      %dma_start3A_487 = tpu.memref_squeeze %dma_start3A_486 : memref<1x64x128xf32, #tpu.memory_space<vmem>> -> memref<64x128xf32, #tpu.memory_space<vmem>>
      tpu.enqueue_dma source(%arg6 : memref<64x128xf32, #tpu.memory_space<hbm>>) target(%dma_start3A_487 : memref<64x128xf32, #tpu.memory_space<vmem>>) target_semaphore(%run_scoped3A_479 : memref<!tpu.dma_semaphore, #tpu.memory_space<semaphore_mem>>)
      %dma_wait3A_488 = arith.constant 0 : i32
      %dma_wait3A_489 = arith.constant 0 : i32
      %dma_wait3A_490 = tpu.memref_slice %arg13[%run_scoped3A, %dma_wait3A_488, %dma_wait3A_489] : memref<7x64x128xf32, #tpu.memory_space<vmem>> -> memref<1x64x128xf32, #tpu.memory_space<vmem>>
      %dma_wait3A_491 = tpu.memref_squeeze %dma_wait3A_490 : memref<1x64x128xf32, #tpu.memory_space<vmem>> -> memref<64x128xf32, #tpu.memory_space<vmem>>
      %dma_wait3A_492 = arith.constant 0 : i32
      %dma_wait3A_493 = arith.constant 0 : i32
      %dma_wait3A_494 = tpu.memref_slice %arg13[%run_scoped3A, %dma_wait3A_492, %dma_wait3A_493] : memref<7x64x128xf32, #tpu.memory_space<vmem>> -> memref<1x64x128xf32, #tpu.memory_space<vmem>>
      %dma_wait3A_495 = tpu.memref_squeeze %dma_wait3A_494 : memref<1x64x128xf32, #tpu.memory_space<vmem>> -> memref<64x128xf32, #tpu.memory_space<vmem>>
      tpu.wait_dma2 semaphore(%run_scoped3A_479 : memref<!tpu.dma_semaphore, #tpu.memory_space<semaphore_mem>>) src(%arg6 : memref<64x128xf32, #tpu.memory_space<hbm>>) dst(%dma_wait3A_495 : memref<64x128xf32, #tpu.memory_space<vmem>>)
      tpu.yield
    }) : () -> ()
    %run_scoped3A_3 = arith.constant 6 : i32
    "tpu.region"() ({
      %run_scoped3A_479 = tpu.sem_alloc : memref<!tpu.dma_semaphore, #tpu.memory_space<semaphore_mem>>
      %dma_start3A_480 = arith.constant 0 : i32
      %dma_start3A_481 = arith.constant 0 : i32
      %dma_start3A_482 = tpu.memref_slice %arg14[%run_scoped3A_3, %dma_start3A_480, %dma_start3A_481] : memref<7x64x128xf32, #tpu.memory_space<vmem>> -> memref<1x64x128xf32, #tpu.memory_space<vmem>>
      %dma_start3A_483 = tpu.memref_squeeze %dma_start3A_482 : memref<1x64x128xf32, #tpu.memory_space<vmem>> -> memref<64x128xf32, #tpu.memory_space<vmem>>
      %dma_start3A_484 = arith.constant 0 : i32
      %dma_start3A_485 = arith.constant 0 : i32
      %dma_start3A_486 = tpu.memref_slice %arg14[%run_scoped3A_3, %dma_start3A_484, %dma_start3A_485] : memref<7x64x128xf32, #tpu.memory_space<vmem>> -> memref<1x64x128xf32, #tpu.memory_space<vmem>>
      %dma_start3A_487 = tpu.memref_squeeze %dma_start3A_486 : memref<1x64x128xf32, #tpu.memory_space<vmem>> -> memref<64x128xf32, #tpu.memory_space<vmem>>
      tpu.enqueue_dma source(%arg7 : memref<64x128xf32, #tpu.memory_space<hbm>>) target(%dma_start3A_487 : memref<64x128xf32, #tpu.memory_space<vmem>>) target_semaphore(%run_scoped3A_479 : memref<!tpu.dma_semaphore, #tpu.memory_space<semaphore_mem>>)
      %dma_wait3A_488 = arith.constant 0 : i32
      %dma_wait3A_489 = arith.constant 0 : i32
      %dma_wait3A_490 = tpu.memref_slice %arg14[%run_scoped3A_3, %dma_wait3A_488, %dma_wait3A_489] : memref<7x64x128xf32, #tpu.memory_space<vmem>> -> memref<1x64x128xf32, #tpu.memory_space<vmem>>
      %dma_wait3A_491 = tpu.memref_squeeze %dma_wait3A_490 : memref<1x64x128xf32, #tpu.memory_space<vmem>> -> memref<64x128xf32, #tpu.memory_space<vmem>>
      %dma_wait3A_492 = arith.constant 0 : i32
      %dma_wait3A_493 = arith.constant 0 : i32
      %dma_wait3A_494 = tpu.memref_slice %arg14[%run_scoped3A_3, %dma_wait3A_492, %dma_wait3A_493] : memref<7x64x128xf32, #tpu.memory_space<vmem>> -> memref<1x64x128xf32, #tpu.memory_space<vmem>>
      %dma_wait3A_495 = tpu.memref_squeeze %dma_wait3A_494 : memref<1x64x128xf32, #tpu.memory_space<vmem>> -> memref<64x128xf32, #tpu.memory_space<vmem>>
      tpu.wait_dma2 semaphore(%run_scoped3A_479 : memref<!tpu.dma_semaphore, #tpu.memory_space<semaphore_mem>>) src(%arg7 : memref<64x128xf32, #tpu.memory_space<hbm>>) dst(%dma_wait3A_495 : memref<64x128xf32, #tpu.memory_space<vmem>>)
      tpu.yield
    }) : () -> ()
    %iota3A = tpu.iota {dimensions = array<i32: 0>} : vector<16xi32>
    %xor3A = arith.constant 1 : i32
    %xor3A_4 = vector.broadcast %xor3A : i32 to vector<16xi32>
    %xor3A_5 = arith.xori %iota3A, %xor3A_4 : vector<16xi32>
    %xor3A_6 = arith.constant 2 : i32
    %xor3A_7 = vector.broadcast %xor3A_6 : i32 to vector<16xi32>
    %xor3A_8 = arith.xori %iota3A, %xor3A_7 : vector<16xi32>
    %xor3A_9 = arith.constant 4 : i32
    %xor3A_10 = vector.broadcast %xor3A_9 : i32 to vector<16xi32>
    %xor3A_11 = arith.xori %iota3A, %xor3A_10 : vector<16xi32>
    %xor3A_12 = arith.constant 8 : i32
    %xor3A_13 = vector.broadcast %xor3A_12 : i32 to vector<16xi32>
    %xor3A_14 = arith.xori %iota3A, %xor3A_13 : vector<16xi32>
    %get3A = arith.constant 0 : index
    %get3A_15 = tpu.vector_load %arg16[%get3A] {strides = array<i32>} : memref<64xf32, #tpu.memory_space<vmem>>, vector<16xf32>,
    %get3A_16 = arith.constant 16 : index
    %get3A_17 = tpu.vector_load %arg16[%get3A_16] {strides = array<i32>} : memref<64xf32, #tpu.memory_space<vmem>>, vector<16xf32>,
    %get3A_18 = arith.constant 32 : index
    %get3A_19 = tpu.vector_load %arg16[%get3A_18] {strides = array<i32>} : memref<64xf32, #tpu.memory_space<vmem>>, vector<16xf32>,
    %get3A_20 = arith.constant 48 : index
    %get3A_21 = tpu.vector_load %arg16[%get3A_20] {strides = array<i32>} : memref<64xf32, #tpu.memory_space<vmem>>, vector<16xf32>,
    %get3A_22 = arith.constant 0 : index
    %get3A_23 = tpu.vector_load %arg17[%get3A_22] {strides = array<i32>} : memref<16xf32, #tpu.memory_space<vmem>>, vector<16xf32>,
    %get3A_24 = arith.constant 0 : index
    %get3A_25 = tpu.vector_load %arg11[%get3A_24] {strides = array<i32>} : memref<528xi32, #tpu.memory_space<vmem>>, vector<16xi32>,
    %slice3A = vector.extract_strided_slice %get3A_25 {offsets = [0], sizes = [1], strides = [1]} : vector<16xi32> to vector<1xi32>
    %squeeze3A = vector.extract %slice3A[0] : i32 from vector<1xi32>
    %shift_right_arithmetic3A = arith.constant 7 : i32
    %shift_right_arithmetic3A_26 = arith.shrsi %squeeze3A, %shift_right_arithmetic3A : i32
    %min3A = arith.constant 7811 : i32
    %min3A_27 = arith.minsi %shift_right_arithmetic3A_26, %min3A : i32
    %get3A_28 = arith.constant 0 : index
    %get3A_29 = tpu.vector_load %arg12[%get3A_28] {strides = array<i32>} : memref<528xi32, #tpu.memory_space<vmem>>, vector<16xi32>,
    %slice3A_30 = vector.extract_strided_slice %get3A_29 {offsets = [0], sizes = [1], strides = [1]} : vector<16xi32> to vector<1xi32>
    %squeeze3A_31 = vector.extract %slice3A_30[0] : i32 from vector<1xi32>
    %shift_right_arithmetic3A_32 = arith.constant 7 : i32
    %shift_right_arithmetic3A_33 = arith.shrsi %squeeze3A_31, %shift_right_arithmetic3A_32 : i32
    %min3A_34 = arith.constant 7811 : i32
    %min3A_35 = arith.minsi %shift_right_arithmetic3A_33, %min3A_34 : i32
    %mul3A_36 = arith.constant 128 : i32
    %mul3A_37 = arith.muli %min3A_27, %mul3A_36 : i32
    %dma_start3A = arith.constant 0 : i32
    %dma_start3A_38 = arith.constant 0 : i32
    %dma_start3A_39 = arith.constant 0 : i32
    %dma_start3A_40 = tpu.memref_slice %arg13[%dma_start3A, %dma_start3A_38, %dma_start3A_39] : memref<7x64x128xf32, #tpu.memory_space<vmem>> -> memref<1x64x128xf32, #tpu.memory_space<vmem>>
    %dma_start3A_41 = tpu.memref_squeeze %dma_start3A_40 : memref<1x64x128xf32, #tpu.memory_space<vmem>> -> memref<64x128xf32, #tpu.memory_space<vmem>>
    %dma_start3A_42 = arith.constant 0 : i32
    %dma_start3A_43 = tpu.memref_slice %arg4[%dma_start3A_42, %mul3A_37] : memref<64x1000000xf32, #tpu.memory_space<hbm>> -> memref<64x128xf32, #tpu.memory_space<hbm>>
    %dma_start3A_44 = arith.constant 0 : i32
    %dma_start3A_45 = arith.constant 0 : i32
    %dma_start3A_46 = tpu.memref_slice %arg13[%dma_start3A, %dma_start3A_44, %dma_start3A_45] : memref<7x64x128xf32, #tpu.memory_space<vmem>> -> memref<1x64x128xf32, #tpu.memory_space<vmem>>
    %dma_start3A_47 = tpu.memref_squeeze %dma_start3A_46 : memref<1x64x128xf32, #tpu.memory_space<vmem>> -> memref<64x128xf32, #tpu.memory_space<vmem>>
    %dma_start3A_48 = arith.constant 0 : i32
    %dma_start3A_49 = tpu.memref_slice %arg4[%dma_start3A_48, %mul3A_37] : memref<64x1000000xf32, #tpu.memory_space<hbm>> -> memref<64x128xf32, #tpu.memory_space<hbm>>
    tpu.enqueue_dma source(%dma_start3A_49 : memref<64x128xf32, #tpu.memory_space<hbm>>) target(%dma_start3A_47 : memref<64x128xf32, #tpu.memory_space<vmem>>) target_semaphore(%arg18 : memref<!tpu.dma_semaphore, #tpu.memory_space<semaphore_mem>>)
    %mul3A_50 = arith.constant 128 : i32
    %mul3A_51 = arith.muli %min3A_35, %mul3A_50 : i32
    %dma_start3A_52 = arith.constant 0 : i32
    %dma_start3A_53 = arith.constant 0 : i32
    %dma_start3A_54 = arith.constant 0 : i32
    %dma_start3A_55 = tpu.memref_slice %arg14[%dma_start3A_52, %dma_start3A_53, %dma_start3A_54] : memref<7x64x128xf32, #tpu.memory_space<vmem>> -> memref<1x64x128xf32, #tpu.memory_space<vmem>>
    %dma_start3A_56 = tpu.memref_squeeze %dma_start3A_55 : memref<1x64x128xf32, #tpu.memory_space<vmem>> -> memref<64x128xf32, #tpu.memory_space<vmem>>
    %dma_start3A_57 = arith.constant 0 : i32
    %dma_start3A_58 = tpu.memref_slice %arg5[%dma_start3A_57, %mul3A_51] : memref<64x1000000xf32, #tpu.memory_space<hbm>> -> memref<64x128xf32, #tpu.memory_space<hbm>>
    %dma_start3A_59 = arith.constant 0 : i32
    %dma_start3A_60 = arith.constant 0 : i32
    %dma_start3A_61 = tpu.memref_slice %arg14[%dma_start3A_52, %dma_start3A_59, %dma_start3A_60] : memref<7x64x128xf32, #tpu.memory_space<vmem>> -> memref<1x64x128xf32, #tpu.memory_space<vmem>>
    %dma_start3A_62 = tpu.memref_squeeze %dma_start3A_61 : memref<1x64x128xf32, #tpu.memory_space<vmem>> -> memref<64x128xf32, #tpu.memory_space<vmem>>
    %dma_start3A_63 = arith.constant 0 : i32
    %dma_start3A_64 = tpu.memref_slice %arg5[%dma_start3A_63, %mul3A_51] : memref<64x1000000xf32, #tpu.memory_space<hbm>> -> memref<64x128xf32, #tpu.memory_space<hbm>>
    tpu.enqueue_dma source(%dma_start3A_64 : memref<64x128xf32, #tpu.memory_space<hbm>>) target(%dma_start3A_62 : memref<64x128xf32, #tpu.memory_space<vmem>>) target_semaphore(%arg18 : memref<!tpu.dma_semaphore, #tpu.memory_space<semaphore_mem>>)
    %get3A_65 = arith.constant 1 : index
    %get3A_66 = tpu.vector_load %arg11[%get3A_65] {strides = array<i32>} : memref<528xi32, #tpu.memory_space<vmem>>, vector<16xi32>,
    %slice3A_67 = vector.extract_strided_slice %get3A_66 {offsets = [0], sizes = [1], strides = [1]} : vector<16xi32> to vector<1xi32>
    %squeeze3A_68 = vector.extract %slice3A_67[0] : i32 from vector<1xi32>
    %shift_right_arithmetic3A_69 = arith.constant 7 : i32
    %shift_right_arithmetic3A_70 = arith.shrsi %squeeze3A_68, %shift_right_arithmetic3A_69 : i32
    %min3A_71 = arith.constant 7811 : i32
    %min3A_72 = arith.minsi %shift_right_arithmetic3A_70, %min3A_71 : i32
    %get3A_73 = arith.constant 1 : index
    %get3A_74 = tpu.vector_load %arg12[%get3A_73] {strides = array<i32>} : memref<528xi32, #tpu.memory_space<vmem>>, vector<16xi32>,
    %slice3A_75 = vector.extract_strided_slice %get3A_74 {offsets = [0], sizes = [1], strides = [1]} : vector<16xi32> to vector<1xi32>
    %squeeze3A_76 = vector.extract %slice3A_75[0] : i32 from vector<1xi32>
    %shift_right_arithmetic3A_77 = arith.constant 7 : i32
    %shift_right_arithmetic3A_78 = arith.shrsi %squeeze3A_76, %shift_right_arithmetic3A_77 : i32
    %min3A_79 = arith.constant 7811 : i32
    %min3A_80 = arith.minsi %shift_right_arithmetic3A_78, %min3A_79 : i32
    %mul3A_81 = arith.constant 128 : i32
    %mul3A_82 = arith.muli %min3A_72, %mul3A_81 : i32
    %dma_start3A_83 = arith.constant 1 : i32
    %dma_start3A_84 = arith.constant 0 : i32
    %dma_start3A_85 = arith.constant 0 : i32
    %dma_start3A_86 = tpu.memref_slice %arg13[%dma_start3A_83, %dma_start3A_84, %dma_start3A_85] : memref<7x64x128xf32, #tpu.memory_space<vmem>> -> memref<1x64x128xf32, #tpu.memory_space<vmem>>
    %dma_start3A_87 = tpu.memref_squeeze %dma_start3A_86 : memref<1x64x128xf32, #tpu.memory_space<vmem>> -> memref<64x128xf32, #tpu.memory_space<vmem>>
    %dma_start3A_88 = arith.constant 0 : i32
    %dma_start3A_89 = tpu.memref_slice %arg4[%dma_start3A_88, %mul3A_82] : memref<64x1000000xf32, #tpu.memory_space<hbm>> -> memref<64x128xf32, #tpu.memory_space<hbm>>
    %dma_start3A_90 = arith.constant 0 : i32
    %dma_start3A_91 = arith.constant 0 : i32
    %dma_start3A_92 = tpu.memref_slice %arg13[%dma_start3A_83, %dma_start3A_90, %dma_start3A_91] : memref<7x64x128xf32, #tpu.memory_space<vmem>> -> memref<1x64x128xf32, #tpu.memory_space<vmem>>
    %dma_start3A_93 = tpu.memref_squeeze %dma_start3A_92 : memref<1x64x128xf32, #tpu.memory_space<vmem>> -> memref<64x128xf32, #tpu.memory_space<vmem>>
    %dma_start3A_94 = arith.constant 0 : i32
    %dma_start3A_95 = tpu.memref_slice %arg4[%dma_start3A_94, %mul3A_82] : memref<64x1000000xf32, #tpu.memory_space<hbm>> -> memref<64x128xf32, #tpu.memory_space<hbm>>
    tpu.enqueue_dma source(%dma_start3A_95 : memref<64x128xf32, #tpu.memory_space<hbm>>) target(%dma_start3A_93 : memref<64x128xf32, #tpu.memory_space<vmem>>) target_semaphore(%arg19 : memref<!tpu.dma_semaphore, #tpu.memory_space<semaphore_mem>>)
    %mul3A_96 = arith.constant 128 : i32
    %mul3A_97 = arith.muli %min3A_80, %mul3A_96 : i32
    %dma_start3A_98 = arith.constant 1 : i32
    %dma_start3A_99 = arith.constant 0 : i32
    %dma_start3A_100 = arith.constant 0 : i32
    %dma_start3A_101 = tpu.memref_slice %arg14[%dma_start3A_98, %dma_start3A_99, %dma_start3A_100] : memref<7x64x128xf32, #tpu.memory_space<vmem>> -> memref<1x64x128xf32, #tpu.memory_space<vmem>>
    %dma_start3A_102 = tpu.memref_squeeze %dma_start3A_101 : memref<1x64x128xf32, #tpu.memory_space<vmem>> -> memref<64x128xf32, #tpu.memory_space<vmem>>
    %dma_start3A_103 = arith.constant 0 : i32
    %dma_start3A_104 = tpu.memref_slice %arg5[%dma_start3A_103, %mul3A_97] : memref<64x1000000xf32, #tpu.memory_space<hbm>> -> memref<64x128xf32, #tpu.memory_space<hbm>>
    %dma_start3A_105 = arith.constant 0 : i32
    %dma_start3A_106 = arith.constant 0 : i32
    %dma_start3A_107 = tpu.memref_slice %arg14[%dma_start3A_98, %dma_start3A_105, %dma_start3A_106] : memref<7x64x128xf32, #tpu.memory_space<vmem>> -> memref<1x64x128xf32, #tpu.memory_space<vmem>>
    %dma_start3A_108 = tpu.memref_squeeze %dma_start3A_107 : memref<1x64x128xf32, #tpu.memory_space<vmem>> -> memref<64x128xf32, #tpu.memory_space<vmem>>
    %dma_start3A_109 = arith.constant 0 : i32
    %dma_start3A_110 = tpu.memref_slice %arg5[%dma_start3A_109, %mul3A_97] : memref<64x1000000xf32, #tpu.memory_space<hbm>> -> memref<64x128xf32, #tpu.memory_space<hbm>>
    tpu.enqueue_dma source(%dma_start3A_110 : memref<64x128xf32, #tpu.memory_space<hbm>>) target(%dma_start3A_108 : memref<64x128xf32, #tpu.memory_space<vmem>>) target_semaphore(%arg19 : memref<!tpu.dma_semaphore, #tpu.memory_space<semaphore_mem>>)
    %get3A_111 = arith.constant 2 : index
    %get3A_112 = tpu.vector_load %arg11[%get3A_111] {strides = array<i32>} : memref<528xi32, #tpu.memory_space<vmem>>, vector<16xi32>,
    %slice3A_113 = vector.extract_strided_slice %get3A_112 {offsets = [0], sizes = [1], strides = [1]} : vector<16xi32> to vector<1xi32>
    %squeeze3A_114 = vector.extract %slice3A_113[0] : i32 from vector<1xi32>
    %shift_right_arithmetic3A_115 = arith.constant 7 : i32
    %shift_right_arithmetic3A_116 = arith.shrsi %squeeze3A_114, %shift_right_arithmetic3A_115 : i32
    %min3A_117 = arith.constant 7811 : i32
    %min3A_118 = arith.minsi %shift_right_arithmetic3A_116, %min3A_117 : i32
    %get3A_119 = arith.constant 2 : index
    %get3A_120 = tpu.vector_load %arg12[%get3A_119] {strides = array<i32>} : memref<528xi32, #tpu.memory_space<vmem>>, vector<16xi32>,
    %slice3A_121 = vector.extract_strided_slice %get3A_120 {offsets = [0], sizes = [1], strides = [1]} : vector<16xi32> to vector<1xi32>
    %squeeze3A_122 = vector.extract %slice3A_121[0] : i32 from vector<1xi32>
    %shift_right_arithmetic3A_123 = arith.constant 7 : i32
    %shift_right_arithmetic3A_124 = arith.shrsi %squeeze3A_122, %shift_right_arithmetic3A_123 : i32
    %min3A_125 = arith.constant 7811 : i32
    %min3A_126 = arith.minsi %shift_right_arithmetic3A_124, %min3A_125 : i32
    %mul3A_127 = arith.constant 128 : i32
    %mul3A_128 = arith.muli %min3A_118, %mul3A_127 : i32
    %dma_start3A_129 = arith.constant 2 : i32
    %dma_start3A_130 = arith.constant 0 : i32
    %dma_start3A_131 = arith.constant 0 : i32
    %dma_start3A_132 = tpu.memref_slice %arg13[%dma_start3A_129, %dma_start3A_130, %dma_start3A_131] : memref<7x64x128xf32, #tpu.memory_space<vmem>> -> memref<1x64x128xf32, #tpu.memory_space<vmem>>
    %dma_start3A_133 = tpu.memref_squeeze %dma_start3A_132 : memref<1x64x128xf32, #tpu.memory_space<vmem>> -> memref<64x128xf32, #tpu.memory_space<vmem>>
    %dma_start3A_134 = arith.constant 0 : i32
    %dma_start3A_135 = tpu.memref_slice %arg4[%dma_start3A_134, %mul3A_128] : memref<64x1000000xf32, #tpu.memory_space<hbm>> -> memref<64x128xf32, #tpu.memory_space<hbm>>
    %dma_start3A_136 = arith.constant 0 : i32
    %dma_start3A_137 = arith.constant 0 : i32
    %dma_start3A_138 = tpu.memref_slice %arg13[%dma_start3A_129, %dma_start3A_136, %dma_start3A_137] : memref<7x64x128xf32, #tpu.memory_space<vmem>> -> memref<1x64x128xf32, #tpu.memory_space<vmem>>
    %dma_start3A_139 = tpu.memref_squeeze %dma_start3A_138 : memref<1x64x128xf32, #tpu.memory_space<vmem>> -> memref<64x128xf32, #tpu.memory_space<vmem>>
    %dma_start3A_140 = arith.constant 0 : i32
    %dma_start3A_141 = tpu.memref_slice %arg4[%dma_start3A_140, %mul3A_128] : memref<64x1000000xf32, #tpu.memory_space<hbm>> -> memref<64x128xf32, #tpu.memory_space<hbm>>
    tpu.enqueue_dma source(%dma_start3A_141 : memref<64x128xf32, #tpu.memory_space<hbm>>) target(%dma_start3A_139 : memref<64x128xf32, #tpu.memory_space<vmem>>) target_semaphore(%arg20 : memref<!tpu.dma_semaphore, #tpu.memory_space<semaphore_mem>>)
    %mul3A_142 = arith.constant 128 : i32
    %mul3A_143 = arith.muli %min3A_126, %mul3A_142 : i32
    %dma_start3A_144 = arith.constant 2 : i32
    %dma_start3A_145 = arith.constant 0 : i32
    %dma_start3A_146 = arith.constant 0 : i32
    %dma_start3A_147 = tpu.memref_slice %arg14[%dma_start3A_144, %dma_start3A_145, %dma_start3A_146] : memref<7x64x128xf32, #tpu.memory_space<vmem>> -> memref<1x64x128xf32, #tpu.memory_space<vmem>>
    %dma_start3A_148 = tpu.memref_squeeze %dma_start3A_147 : memref<1x64x128xf32, #tpu.memory_space<vmem>> -> memref<64x128xf32, #tpu.memory_space<vmem>>
    %dma_start3A_149 = arith.constant 0 : i32
    %dma_start3A_150 = tpu.memref_slice %arg5[%dma_start3A_149, %mul3A_143] : memref<64x1000000xf32, #tpu.memory_space<hbm>> -> memref<64x128xf32, #tpu.memory_space<hbm>>
    %dma_start3A_151 = arith.constant 0 : i32
    %dma_start3A_152 = arith.constant 0 : i32
    %dma_start3A_153 = tpu.memref_slice %arg14[%dma_start3A_144, %dma_start3A_151, %dma_start3A_152] : memref<7x64x128xf32, #tpu.memory_space<vmem>> -> memref<1x64x128xf32, #tpu.memory_space<vmem>>
    %dma_start3A_154 = tpu.memref_squeeze %dma_start3A_153 : memref<1x64x128xf32, #tpu.memory_space<vmem>> -> memref<64x128xf32, #tpu.memory_space<vmem>>
    %dma_start3A_155 = arith.constant 0 : i32
    %dma_start3A_156 = tpu.memref_slice %arg5[%dma_start3A_155, %mul3A_143] : memref<64x1000000xf32, #tpu.memory_space<hbm>> -> memref<64x128xf32, #tpu.memory_space<hbm>>
    tpu.enqueue_dma source(%dma_start3A_156 : memref<64x128xf32, #tpu.memory_space<hbm>>) target(%dma_start3A_154 : memref<64x128xf32, #tpu.memory_space<vmem>>) target_semaphore(%arg20 : memref<!tpu.dma_semaphore, #tpu.memory_space<semaphore_mem>>)
    %get3A_157 = arith.constant 3 : index
    %get3A_158 = tpu.vector_load %arg11[%get3A_157] {strides = array<i32>} : memref<528xi32, #tpu.memory_space<vmem>>, vector<16xi32>,
    %slice3A_159 = vector.extract_strided_slice %get3A_158 {offsets = [0], sizes = [1], strides = [1]} : vector<16xi32> to vector<1xi32>
    %squeeze3A_160 = vector.extract %slice3A_159[0] : i32 from vector<1xi32>
    %shift_right_arithmetic3A_161 = arith.constant 7 : i32
    %shift_right_arithmetic3A_162 = arith.shrsi %squeeze3A_160, %shift_right_arithmetic3A_161 : i32
    %min3A_163 = arith.constant 7811 : i32
    %min3A_164 = arith.minsi %shift_right_arithmetic3A_162, %min3A_163 : i32
    %get3A_165 = arith.constant 3 : index
    %get3A_166 = tpu.vector_load %arg12[%get3A_165] {strides = array<i32>} : memref<528xi32, #tpu.memory_space<vmem>>, vector<16xi32>,
    %slice3A_167 = vector.extract_strided_slice %get3A_166 {offsets = [0], sizes = [1], strides = [1]} : vector<16xi32> to vector<1xi32>
    %squeeze3A_168 = vector.extract %slice3A_167[0] : i32 from vector<1xi32>
    %shift_right_arithmetic3A_169 = arith.constant 7 : i32
    %shift_right_arithmetic3A_170 = arith.shrsi %squeeze3A_168, %shift_right_arithmetic3A_169 : i32
    %min3A_171 = arith.constant 7811 : i32
    %min3A_172 = arith.minsi %shift_right_arithmetic3A_170, %min3A_171 : i32
    %mul3A_173 = arith.constant 128 : i32
    %mul3A_174 = arith.muli %min3A_164, %mul3A_173 : i32
    %dma_start3A_175 = arith.constant 3 : i32
    %dma_start3A_176 = arith.constant 0 : i32
    %dma_start3A_177 = arith.constant 0 : i32
    %dma_start3A_178 = tpu.memref_slice %arg13[%dma_start3A_175, %dma_start3A_176, %dma_start3A_177] : memref<7x64x128xf32, #tpu.memory_space<vmem>> -> memref<1x64x128xf32, #tpu.memory_space<vmem>>
    %dma_start3A_179 = tpu.memref_squeeze %dma_start3A_178 : memref<1x64x128xf32, #tpu.memory_space<vmem>> -> memref<64x128xf32, #tpu.memory_space<vmem>>
    %dma_start3A_180 = arith.constant 0 : i32
    %dma_start3A_181 = tpu.memref_slice %arg4[%dma_start3A_180, %mul3A_174] : memref<64x1000000xf32, #tpu.memory_space<hbm>> -> memref<64x128xf32, #tpu.memory_space<hbm>>
    %dma_start3A_182 = arith.constant 0 : i32
    %dma_start3A_183 = arith.constant 0 : i32
    %dma_start3A_184 = tpu.memref_slice %arg13[%dma_start3A_175, %dma_start3A_182, %dma_start3A_183] : memref<7x64x128xf32, #tpu.memory_space<vmem>> -> memref<1x64x128xf32, #tpu.memory_space<vmem>>
    %dma_start3A_185 = tpu.memref_squeeze %dma_start3A_184 : memref<1x64x128xf32, #tpu.memory_space<vmem>> -> memref<64x128xf32, #tpu.memory_space<vmem>>
    %dma_start3A_186 = arith.constant 0 : i32
    %dma_start3A_187 = tpu.memref_slice %arg4[%dma_start3A_186, %mul3A_174] : memref<64x1000000xf32, #tpu.memory_space<hbm>> -> memref<64x128xf32, #tpu.memory_space<hbm>>
    tpu.enqueue_dma source(%dma_start3A_187 : memref<64x128xf32, #tpu.memory_space<hbm>>) target(%dma_start3A_185 : memref<64x128xf32, #tpu.memory_space<vmem>>) target_semaphore(%arg21 : memref<!tpu.dma_semaphore, #tpu.memory_space<semaphore_mem>>)
    %mul3A_188 = arith.constant 128 : i32
    %mul3A_189 = arith.muli %min3A_172, %mul3A_188 : i32
    %dma_start3A_190 = arith.constant 3 : i32
    %dma_start3A_191 = arith.constant 0 : i32
    %dma_start3A_192 = arith.constant 0 : i32
    %dma_start3A_193 = tpu.memref_slice %arg14[%dma_start3A_190, %dma_start3A_191, %dma_start3A_192] : memref<7x64x128xf32, #tpu.memory_space<vmem>> -> memref<1x64x128xf32, #tpu.memory_space<vmem>>
    %dma_start3A_194 = tpu.memref_squeeze %dma_start3A_193 : memref<1x64x128xf32, #tpu.memory_space<vmem>> -> memref<64x128xf32, #tpu.memory_space<vmem>>
    %dma_start3A_195 = arith.constant 0 : i32
    %dma_start3A_196 = tpu.memref_slice %arg5[%dma_start3A_195, %mul3A_189] : memref<64x1000000xf32, #tpu.memory_space<hbm>> -> memref<64x128xf32, #tpu.memory_space<hbm>>
    %dma_start3A_197 = arith.constant 0 : i32
    %dma_start3A_198 = arith.constant 0 : i32
    %dma_start3A_199 = tpu.memref_slice %arg14[%dma_start3A_190, %dma_start3A_197, %dma_start3A_198] : memref<7x64x128xf32, #tpu.memory_space<vmem>> -> memref<1x64x128xf32, #tpu.memory_space<vmem>>
    %dma_start3A_200 = tpu.memref_squeeze %dma_start3A_199 : memref<1x64x128xf32, #tpu.memory_space<vmem>> -> memref<64x128xf32, #tpu.memory_space<vmem>>
    %dma_start3A_201 = arith.constant 0 : i32
    %dma_start3A_202 = tpu.memref_slice %arg5[%dma_start3A_201, %mul3A_189] : memref<64x1000000xf32, #tpu.memory_space<hbm>> -> memref<64x128xf32, #tpu.memory_space<hbm>>
    tpu.enqueue_dma source(%dma_start3A_202 : memref<64x128xf32, #tpu.memory_space<hbm>>) target(%dma_start3A_200 : memref<64x128xf32, #tpu.memory_space<vmem>>) target_semaphore(%arg21 : memref<!tpu.dma_semaphore, #tpu.memory_space<semaphore_mem>>)
    %get3A_203 = arith.constant 4 : index
    %get3A_204 = tpu.vector_load %arg11[%get3A_203] {strides = array<i32>} : memref<528xi32, #tpu.memory_space<vmem>>, vector<16xi32>,
    %slice3A_205 = vector.extract_strided_slice %get3A_204 {offsets = [0], sizes = [1], strides = [1]} : vector<16xi32> to vector<1xi32>
    %squeeze3A_206 = vector.extract %slice3A_205[0] : i32 from vector<1xi32>
    %shift_right_arithmetic3A_207 = arith.constant 7 : i32
    %shift_right_arithmetic3A_208 = arith.shrsi %squeeze3A_206, %shift_right_arithmetic3A_207 : i32
    %min3A_209 = arith.constant 7811 : i32
    %min3A_210 = arith.minsi %shift_right_arithmetic3A_208, %min3A_209 : i32
    %get3A_211 = arith.constant 4 : index
    %get3A_212 = tpu.vector_load %arg12[%get3A_211] {strides = array<i32>} : memref<528xi32, #tpu.memory_space<vmem>>, vector<16xi32>,
    %slice3A_213 = vector.extract_strided_slice %get3A_212 {offsets = [0], sizes = [1], strides = [1]} : vector<16xi32> to vector<1xi32>
    %squeeze3A_214 = vector.extract %slice3A_213[0] : i32 from vector<1xi32>
    %shift_right_arithmetic3A_215 = arith.constant 7 : i32
    %shift_right_arithmetic3A_216 = arith.shrsi %squeeze3A_214, %shift_right_arithmetic3A_215 : i32
    %min3A_217 = arith.constant 7811 : i32
    %min3A_218 = arith.minsi %shift_right_arithmetic3A_216, %min3A_217 : i32
    %mul3A_219 = arith.constant 128 : i32
    %mul3A_220 = arith.muli %min3A_210, %mul3A_219 : i32
    %dma_start3A_221 = arith.constant 4 : i32
    %dma_start3A_222 = arith.constant 0 : i32
    %dma_start3A_223 = arith.constant 0 : i32
    %dma_start3A_224 = tpu.memref_slice %arg13[%dma_start3A_221, %dma_start3A_222, %dma_start3A_223] : memref<7x64x128xf32, #tpu.memory_space<vmem>> -> memref<1x64x128xf32, #tpu.memory_space<vmem>>
    %dma_start3A_225 = tpu.memref_squeeze %dma_start3A_224 : memref<1x64x128xf32, #tpu.memory_space<vmem>> -> memref<64x128xf32, #tpu.memory_space<vmem>>
    %dma_start3A_226 = arith.constant 0 : i32
    %dma_start3A_227 = tpu.memref_slice %arg4[%dma_start3A_226, %mul3A_220] : memref<64x1000000xf32, #tpu.memory_space<hbm>> -> memref<64x128xf32, #tpu.memory_space<hbm>>
    %dma_start3A_228 = arith.constant 0 : i32
    %dma_start3A_229 = arith.constant 0 : i32
    %dma_start3A_230 = tpu.memref_slice %arg13[%dma_start3A_221, %dma_start3A_228, %dma_start3A_229] : memref<7x64x128xf32, #tpu.memory_space<vmem>> -> memref<1x64x128xf32, #tpu.memory_space<vmem>>
    %dma_start3A_231 = tpu.memref_squeeze %dma_start3A_230 : memref<1x64x128xf32, #tpu.memory_space<vmem>> -> memref<64x128xf32, #tpu.memory_space<vmem>>
    %dma_start3A_232 = arith.constant 0 : i32
    %dma_start3A_233 = tpu.memref_slice %arg4[%dma_start3A_232, %mul3A_220] : memref<64x1000000xf32, #tpu.memory_space<hbm>> -> memref<64x128xf32, #tpu.memory_space<hbm>>
    tpu.enqueue_dma source(%dma_start3A_233 : memref<64x128xf32, #tpu.memory_space<hbm>>) target(%dma_start3A_231 : memref<64x128xf32, #tpu.memory_space<vmem>>) target_semaphore(%arg22 : memref<!tpu.dma_semaphore, #tpu.memory_space<semaphore_mem>>)
    %mul3A_234 = arith.constant 128 : i32
    %mul3A_235 = arith.muli %min3A_218, %mul3A_234 : i32
    %dma_start3A_236 = arith.constant 4 : i32
    %dma_start3A_237 = arith.constant 0 : i32
    %dma_start3A_238 = arith.constant 0 : i32
    %dma_start3A_239 = tpu.memref_slice %arg14[%dma_start3A_236, %dma_start3A_237, %dma_start3A_238] : memref<7x64x128xf32, #tpu.memory_space<vmem>> -> memref<1x64x128xf32, #tpu.memory_space<vmem>>
    %dma_start3A_240 = tpu.memref_squeeze %dma_start3A_239 : memref<1x64x128xf32, #tpu.memory_space<vmem>> -> memref<64x128xf32, #tpu.memory_space<vmem>>
    %dma_start3A_241 = arith.constant 0 : i32
    %dma_start3A_242 = tpu.memref_slice %arg5[%dma_start3A_241, %mul3A_235] : memref<64x1000000xf32, #tpu.memory_space<hbm>> -> memref<64x128xf32, #tpu.memory_space<hbm>>
    %dma_start3A_243 = arith.constant 0 : i32
    %dma_start3A_244 = arith.constant 0 : i32
    %dma_start3A_245 = tpu.memref_slice %arg14[%dma_start3A_236, %dma_start3A_243, %dma_start3A_244] : memref<7x64x128xf32, #tpu.memory_space<vmem>> -> memref<1x64x128xf32, #tpu.memory_space<vmem>>
    %dma_start3A_246 = tpu.memref_squeeze %dma_start3A_245 : memref<1x64x128xf32, #tpu.memory_space<vmem>> -> memref<64x128xf32, #tpu.memory_space<vmem>>
    %dma_start3A_247 = arith.constant 0 : i32
    %dma_start3A_248 = tpu.memref_slice %arg5[%dma_start3A_247, %mul3A_235] : memref<64x1000000xf32, #tpu.memory_space<hbm>> -> memref<64x128xf32, #tpu.memory_space<hbm>>
    tpu.enqueue_dma source(%dma_start3A_248 : memref<64x128xf32, #tpu.memory_space<hbm>>) target(%dma_start3A_246 : memref<64x128xf32, #tpu.memory_space<vmem>>) target_semaphore(%arg22 : memref<!tpu.dma_semaphore, #tpu.memory_space<semaphore_mem>>)
    %get3A_249 = arith.constant 5 : index
    %get3A_250 = tpu.vector_load %arg11[%get3A_249] {strides = array<i32>} : memref<528xi32, #tpu.memory_space<vmem>>, vector<16xi32>,
    %slice3A_251 = vector.extract_strided_slice %get3A_250 {offsets = [0], sizes = [1], strides = [1]} : vector<16xi32> to vector<1xi32>
    %squeeze3A_252 = vector.extract %slice3A_251[0] : i32 from vector<1xi32>
    %shift_right_arithmetic3A_253 = arith.constant 7 : i32
    %shift_right_arithmetic3A_254 = arith.shrsi %squeeze3A_252, %shift_right_arithmetic3A_253 : i32
    %min3A_255 = arith.constant 7811 : i32
    %min3A_256 = arith.minsi %shift_right_arithmetic3A_254, %min3A_255 : i32
    %get3A_257 = arith.constant 5 : index
    %get3A_258 = tpu.vector_load %arg12[%get3A_257] {strides = array<i32>} : memref<528xi32, #tpu.memory_space<vmem>>, vector<16xi32>,
    %slice3A_259 = vector.extract_strided_slice %get3A_258 {offsets = [0], sizes = [1], strides = [1]} : vector<16xi32> to vector<1xi32>
    %squeeze3A_260 = vector.extract %slice3A_259[0] : i32 from vector<1xi32>
    %shift_right_arithmetic3A_261 = arith.constant 7 : i32
    %shift_right_arithmetic3A_262 = arith.shrsi %squeeze3A_260, %shift_right_arithmetic3A_261 : i32
    %min3A_263 = arith.constant 7811 : i32
    %min3A_264 = arith.minsi %shift_right_arithmetic3A_262, %min3A_263 : i32
    %mul3A_265 = arith.constant 128 : i32
    %mul3A_266 = arith.muli %min3A_256, %mul3A_265 : i32
    %dma_start3A_267 = arith.constant 5 : i32
    %dma_start3A_268 = arith.constant 0 : i32
    %dma_start3A_269 = arith.constant 0 : i32
    %dma_start3A_270 = tpu.memref_slice %arg13[%dma_start3A_267, %dma_start3A_268, %dma_start3A_269] : memref<7x64x128xf32, #tpu.memory_space<vmem>> -> memref<1x64x128xf32, #tpu.memory_space<vmem>>
    %dma_start3A_271 = tpu.memref_squeeze %dma_start3A_270 : memref<1x64x128xf32, #tpu.memory_space<vmem>> -> memref<64x128xf32, #tpu.memory_space<vmem>>
    %dma_start3A_272 = arith.constant 0 : i32
    %dma_start3A_273 = tpu.memref_slice %arg4[%dma_start3A_272, %mul3A_266] : memref<64x1000000xf32, #tpu.memory_space<hbm>> -> memref<64x128xf32, #tpu.memory_space<hbm>>
    %dma_start3A_274 = arith.constant 0 : i32
    %dma_start3A_275 = arith.constant 0 : i32
    %dma_start3A_276 = tpu.memref_slice %arg13[%dma_start3A_267, %dma_start3A_274, %dma_start3A_275] : memref<7x64x128xf32, #tpu.memory_space<vmem>> -> memref<1x64x128xf32, #tpu.memory_space<vmem>>
    %dma_start3A_277 = tpu.memref_squeeze %dma_start3A_276 : memref<1x64x128xf32, #tpu.memory_space<vmem>> -> memref<64x128xf32, #tpu.memory_space<vmem>>
    %dma_start3A_278 = arith.constant 0 : i32
    %dma_start3A_279 = tpu.memref_slice %arg4[%dma_start3A_278, %mul3A_266] : memref<64x1000000xf32, #tpu.memory_space<hbm>> -> memref<64x128xf32, #tpu.memory_space<hbm>>
    tpu.enqueue_dma source(%dma_start3A_279 : memref<64x128xf32, #tpu.memory_space<hbm>>) target(%dma_start3A_277 : memref<64x128xf32, #tpu.memory_space<vmem>>) target_semaphore(%arg23 : memref<!tpu.dma_semaphore, #tpu.memory_space<semaphore_mem>>)
    %mul3A_280 = arith.constant 128 : i32
    %mul3A_281 = arith.muli %min3A_264, %mul3A_280 : i32
    %dma_start3A_282 = arith.constant 5 : i32
    %dma_start3A_283 = arith.constant 0 : i32
    %dma_start3A_284 = arith.constant 0 : i32
    %dma_start3A_285 = tpu.memref_slice %arg14[%dma_start3A_282, %dma_start3A_283, %dma_start3A_284] : memref<7x64x128xf32, #tpu.memory_space<vmem>> -> memref<1x64x128xf32, #tpu.memory_space<vmem>>
    %dma_start3A_286 = tpu.memref_squeeze %dma_start3A_285 : memref<1x64x128xf32, #tpu.memory_space<vmem>> -> memref<64x128xf32, #tpu.memory_space<vmem>>
    %dma_start3A_287 = arith.constant 0 : i32
    %dma_start3A_288 = tpu.memref_slice %arg5[%dma_start3A_287, %mul3A_281] : memref<64x1000000xf32, #tpu.memory_space<hbm>> -> memref<64x128xf32, #tpu.memory_space<hbm>>
    %dma_start3A_289 = arith.constant 0 : i32
    %dma_start3A_290 = arith.constant 0 : i32
    %dma_start3A_291 = tpu.memref_slice %arg14[%dma_start3A_282, %dma_start3A_289, %dma_start3A_290] : memref<7x64x128xf32, #tpu.memory_space<vmem>> -> memref<1x64x128xf32, #tpu.memory_space<vmem>>
    %dma_start3A_292 = tpu.memref_squeeze %dma_start3A_291 : memref<1x64x128xf32, #tpu.memory_space<vmem>> -> memref<64x128xf32, #tpu.memory_space<vmem>>
    %dma_start3A_293 = arith.constant 0 : i32
    %dma_start3A_294 = tpu.memref_slice %arg5[%dma_start3A_293, %mul3A_281] : memref<64x1000000xf32, #tpu.memory_space<hbm>> -> memref<64x128xf32, #tpu.memory_space<hbm>>
    tpu.enqueue_dma source(%dma_start3A_294 : memref<64x128xf32, #tpu.memory_space<hbm>>) target(%dma_start3A_292 : memref<64x128xf32, #tpu.memory_space<vmem>>) target_semaphore(%arg23 : memref<!tpu.dma_semaphore, #tpu.memory_space<semaphore_mem>>)
    %scan3A = arith.constant 0 : i32
    %scan3A_295 = arith.constant 0 : i32
    %scan3A_296 = arith.constant 86 : i32
    %scan3A_297 = arith.addi %scan3A_295, %scan3A_296 : i32
    %scan3A_298 = arith.constant 1 : i32
    scf.for %scan3A_479 = %scan3A_295 to %scan3A_297 step %scan3A_298  : i32 {
      %mul3A_480 = arith.constant 6 : i32
      %mul3A_481 = arith.muli %mul3A_480, %scan3A_479 : i32
      %add3A_482 = arith.constant 0 : i32
      %add3A_483 = arith.addi %mul3A_481, %add3A_482 : i32
      %min3A_484 = arith.constant 511 : i32
      %min3A_485 = arith.minsi %add3A_483, %min3A_484 : i32
      %dma_wait3A_486 = arith.constant 0 : i32
      %dma_wait3A_487 = arith.constant 0 : i32
      %dma_wait3A_488 = arith.constant 0 : i32
      %dma_wait3A_489 = tpu.memref_slice %arg13[%dma_wait3A_486, %dma_wait3A_487, %dma_wait3A_488] : memref<7x64x128xf32, #tpu.memory_space<vmem>> -> memref<1x64x128xf32, #tpu.memory_space<vmem>>
      %dma_wait3A_490 = tpu.memref_squeeze %dma_wait3A_489 : memref<1x64x128xf32, #tpu.memory_space<vmem>> -> memref<64x128xf32, #tpu.memory_space<vmem>>
      %dma_wait3A_491 = arith.constant 0 : i32
      %dma_wait3A_492 = arith.constant 0 : i32
      %dma_wait3A_493 = tpu.memref_slice %arg4[%dma_wait3A_491, %dma_wait3A_492] : memref<64x1000000xf32, #tpu.memory_space<hbm>> -> memref<64x128xf32, #tpu.memory_space<hbm>>
      %dma_wait3A_494 = arith.constant 0 : i32
      %dma_wait3A_495 = arith.constant 0 : i32
      %dma_wait3A_496 = tpu.memref_slice %arg13[%dma_wait3A_486, %dma_wait3A_494, %dma_wait3A_495] : memref<7x64x128xf32, #tpu.memory_space<vmem>> -> memref<1x64x128xf32, #tpu.memory_space<vmem>>
      %dma_wait3A_497 = tpu.memref_squeeze %dma_wait3A_496 : memref<1x64x128xf32, #tpu.memory_space<vmem>> -> memref<64x128xf32, #tpu.memory_space<vmem>>
      %dma_wait3A_498 = arith.constant 0 : i32
      %dma_wait3A_499 = arith.constant 0 : i32
      %dma_wait3A_500 = tpu.memref_slice %arg4[%dma_wait3A_498, %dma_wait3A_499] : memref<64x1000000xf32, #tpu.memory_space<hbm>> -> memref<64x128xf32, #tpu.memory_space<hbm>>
      tpu.wait_dma2 semaphore(%arg18 : memref<!tpu.dma_semaphore, #tpu.memory_space<semaphore_mem>>) src(%dma_wait3A_500 : memref<64x128xf32, #tpu.memory_space<hbm>>) dst(%dma_wait3A_497 : memref<64x128xf32, #tpu.memory_space<vmem>>)
      %dma_wait3A_501 = arith.constant 0 : i32
      %dma_wait3A_502 = arith.constant 0 : i32
      %dma_wait3A_503 = arith.constant 0 : i32
      %dma_wait3A_504 = tpu.memref_slice %arg14[%dma_wait3A_501, %dma_wait3A_502, %dma_wait3A_503] : memref<7x64x128xf32, #tpu.memory_space<vmem>> -> memref<1x64x128xf32, #tpu.memory_space<vmem>>
      %dma_wait3A_505 = tpu.memref_squeeze %dma_wait3A_504 : memref<1x64x128xf32, #tpu.memory_space<vmem>> -> memref<64x128xf32, #tpu.memory_space<vmem>>
      %dma_wait3A_506 = arith.constant 0 : i32
      %dma_wait3A_507 = arith.constant 0 : i32
      %dma_wait3A_508 = tpu.memref_slice %arg4[%dma_wait3A_506, %dma_wait3A_507] : memref<64x1000000xf32, #tpu.memory_space<hbm>> -> memref<64x128xf32, #tpu.memory_space<hbm>>
      %dma_wait3A_509 = arith.constant 0 : i32
      %dma_wait3A_510 = arith.constant 0 : i32
      %dma_wait3A_511 = tpu.memref_slice %arg14[%dma_wait3A_501, %dma_wait3A_509, %dma_wait3A_510] : memref<7x64x128xf32, #tpu.memory_space<vmem>> -> memref<1x64x128xf32, #tpu.memory_space<vmem>>
      %dma_wait3A_512 = tpu.memref_squeeze %dma_wait3A_511 : memref<1x64x128xf32, #tpu.memory_space<vmem>> -> memref<64x128xf32, #tpu.memory_space<vmem>>
      %dma_wait3A_513 = arith.constant 0 : i32
      %dma_wait3A_514 = arith.constant 0 : i32
      %dma_wait3A_515 = tpu.memref_slice %arg4[%dma_wait3A_513, %dma_wait3A_514] : memref<64x1000000xf32, #tpu.memory_space<hbm>> -> memref<64x128xf32, #tpu.memory_space<hbm>>
      tpu.wait_dma2 semaphore(%arg18 : memref<!tpu.dma_semaphore, #tpu.memory_space<semaphore_mem>>) src(%dma_wait3A_515 : memref<64x128xf32, #tpu.memory_space<hbm>>) dst(%dma_wait3A_512 : memref<64x128xf32, #tpu.memory_space<vmem>>)
      %get3A_516 = arith.index_cast %min3A_485 : i32 to index
      %get3A_517 = tpu.vector_load %arg11[%get3A_516] {strides = array<i32>} : memref<528xi32, #tpu.memory_space<vmem>>, vector<16xi32>,
      %slice3A_518 = vector.extract_strided_slice %get3A_517 {offsets = [0], sizes = [1], strides = [1]} : vector<16xi32> to vector<1xi32>
      %squeeze3A_519 = vector.extract %slice3A_518[0] : i32 from vector<1xi32>
      %get3A_520 = arith.index_cast %min3A_485 : i32 to index
      %get3A_521 = tpu.vector_load %arg12[%get3A_520] {strides = array<i32>} : memref<528xi32, #tpu.memory_space<vmem>>, vector<16xi32>,
      %slice3A_522 = vector.extract_strided_slice %get3A_521 {offsets = [0], sizes = [1], strides = [1]} : vector<16xi32> to vector<1xi32>
      %squeeze3A_523 = vector.extract %slice3A_522[0] : i32 from vector<1xi32>
      %ge3A = arith.constant 999936 : i32
      %ge3A_524 = arith.cmpi sge, %squeeze3A_519, %ge3A : i32
      %jit3A = arith.constant 6 : i32
      %jit3A_525 = arith.constant 0 : i32
      %select_n3A = arith.select %ge3A_524, %jit3A, %jit3A_525 : i32
      %broadcast_in_dim3A = vector.broadcast %select_n3A : i32 to vector<16xi32>
      %ge3A_526 = arith.constant 999936 : i32
      %ge3A_527 = arith.cmpi sge, %squeeze3A_523, %ge3A_526 : i32
      %jit3A_528 = arith.constant 6 : i32
      %jit3A_529 = arith.constant 0 : i32
      %select_n3A_530 = arith.select %ge3A_527, %jit3A_528, %jit3A_529 : i32
      %broadcast_in_dim3A_531 = vector.broadcast %select_n3A_530 : i32 to vector<16xi32>
      %and3A = arith.constant 127 : i32
      %and3A_532 = arith.andi %squeeze3A_519, %and3A : i32
      %broadcast_in_dim3A_533 = vector.broadcast %and3A_532 : i32 to vector<16xi32>
      %and3A_534 = arith.constant 127 : i32
      %and3A_535 = arith.andi %squeeze3A_523, %and3A_534 : i32
      %broadcast_in_dim3A_536 = vector.broadcast %and3A_535 : i32 to vector<16xi32>
      %add3A_537 = arith.constant 0 : i32
      %add3A_538 = vector.broadcast %add3A_537 : i32 to vector<16xi32>
      %add3A_539 = arith.addi %add3A_538, %iota3A : vector<16xi32>
      %gather3A = tpu.vector_load_idx %arg13[%broadcast_in_dim3A, %add3A_539, %broadcast_in_dim3A_533] : memref<7x64x128xf32, #tpu.memory_space<vmem>>[vector<16xi32>, vector<16xi32>, vector<16xi32>], vector<16xf32>,
      %gather3A_540 = tpu.vector_load_idx %arg14[%broadcast_in_dim3A_531, %add3A_539, %broadcast_in_dim3A_536] : memref<7x64x128xf32, #tpu.memory_space<vmem>>[vector<16xi32>, vector<16xi32>, vector<16xi32>], vector<16xf32>,
      %mul3A_541 = arith.mulf %gather3A, %gather3A_540 : vector<16xf32>
      %mul3A_542 = arith.mulf %mul3A_541, %get3A_15 : vector<16xf32>
      %add3A_543 = arith.addf %get3A_23, %mul3A_542 : vector<16xf32>
      %add3A_544 = arith.constant 16 : i32
      %add3A_545 = vector.broadcast %add3A_544 : i32 to vector<16xi32>
      %add3A_546 = arith.addi %add3A_545, %iota3A : vector<16xi32>
      %gather3A_547 = tpu.vector_load_idx %arg13[%broadcast_in_dim3A, %add3A_546, %broadcast_in_dim3A_533] : memref<7x64x128xf32, #tpu.memory_space<vmem>>[vector<16xi32>, vector<16xi32>, vector<16xi32>], vector<16xf32>,
      %gather3A_548 = tpu.vector_load_idx %arg14[%broadcast_in_dim3A_531, %add3A_546, %broadcast_in_dim3A_536] : memref<7x64x128xf32, #tpu.memory_space<vmem>>[vector<16xi32>, vector<16xi32>, vector<16xi32>], vector<16xf32>,
      %mul3A_549 = arith.mulf %gather3A_547, %gather3A_548 : vector<16xf32>
      %mul3A_550 = arith.mulf %mul3A_549, %get3A_17 : vector<16xf32>
      %add3A_551 = arith.addf %add3A_543, %mul3A_550 : vector<16xf32>
      %add3A_552 = arith.constant 32 : i32
      %add3A_553 = vector.broadcast %add3A_552 : i32 to vector<16xi32>
      %add3A_554 = arith.addi %add3A_553, %iota3A : vector<16xi32>
      %gather3A_555 = tpu.vector_load_idx %arg13[%broadcast_in_dim3A, %add3A_554, %broadcast_in_dim3A_533] : memref<7x64x128xf32, #tpu.memory_space<vmem>>[vector<16xi32>, vector<16xi32>, vector<16xi32>], vector<16xf32>,
      %gather3A_556 = tpu.vector_load_idx %arg14[%broadcast_in_dim3A_531, %add3A_554, %broadcast_in_dim3A_536] : memref<7x64x128xf32, #tpu.memory_space<vmem>>[vector<16xi32>, vector<16xi32>, vector<16xi32>], vector<16xf32>,
      %mul3A_557 = arith.mulf %gather3A_555, %gather3A_556 : vector<16xf32>
      %mul3A_558 = arith.mulf %mul3A_557, %get3A_19 : vector<16xf32>
      %add3A_559 = arith.addf %add3A_551, %mul3A_558 : vector<16xf32>
      %add3A_560 = arith.constant 48 : i32
      %add3A_561 = vector.broadcast %add3A_560 : i32 to vector<16xi32>
      %add3A_562 = arith.addi %add3A_561, %iota3A : vector<16xi32>
      %gather3A_563 = tpu.vector_load_idx %arg13[%broadcast_in_dim3A, %add3A_562, %broadcast_in_dim3A_533] : memref<7x64x128xf32, #tpu.memory_space<vmem>>[vector<16xi32>, vector<16xi32>, vector<16xi32>], vector<16xf32>,
      %gather3A_564 = tpu.vector_load_idx %arg14[%broadcast_in_dim3A_531, %add3A_562, %broadcast_in_dim3A_536] : memref<7x64x128xf32, #tpu.memory_space<vmem>>[vector<16xi32>, vector<16xi32>, vector<16xi32>], vector<16xf32>,
      %mul3A_565 = arith.mulf %gather3A_563, %gather3A_564 : vector<16xf32>
      %mul3A_566 = arith.mulf %mul3A_565, %get3A_21 : vector<16xf32>
      %add3A_567 = arith.addf %add3A_559, %mul3A_566 : vector<16xf32>
      %broadcast_in_dim3A_568 = vector.shape_cast %xor3A_5 : vector<16xi32> to vector<16x1xi32>
      %gather3A_569 = vector.shape_cast %broadcast_in_dim3A_568 : vector<16x1xi32> to vector<16xi32>
      %gather3A_570 = tpu.dynamic_gather %add3A_567[%gather3A_569] in [0] : vector<16xf32>, vector<16xi32> -> vector<16xf32>
      %add3A_571 = arith.addf %add3A_567, %gather3A_570 : vector<16xf32>
      %broadcast_in_dim3A_572 = vector.shape_cast %xor3A_8 : vector<16xi32> to vector<16x1xi32>
      %gather3A_573 = vector.shape_cast %broadcast_in_dim3A_572 : vector<16x1xi32> to vector<16xi32>
      %gather3A_574 = tpu.dynamic_gather %add3A_571[%gather3A_573] in [0] : vector<16xf32>, vector<16xi32> -> vector<16xf32>
      %add3A_575 = arith.addf %add3A_571, %gather3A_574 : vector<16xf32>
      %broadcast_in_dim3A_576 = vector.shape_cast %xor3A_11 : vector<16xi32> to vector<16x1xi32>
      %gather3A_577 = vector.shape_cast %broadcast_in_dim3A_576 : vector<16x1xi32> to vector<16xi32>
      %gather3A_578 = tpu.dynamic_gather %add3A_575[%gather3A_577] in [0] : vector<16xf32>, vector<16xi32> -> vector<16xf32>
      %add3A_579 = arith.addf %add3A_575, %gather3A_578 : vector<16xf32>
      %broadcast_in_dim3A_580 = vector.shape_cast %xor3A_14 : vector<16xi32> to vector<16x1xi32>
      %gather3A_581 = vector.shape_cast %broadcast_in_dim3A_580 : vector<16x1xi32> to vector<16xi32>
      %gather3A_582 = tpu.dynamic_gather %add3A_579[%gather3A_581] in [0] : vector<16xf32>, vector<16xi32> -> vector<16xf32>
      %add3A_583 = arith.addf %add3A_579, %gather3A_582 : vector<16xf32>
      %add3A_584 = arith.constant 0 : i32
      %add3A_585 = arith.addi %mul3A_481, %add3A_584 : i32
      %add3A_586 = arith.constant 6 : i32
      %add3A_587 = arith.addi %add3A_585, %add3A_586 : i32
      %min3A_588 = arith.constant 511 : i32
      %min3A_589 = arith.minsi %add3A_587, %min3A_588 : i32
      %get3A_590 = arith.index_cast %min3A_589 : i32 to index
      %get3A_591 = tpu.vector_load %arg11[%get3A_590] {strides = array<i32>} : memref<528xi32, #tpu.memory_space<vmem>>, vector<16xi32>,
      %slice3A_592 = vector.extract_strided_slice %get3A_591 {offsets = [0], sizes = [1], strides = [1]} : vector<16xi32> to vector<1xi32>
      %squeeze3A_593 = vector.extract %slice3A_592[0] : i32 from vector<1xi32>
      %shift_right_arithmetic3A_594 = arith.constant 7 : i32
      %shift_right_arithmetic3A_595 = arith.shrsi %squeeze3A_593, %shift_right_arithmetic3A_594 : i32
      %min3A_596 = arith.constant 7811 : i32
      %min3A_597 = arith.minsi %shift_right_arithmetic3A_595, %min3A_596 : i32
      %get3A_598 = arith.index_cast %min3A_589 : i32 to index
      %get3A_599 = tpu.vector_load %arg12[%get3A_598] {strides = array<i32>} : memref<528xi32, #tpu.memory_space<vmem>>, vector<16xi32>,
      %slice3A_600 = vector.extract_strided_slice %get3A_599 {offsets = [0], sizes = [1], strides = [1]} : vector<16xi32> to vector<1xi32>
      %squeeze3A_601 = vector.extract %slice3A_600[0] : i32 from vector<1xi32>
      %shift_right_arithmetic3A_602 = arith.constant 7 : i32
      %shift_right_arithmetic3A_603 = arith.shrsi %squeeze3A_601, %shift_right_arithmetic3A_602 : i32
      %min3A_604 = arith.constant 7811 : i32
      %min3A_605 = arith.minsi %shift_right_arithmetic3A_603, %min3A_604 : i32
      %mul3A_606 = arith.constant 128 : i32
      %mul3A_607 = arith.muli %min3A_597, %mul3A_606 : i32
      %dma_start3A_608 = arith.constant 0 : i32
      %dma_start3A_609 = arith.constant 0 : i32
      %dma_start3A_610 = arith.constant 0 : i32
      %dma_start3A_611 = tpu.memref_slice %arg13[%dma_start3A_608, %dma_start3A_609, %dma_start3A_610] : memref<7x64x128xf32, #tpu.memory_space<vmem>> -> memref<1x64x128xf32, #tpu.memory_space<vmem>>
      %dma_start3A_612 = tpu.memref_squeeze %dma_start3A_611 : memref<1x64x128xf32, #tpu.memory_space<vmem>> -> memref<64x128xf32, #tpu.memory_space<vmem>>
      %dma_start3A_613 = arith.constant 0 : i32
      %dma_start3A_614 = tpu.memref_slice %arg4[%dma_start3A_613, %mul3A_607] : memref<64x1000000xf32, #tpu.memory_space<hbm>> -> memref<64x128xf32, #tpu.memory_space<hbm>>
      %dma_start3A_615 = arith.constant 0 : i32
      %dma_start3A_616 = arith.constant 0 : i32
      %dma_start3A_617 = tpu.memref_slice %arg13[%dma_start3A_608, %dma_start3A_615, %dma_start3A_616] : memref<7x64x128xf32, #tpu.memory_space<vmem>> -> memref<1x64x128xf32, #tpu.memory_space<vmem>>
      %dma_start3A_618 = tpu.memref_squeeze %dma_start3A_617 : memref<1x64x128xf32, #tpu.memory_space<vmem>> -> memref<64x128xf32, #tpu.memory_space<vmem>>
      %dma_start3A_619 = arith.constant 0 : i32
      %dma_start3A_620 = tpu.memref_slice %arg4[%dma_start3A_619, %mul3A_607] : memref<64x1000000xf32, #tpu.memory_space<hbm>> -> memref<64x128xf32, #tpu.memory_space<hbm>>
      tpu.enqueue_dma source(%dma_start3A_620 : memref<64x128xf32, #tpu.memory_space<hbm>>) target(%dma_start3A_618 : memref<64x128xf32, #tpu.memory_space<vmem>>) target_semaphore(%arg18 : memref<!tpu.dma_semaphore, #tpu.memory_space<semaphore_mem>>)
      %mul3A_621 = arith.constant 128 : i32
      %mul3A_622 = arith.muli %min3A_605, %mul3A_621 : i32
      %dma_start3A_623 = arith.constant 0 : i32
      %dma_start3A_624 = arith.constant 0 : i32
      %dma_start3A_625 = arith.constant 0 : i32
      %dma_start3A_626 = tpu.memref_slice %arg14[%dma_start3A_623, %dma_start3A_624, %dma_start3A_625] : memref<7x64x128xf32, #tpu.memory_space<vmem>> -> memref<1x64x128xf32, #tpu.memory_space<vmem>>
      %dma_start3A_627 = tpu.memref_squeeze %dma_start3A_626 : memref<1x64x128xf32, #tpu.memory_space<vmem>> -> memref<64x128xf32, #tpu.memory_space<vmem>>
      %dma_start3A_628 = arith.constant 0 : i32
      %dma_start3A_629 = tpu.memref_slice %arg5[%dma_start3A_628, %mul3A_622] : memref<64x1000000xf32, #tpu.memory_space<hbm>> -> memref<64x128xf32, #tpu.memory_space<hbm>>
      %dma_start3A_630 = arith.constant 0 : i32
      %dma_start3A_631 = arith.constant 0 : i32
      %dma_start3A_632 = tpu.memref_slice %arg14[%dma_start3A_623, %dma_start3A_630, %dma_start3A_631] : memref<7x64x128xf32, #tpu.memory_space<vmem>> -> memref<1x64x128xf32, #tpu.memory_space<vmem>>
      %dma_start3A_633 = tpu.memref_squeeze %dma_start3A_632 : memref<1x64x128xf32, #tpu.memory_space<vmem>> -> memref<64x128xf32, #tpu.memory_space<vmem>>
      %dma_start3A_634 = arith.constant 0 : i32
      %dma_start3A_635 = tpu.memref_slice %arg5[%dma_start3A_634, %mul3A_622] : memref<64x1000000xf32, #tpu.memory_space<hbm>> -> memref<64x128xf32, #tpu.memory_space<hbm>>
      tpu.enqueue_dma source(%dma_start3A_635 : memref<64x128xf32, #tpu.memory_space<hbm>>) target(%dma_start3A_633 : memref<64x128xf32, #tpu.memory_space<vmem>>) target_semaphore(%arg18 : memref<!tpu.dma_semaphore, #tpu.memory_space<semaphore_mem>>)
      %broadcast_in_dim3A_636 = vector.broadcast %min3A_485 : i32 to vector<16xi32>
      %eq3A = arith.constant 0 : i32
      %eq3A_637 = vector.broadcast %eq3A : i32 to vector<16xi32>
      %eq3A_638 = arith.cmpi eq, %iota3A, %eq3A_637 : vector<16xi32>
      tpu.vector_store_idx %arg15[%broadcast_in_dim3A_636], %add3A_583 masked %eq3A_638 : memref<512xf32, #tpu.memory_space<vmem>>[vector<16xi32>], vector<16xf32>, vector<16xi1>
      %add3A_639 = arith.constant 1 : i32
      %add3A_640 = arith.addi %mul3A_481, %add3A_639 : i32
      %min3A_641 = arith.constant 511 : i32
      %min3A_642 = arith.minsi %add3A_640, %min3A_641 : i32
      %dma_wait3A_643 = arith.constant 1 : i32
      %dma_wait3A_644 = arith.constant 0 : i32
      %dma_wait3A_645 = arith.constant 0 : i32
      %dma_wait3A_646 = tpu.memref_slice %arg13[%dma_wait3A_643, %dma_wait3A_644, %dma_wait3A_645] : memref<7x64x128xf32, #tpu.memory_space<vmem>> -> memref<1x64x128xf32, #tpu.memory_space<vmem>>
      %dma_wait3A_647 = tpu.memref_squeeze %dma_wait3A_646 : memref<1x64x128xf32, #tpu.memory_space<vmem>> -> memref<64x128xf32, #tpu.memory_space<vmem>>
      %dma_wait3A_648 = arith.constant 0 : i32
      %dma_wait3A_649 = arith.constant 0 : i32
      %dma_wait3A_650 = tpu.memref_slice %arg4[%dma_wait3A_648, %dma_wait3A_649] : memref<64x1000000xf32, #tpu.memory_space<hbm>> -> memref<64x128xf32, #tpu.memory_space<hbm>>
      %dma_wait3A_651 = arith.constant 0 : i32
      %dma_wait3A_652 = arith.constant 0 : i32
      %dma_wait3A_653 = tpu.memref_slice %arg13[%dma_wait3A_643, %dma_wait3A_651, %dma_wait3A_652] : memref<7x64x128xf32, #tpu.memory_space<vmem>> -> memref<1x64x128xf32, #tpu.memory_space<vmem>>
      %dma_wait3A_654 = tpu.memref_squeeze %dma_wait3A_653 : memref<1x64x128xf32, #tpu.memory_space<vmem>> -> memref<64x128xf32, #tpu.memory_space<vmem>>
      %dma_wait3A_655 = arith.constant 0 : i32
      %dma_wait3A_656 = arith.constant 0 : i32
      %dma_wait3A_657 = tpu.memref_slice %arg4[%dma_wait3A_655, %dma_wait3A_656] : memref<64x1000000xf32, #tpu.memory_space<hbm>> -> memref<64x128xf32, #tpu.memory_space<hbm>>
      tpu.wait_dma2 semaphore(%arg19 : memref<!tpu.dma_semaphore, #tpu.memory_space<semaphore_mem>>) src(%dma_wait3A_657 : memref<64x128xf32, #tpu.memory_space<hbm>>) dst(%dma_wait3A_654 : memref<64x128xf32, #tpu.memory_space<vmem>>)
      %dma_wait3A_658 = arith.constant 1 : i32
      %dma_wait3A_659 = arith.constant 0 : i32
      %dma_wait3A_660 = arith.constant 0 : i32
      %dma_wait3A_661 = tpu.memref_slice %arg14[%dma_wait3A_658, %dma_wait3A_659, %dma_wait3A_660] : memref<7x64x128xf32, #tpu.memory_space<vmem>> -> memref<1x64x128xf32, #tpu.memory_space<vmem>>
      %dma_wait3A_662 = tpu.memref_squeeze %dma_wait3A_661 : memref<1x64x128xf32, #tpu.memory_space<vmem>> -> memref<64x128xf32, #tpu.memory_space<vmem>>
      %dma_wait3A_663 = arith.constant 0 : i32
      %dma_wait3A_664 = arith.constant 0 : i32
      %dma_wait3A_665 = tpu.memref_slice %arg4[%dma_wait3A_663, %dma_wait3A_664] : memref<64x1000000xf32, #tpu.memory_space<hbm>> -> memref<64x128xf32, #tpu.memory_space<hbm>>
      %dma_wait3A_666 = arith.constant 0 : i32
      %dma_wait3A_667 = arith.constant 0 : i32
      %dma_wait3A_668 = tpu.memref_slice %arg14[%dma_wait3A_658, %dma_wait3A_666, %dma_wait3A_667] : memref<7x64x128xf32, #tpu.memory_space<vmem>> -> memref<1x64x128xf32, #tpu.memory_space<vmem>>
      %dma_wait3A_669 = tpu.memref_squeeze %dma_wait3A_668 : memref<1x64x128xf32, #tpu.memory_space<vmem>> -> memref<64x128xf32, #tpu.memory_space<vmem>>
      %dma_wait3A_670 = arith.constant 0 : i32
      %dma_wait3A_671 = arith.constant 0 : i32
      %dma_wait3A_672 = tpu.memref_slice %arg4[%dma_wait3A_670, %dma_wait3A_671] : memref<64x1000000xf32, #tpu.memory_space<hbm>> -> memref<64x128xf32, #tpu.memory_space<hbm>>
      tpu.wait_dma2 semaphore(%arg19 : memref<!tpu.dma_semaphore, #tpu.memory_space<semaphore_mem>>) src(%dma_wait3A_672 : memref<64x128xf32, #tpu.memory_space<hbm>>) dst(%dma_wait3A_669 : memref<64x128xf32, #tpu.memory_space<vmem>>)
      %get3A_673 = arith.index_cast %min3A_642 : i32 to index
      %get3A_674 = tpu.vector_load %arg11[%get3A_673] {strides = array<i32>} : memref<528xi32, #tpu.memory_space<vmem>>, vector<16xi32>,
      %slice3A_675 = vector.extract_strided_slice %get3A_674 {offsets = [0], sizes = [1], strides = [1]} : vector<16xi32> to vector<1xi32>
      %squeeze3A_676 = vector.extract %slice3A_675[0] : i32 from vector<1xi32>
      %get3A_677 = arith.index_cast %min3A_642 : i32 to index
      %get3A_678 = tpu.vector_load %arg12[%get3A_677] {strides = array<i32>} : memref<528xi32, #tpu.memory_space<vmem>>, vector<16xi32>,
      %slice3A_679 = vector.extract_strided_slice %get3A_678 {offsets = [0], sizes = [1], strides = [1]} : vector<16xi32> to vector<1xi32>
      %squeeze3A_680 = vector.extract %slice3A_679[0] : i32 from vector<1xi32>
      %ge3A_681 = arith.constant 999936 : i32
      %ge3A_682 = arith.cmpi sge, %squeeze3A_676, %ge3A_681 : i32
      %jit3A_683 = arith.constant 6 : i32
      %jit3A_684 = arith.constant 1 : i32
      %select_n3A_685 = arith.select %ge3A_682, %jit3A_683, %jit3A_684 : i32
      %broadcast_in_dim3A_686 = vector.broadcast %select_n3A_685 : i32 to vector<16xi32>
      %ge3A_687 = arith.constant 999936 : i32
      %ge3A_688 = arith.cmpi sge, %squeeze3A_680, %ge3A_687 : i32
      %jit3A_689 = arith.constant 6 : i32
      %jit3A_690 = arith.constant 1 : i32
      %select_n3A_691 = arith.select %ge3A_688, %jit3A_689, %jit3A_690 : i32
      %broadcast_in_dim3A_692 = vector.broadcast %select_n3A_691 : i32 to vector<16xi32>
      %and3A_693 = arith.constant 127 : i32
      %and3A_694 = arith.andi %squeeze3A_676, %and3A_693 : i32
      %broadcast_in_dim3A_695 = vector.broadcast %and3A_694 : i32 to vector<16xi32>
      %and3A_696 = arith.constant 127 : i32
      %and3A_697 = arith.andi %squeeze3A_680, %and3A_696 : i32
      %broadcast_in_dim3A_698 = vector.broadcast %and3A_697 : i32 to vector<16xi32>
      %add3A_699 = arith.constant 0 : i32
      %add3A_700 = vector.broadcast %add3A_699 : i32 to vector<16xi32>
      %add3A_701 = arith.addi %add3A_700, %iota3A : vector<16xi32>
      %gather3A_702 = tpu.vector_load_idx %arg13[%broadcast_in_dim3A_686, %add3A_701, %broadcast_in_dim3A_695] : memref<7x64x128xf32, #tpu.memory_space<vmem>>[vector<16xi32>, vector<16xi32>, vector<16xi32>], vector<16xf32>,
      %gather3A_703 = tpu.vector_load_idx %arg14[%broadcast_in_dim3A_692, %add3A_701, %broadcast_in_dim3A_698] : memref<7x64x128xf32, #tpu.memory_space<vmem>>[vector<16xi32>, vector<16xi32>, vector<16xi32>], vector<16xf32>,
      %mul3A_704 = arith.mulf %gather3A_702, %gather3A_703 : vector<16xf32>
      %mul3A_705 = arith.mulf %mul3A_704, %get3A_15 : vector<16xf32>
      %add3A_706 = arith.addf %get3A_23, %mul3A_705 : vector<16xf32>
      %add3A_707 = arith.constant 16 : i32
      %add3A_708 = vector.broadcast %add3A_707 : i32 to vector<16xi32>
      %add3A_709 = arith.addi %add3A_708, %iota3A : vector<16xi32>
      %gather3A_710 = tpu.vector_load_idx %arg13[%broadcast_in_dim3A_686, %add3A_709, %broadcast_in_dim3A_695] : memref<7x64x128xf32, #tpu.memory_space<vmem>>[vector<16xi32>, vector<16xi32>, vector<16xi32>], vector<16xf32>,
      %gather3A_711 = tpu.vector_load_idx %arg14[%broadcast_in_dim3A_692, %add3A_709, %broadcast_in_dim3A_698] : memref<7x64x128xf32, #tpu.memory_space<vmem>>[vector<16xi32>, vector<16xi32>, vector<16xi32>], vector<16xf32>,
      %mul3A_712 = arith.mulf %gather3A_710, %gather3A_711 : vector<16xf32>
      %mul3A_713 = arith.mulf %mul3A_712, %get3A_17 : vector<16xf32>
      %add3A_714 = arith.addf %add3A_706, %mul3A_713 : vector<16xf32>
      %add3A_715 = arith.constant 32 : i32
      %add3A_716 = vector.broadcast %add3A_715 : i32 to vector<16xi32>
      %add3A_717 = arith.addi %add3A_716, %iota3A : vector<16xi32>
      %gather3A_718 = tpu.vector_load_idx %arg13[%broadcast_in_dim3A_686, %add3A_717, %broadcast_in_dim3A_695] : memref<7x64x128xf32, #tpu.memory_space<vmem>>[vector<16xi32>, vector<16xi32>, vector<16xi32>], vector<16xf32>,
      %gather3A_719 = tpu.vector_load_idx %arg14[%broadcast_in_dim3A_692, %add3A_717, %broadcast_in_dim3A_698] : memref<7x64x128xf32, #tpu.memory_space<vmem>>[vector<16xi32>, vector<16xi32>, vector<16xi32>], vector<16xf32>,
      %mul3A_720 = arith.mulf %gather3A_718, %gather3A_719 : vector<16xf32>
      %mul3A_721 = arith.mulf %mul3A_720, %get3A_19 : vector<16xf32>
      %add3A_722 = arith.addf %add3A_714, %mul3A_721 : vector<16xf32>
      %add3A_723 = arith.constant 48 : i32
      %add3A_724 = vector.broadcast %add3A_723 : i32 to vector<16xi32>
      %add3A_725 = arith.addi %add3A_724, %iota3A : vector<16xi32>
      %gather3A_726 = tpu.vector_load_idx %arg13[%broadcast_in_dim3A_686, %add3A_725, %broadcast_in_dim3A_695] : memref<7x64x128xf32, #tpu.memory_space<vmem>>[vector<16xi32>, vector<16xi32>, vector<16xi32>], vector<16xf32>,
      %gather3A_727 = tpu.vector_load_idx %arg14[%broadcast_in_dim3A_692, %add3A_725, %broadcast_in_dim3A_698] : memref<7x64x128xf32, #tpu.memory_space<vmem>>[vector<16xi32>, vector<16xi32>, vector<16xi32>], vector<16xf32>,
      %mul3A_728 = arith.mulf %gather3A_726, %gather3A_727 : vector<16xf32>
      %mul3A_729 = arith.mulf %mul3A_728, %get3A_21 : vector<16xf32>
      %add3A_730 = arith.addf %add3A_722, %mul3A_729 : vector<16xf32>
      %broadcast_in_dim3A_731 = vector.shape_cast %xor3A_5 : vector<16xi32> to vector<16x1xi32>
      %gather3A_732 = vector.shape_cast %broadcast_in_dim3A_731 : vector<16x1xi32> to vector<16xi32>
      %gather3A_733 = tpu.dynamic_gather %add3A_730[%gather3A_732] in [0] : vector<16xf32>, vector<16xi32> -> vector<16xf32>
      %add3A_734 = arith.addf %add3A_730, %gather3A_733 : vector<16xf32>
      %broadcast_in_dim3A_735 = vector.shape_cast %xor3A_8 : vector<16xi32> to vector<16x1xi32>
      %gather3A_736 = vector.shape_cast %broadcast_in_dim3A_735 : vector<16x1xi32> to vector<16xi32>
      %gather3A_737 = tpu.dynamic_gather %add3A_734[%gather3A_736] in [0] : vector<16xf32>, vector<16xi32> -> vector<16xf32>
      %add3A_738 = arith.addf %add3A_734, %gather3A_737 : vector<16xf32>
      %broadcast_in_dim3A_739 = vector.shape_cast %xor3A_11 : vector<16xi32> to vector<16x1xi32>
      %gather3A_740 = vector.shape_cast %broadcast_in_dim3A_739 : vector<16x1xi32> to vector<16xi32>
      %gather3A_741 = tpu.dynamic_gather %add3A_738[%gather3A_740] in [0] : vector<16xf32>, vector<16xi32> -> vector<16xf32>
      %add3A_742 = arith.addf %add3A_738, %gather3A_741 : vector<16xf32>
      %broadcast_in_dim3A_743 = vector.shape_cast %xor3A_14 : vector<16xi32> to vector<16x1xi32>
      %gather3A_744 = vector.shape_cast %broadcast_in_dim3A_743 : vector<16x1xi32> to vector<16xi32>
      %gather3A_745 = tpu.dynamic_gather %add3A_742[%gather3A_744] in [0] : vector<16xf32>, vector<16xi32> -> vector<16xf32>
      %add3A_746 = arith.addf %add3A_742, %gather3A_745 : vector<16xf32>
      %add3A_747 = arith.constant 1 : i32
      %add3A_748 = arith.addi %mul3A_481, %add3A_747 : i32
      %add3A_749 = arith.constant 6 : i32
      %add3A_750 = arith.addi %add3A_748, %add3A_749 : i32
      %min3A_751 = arith.constant 511 : i32
      %min3A_752 = arith.minsi %add3A_750, %min3A_751 : i32
      %get3A_753 = arith.index_cast %min3A_752 : i32 to index
      %get3A_754 = tpu.vector_load %arg11[%get3A_753] {strides = array<i32>} : memref<528xi32, #tpu.memory_space<vmem>>, vector<16xi32>,
      %slice3A_755 = vector.extract_strided_slice %get3A_754 {offsets = [0], sizes = [1], strides = [1]} : vector<16xi32> to vector<1xi32>
      %squeeze3A_756 = vector.extract %slice3A_755[0] : i32 from vector<1xi32>
      %shift_right_arithmetic3A_757 = arith.constant 7 : i32
      %shift_right_arithmetic3A_758 = arith.shrsi %squeeze3A_756, %shift_right_arithmetic3A_757 : i32
      %min3A_759 = arith.constant 7811 : i32
      %min3A_760 = arith.minsi %shift_right_arithmetic3A_758, %min3A_759 : i32
      %get3A_761 = arith.index_cast %min3A_752 : i32 to index
      %get3A_762 = tpu.vector_load %arg12[%get3A_761] {strides = array<i32>} : memref<528xi32, #tpu.memory_space<vmem>>, vector<16xi32>,
      %slice3A_763 = vector.extract_strided_slice %get3A_762 {offsets = [0], sizes = [1], strides = [1]} : vector<16xi32> to vector<1xi32>
      %squeeze3A_764 = vector.extract %slice3A_763[0] : i32 from vector<1xi32>
      %shift_right_arithmetic3A_765 = arith.constant 7 : i32
      %shift_right_arithmetic3A_766 = arith.shrsi %squeeze3A_764, %shift_right_arithmetic3A_765 : i32
      %min3A_767 = arith.constant 7811 : i32
      %min3A_768 = arith.minsi %shift_right_arithmetic3A_766, %min3A_767 : i32
      %mul3A_769 = arith.constant 128 : i32
      %mul3A_770 = arith.muli %min3A_760, %mul3A_769 : i32
      %dma_start3A_771 = arith.constant 1 : i32
      %dma_start3A_772 = arith.constant 0 : i32
      %dma_start3A_773 = arith.constant 0 : i32
      %dma_start3A_774 = tpu.memref_slice %arg13[%dma_start3A_771, %dma_start3A_772, %dma_start3A_773] : memref<7x64x128xf32, #tpu.memory_space<vmem>> -> memref<1x64x128xf32, #tpu.memory_space<vmem>>
      %dma_start3A_775 = tpu.memref_squeeze %dma_start3A_774 : memref<1x64x128xf32, #tpu.memory_space<vmem>> -> memref<64x128xf32, #tpu.memory_space<vmem>>
      %dma_start3A_776 = arith.constant 0 : i32
      %dma_start3A_777 = tpu.memref_slice %arg4[%dma_start3A_776, %mul3A_770] : memref<64x1000000xf32, #tpu.memory_space<hbm>> -> memref<64x128xf32, #tpu.memory_space<hbm>>
      %dma_start3A_778 = arith.constant 0 : i32
      %dma_start3A_779 = arith.constant 0 : i32
      %dma_start3A_780 = tpu.memref_slice %arg13[%dma_start3A_771, %dma_start3A_778, %dma_start3A_779] : memref<7x64x128xf32, #tpu.memory_space<vmem>> -> memref<1x64x128xf32, #tpu.memory_space<vmem>>
      %dma_start3A_781 = tpu.memref_squeeze %dma_start3A_780 : memref<1x64x128xf32, #tpu.memory_space<vmem>> -> memref<64x128xf32, #tpu.memory_space<vmem>>
      %dma_start3A_782 = arith.constant 0 : i32
      %dma_start3A_783 = tpu.memref_slice %arg4[%dma_start3A_782, %mul3A_770] : memref<64x1000000xf32, #tpu.memory_space<hbm>> -> memref<64x128xf32, #tpu.memory_space<hbm>>
      tpu.enqueue_dma source(%dma_start3A_783 : memref<64x128xf32, #tpu.memory_space<hbm>>) target(%dma_start3A_781 : memref<64x128xf32, #tpu.memory_space<vmem>>) target_semaphore(%arg19 : memref<!tpu.dma_semaphore, #tpu.memory_space<semaphore_mem>>)
      %mul3A_784 = arith.constant 128 : i32
      %mul3A_785 = arith.muli %min3A_768, %mul3A_784 : i32
      %dma_start3A_786 = arith.constant 1 : i32
      %dma_start3A_787 = arith.constant 0 : i32
      %dma_start3A_788 = arith.constant 0 : i32
      %dma_start3A_789 = tpu.memref_slice %arg14[%dma_start3A_786, %dma_start3A_787, %dma_start3A_788] : memref<7x64x128xf32, #tpu.memory_space<vmem>> -> memref<1x64x128xf32, #tpu.memory_space<vmem>>
      %dma_start3A_790 = tpu.memref_squeeze %dma_start3A_789 : memref<1x64x128xf32, #tpu.memory_space<vmem>> -> memref<64x128xf32, #tpu.memory_space<vmem>>
      %dma_start3A_791 = arith.constant 0 : i32
      %dma_start3A_792 = tpu.memref_slice %arg5[%dma_start3A_791, %mul3A_785] : memref<64x1000000xf32, #tpu.memory_space<hbm>> -> memref<64x128xf32, #tpu.memory_space<hbm>>
      %dma_start3A_793 = arith.constant 0 : i32
      %dma_start3A_794 = arith.constant 0 : i32
      %dma_start3A_795 = tpu.memref_slice %arg14[%dma_start3A_786, %dma_start3A_793, %dma_start3A_794] : memref<7x64x128xf32, #tpu.memory_space<vmem>> -> memref<1x64x128xf32, #tpu.memory_space<vmem>>
      %dma_start3A_796 = tpu.memref_squeeze %dma_start3A_795 : memref<1x64x128xf32, #tpu.memory_space<vmem>> -> memref<64x128xf32, #tpu.memory_space<vmem>>
      %dma_start3A_797 = arith.constant 0 : i32
      %dma_start3A_798 = tpu.memref_slice %arg5[%dma_start3A_797, %mul3A_785] : memref<64x1000000xf32, #tpu.memory_space<hbm>> -> memref<64x128xf32, #tpu.memory_space<hbm>>
      tpu.enqueue_dma source(%dma_start3A_798 : memref<64x128xf32, #tpu.memory_space<hbm>>) target(%dma_start3A_796 : memref<64x128xf32, #tpu.memory_space<vmem>>) target_semaphore(%arg19 : memref<!tpu.dma_semaphore, #tpu.memory_space<semaphore_mem>>)
      %broadcast_in_dim3A_799 = vector.broadcast %min3A_642 : i32 to vector<16xi32>
      %eq3A_800 = arith.constant 0 : i32
      %eq3A_801 = vector.broadcast %eq3A_800 : i32 to vector<16xi32>
      %eq3A_802 = arith.cmpi eq, %iota3A, %eq3A_801 : vector<16xi32>
      tpu.vector_store_idx %arg15[%broadcast_in_dim3A_799], %add3A_746 masked %eq3A_802 : memref<512xf32, #tpu.memory_space<vmem>>[vector<16xi32>], vector<16xf32>, vector<16xi1>
      %add3A_803 = arith.constant 2 : i32
      %add3A_804 = arith.addi %mul3A_481, %add3A_803 : i32
      %min3A_805 = arith.constant 511 : i32
      %min3A_806 = arith.minsi %add3A_804, %min3A_805 : i32
      %dma_wait3A_807 = arith.constant 2 : i32
      %dma_wait3A_808 = arith.constant 0 : i32
      %dma_wait3A_809 = arith.constant 0 : i32
      %dma_wait3A_810 = tpu.memref_slice %arg13[%dma_wait3A_807, %dma_wait3A_808, %dma_wait3A_809] : memref<7x64x128xf32, #tpu.memory_space<vmem>> -> memref<1x64x128xf32, #tpu.memory_space<vmem>>
      %dma_wait3A_811 = tpu.memref_squeeze %dma_wait3A_810 : memref<1x64x128xf32, #tpu.memory_space<vmem>> -> memref<64x128xf32, #tpu.memory_space<vmem>>
      %dma_wait3A_812 = arith.constant 0 : i32
      %dma_wait3A_813 = arith.constant 0 : i32
      %dma_wait3A_814 = tpu.memref_slice %arg4[%dma_wait3A_812, %dma_wait3A_813] : memref<64x1000000xf32, #tpu.memory_space<hbm>> -> memref<64x128xf32, #tpu.memory_space<hbm>>
      %dma_wait3A_815 = arith.constant 0 : i32
      %dma_wait3A_816 = arith.constant 0 : i32
      %dma_wait3A_817 = tpu.memref_slice %arg13[%dma_wait3A_807, %dma_wait3A_815, %dma_wait3A_816] : memref<7x64x128xf32, #tpu.memory_space<vmem>> -> memref<1x64x128xf32, #tpu.memory_space<vmem>>
      %dma_wait3A_818 = tpu.memref_squeeze %dma_wait3A_817 : memref<1x64x128xf32, #tpu.memory_space<vmem>> -> memref<64x128xf32, #tpu.memory_space<vmem>>
      %dma_wait3A_819 = arith.constant 0 : i32
      %dma_wait3A_820 = arith.constant 0 : i32
      %dma_wait3A_821 = tpu.memref_slice %arg4[%dma_wait3A_819, %dma_wait3A_820] : memref<64x1000000xf32, #tpu.memory_space<hbm>> -> memref<64x128xf32, #tpu.memory_space<hbm>>
      tpu.wait_dma2 semaphore(%arg20 : memref<!tpu.dma_semaphore, #tpu.memory_space<semaphore_mem>>) src(%dma_wait3A_821 : memref<64x128xf32, #tpu.memory_space<hbm>>) dst(%dma_wait3A_818 : memref<64x128xf32, #tpu.memory_space<vmem>>)
      %dma_wait3A_822 = arith.constant 2 : i32
      %dma_wait3A_823 = arith.constant 0 : i32
      %dma_wait3A_824 = arith.constant 0 : i32
      %dma_wait3A_825 = tpu.memref_slice %arg14[%dma_wait3A_822, %dma_wait3A_823, %dma_wait3A_824] : memref<7x64x128xf32, #tpu.memory_space<vmem>> -> memref<1x64x128xf32, #tpu.memory_space<vmem>>
      %dma_wait3A_826 = tpu.memref_squeeze %dma_wait3A_825 : memref<1x64x128xf32, #tpu.memory_space<vmem>> -> memref<64x128xf32, #tpu.memory_space<vmem>>
      %dma_wait3A_827 = arith.constant 0 : i32
      %dma_wait3A_828 = arith.constant 0 : i32
      %dma_wait3A_829 = tpu.memref_slice %arg4[%dma_wait3A_827, %dma_wait3A_828] : memref<64x1000000xf32, #tpu.memory_space<hbm>> -> memref<64x128xf32, #tpu.memory_space<hbm>>
      %dma_wait3A_830 = arith.constant 0 : i32
      %dma_wait3A_831 = arith.constant 0 : i32
      %dma_wait3A_832 = tpu.memref_slice %arg14[%dma_wait3A_822, %dma_wait3A_830, %dma_wait3A_831] : memref<7x64x128xf32, #tpu.memory_space<vmem>> -> memref<1x64x128xf32, #tpu.memory_space<vmem>>
      %dma_wait3A_833 = tpu.memref_squeeze %dma_wait3A_832 : memref<1x64x128xf32, #tpu.memory_space<vmem>> -> memref<64x128xf32, #tpu.memory_space<vmem>>
      %dma_wait3A_834 = arith.constant 0 : i32
      %dma_wait3A_835 = arith.constant 0 : i32
      %dma_wait3A_836 = tpu.memref_slice %arg4[%dma_wait3A_834, %dma_wait3A_835] : memref<64x1000000xf32, #tpu.memory_space<hbm>> -> memref<64x128xf32, #tpu.memory_space<hbm>>
      tpu.wait_dma2 semaphore(%arg20 : memref<!tpu.dma_semaphore, #tpu.memory_space<semaphore_mem>>) src(%dma_wait3A_836 : memref<64x128xf32, #tpu.memory_space<hbm>>) dst(%dma_wait3A_833 : memref<64x128xf32, #tpu.memory_space<vmem>>)
      %get3A_837 = arith.index_cast %min3A_806 : i32 to index
      %get3A_838 = tpu.vector_load %arg11[%get3A_837] {strides = array<i32>} : memref<528xi32, #tpu.memory_space<vmem>>, vector<16xi32>,
      %slice3A_839 = vector.extract_strided_slice %get3A_838 {offsets = [0], sizes = [1], strides = [1]} : vector<16xi32> to vector<1xi32>
      %squeeze3A_840 = vector.extract %slice3A_839[0] : i32 from vector<1xi32>
      %get3A_841 = arith.index_cast %min3A_806 : i32 to index
      %get3A_842 = tpu.vector_load %arg12[%get3A_841] {strides = array<i32>} : memref<528xi32, #tpu.memory_space<vmem>>, vector<16xi32>,
      %slice3A_843 = vector.extract_strided_slice %get3A_842 {offsets = [0], sizes = [1], strides = [1]} : vector<16xi32> to vector<1xi32>
      %squeeze3A_844 = vector.extract %slice3A_843[0] : i32 from vector<1xi32>
      %ge3A_845 = arith.constant 999936 : i32
      %ge3A_846 = arith.cmpi sge, %squeeze3A_840, %ge3A_845 : i32
      %jit3A_847 = arith.constant 6 : i32
      %jit3A_848 = arith.constant 2 : i32
      %select_n3A_849 = arith.select %ge3A_846, %jit3A_847, %jit3A_848 : i32
      %broadcast_in_dim3A_850 = vector.broadcast %select_n3A_849 : i32 to vector<16xi32>
      %ge3A_851 = arith.constant 999936 : i32
      %ge3A_852 = arith.cmpi sge, %squeeze3A_844, %ge3A_851 : i32
      %jit3A_853 = arith.constant 6 : i32
      %jit3A_854 = arith.constant 2 : i32
      %select_n3A_855 = arith.select %ge3A_852, %jit3A_853, %jit3A_854 : i32
      %broadcast_in_dim3A_856 = vector.broadcast %select_n3A_855 : i32 to vector<16xi32>
      %and3A_857 = arith.constant 127 : i32
      %and3A_858 = arith.andi %squeeze3A_840, %and3A_857 : i32
      %broadcast_in_dim3A_859 = vector.broadcast %and3A_858 : i32 to vector<16xi32>
      %and3A_860 = arith.constant 127 : i32
      %and3A_861 = arith.andi %squeeze3A_844, %and3A_860 : i32
      %broadcast_in_dim3A_862 = vector.broadcast %and3A_861 : i32 to vector<16xi32>
      %add3A_863 = arith.constant 0 : i32
      %add3A_864 = vector.broadcast %add3A_863 : i32 to vector<16xi32>
      %add3A_865 = arith.addi %add3A_864, %iota3A : vector<16xi32>
      %gather3A_866 = tpu.vector_load_idx %arg13[%broadcast_in_dim3A_850, %add3A_865, %broadcast_in_dim3A_859] : memref<7x64x128xf32, #tpu.memory_space<vmem>>[vector<16xi32>, vector<16xi32>, vector<16xi32>], vector<16xf32>,
      %gather3A_867 = tpu.vector_load_idx %arg14[%broadcast_in_dim3A_856, %add3A_865, %broadcast_in_dim3A_862] : memref<7x64x128xf32, #tpu.memory_space<vmem>>[vector<16xi32>, vector<16xi32>, vector<16xi32>], vector<16xf32>,
      %mul3A_868 = arith.mulf %gather3A_866, %gather3A_867 : vector<16xf32>
      %mul3A_869 = arith.mulf %mul3A_868, %get3A_15 : vector<16xf32>
      %add3A_870 = arith.addf %get3A_23, %mul3A_869 : vector<16xf32>
      %add3A_871 = arith.constant 16 : i32
      %add3A_872 = vector.broadcast %add3A_871 : i32 to vector<16xi32>
      %add3A_873 = arith.addi %add3A_872, %iota3A : vector<16xi32>
      %gather3A_874 = tpu.vector_load_idx %arg13[%broadcast_in_dim3A_850, %add3A_873, %broadcast_in_dim3A_859] : memref<7x64x128xf32, #tpu.memory_space<vmem>>[vector<16xi32>, vector<16xi32>, vector<16xi32>], vector<16xf32>,
      %gather3A_875 = tpu.vector_load_idx %arg14[%broadcast_in_dim3A_856, %add3A_873, %broadcast_in_dim3A_862] : memref<7x64x128xf32, #tpu.memory_space<vmem>>[vector<16xi32>, vector<16xi32>, vector<16xi32>], vector<16xf32>,
      %mul3A_876 = arith.mulf %gather3A_874, %gather3A_875 : vector<16xf32>
      %mul3A_877 = arith.mulf %mul3A_876, %get3A_17 : vector<16xf32>
      %add3A_878 = arith.addf %add3A_870, %mul3A_877 : vector<16xf32>
      %add3A_879 = arith.constant 32 : i32
      %add3A_880 = vector.broadcast %add3A_879 : i32 to vector<16xi32>
      %add3A_881 = arith.addi %add3A_880, %iota3A : vector<16xi32>
      %gather3A_882 = tpu.vector_load_idx %arg13[%broadcast_in_dim3A_850, %add3A_881, %broadcast_in_dim3A_859] : memref<7x64x128xf32, #tpu.memory_space<vmem>>[vector<16xi32>, vector<16xi32>, vector<16xi32>], vector<16xf32>,
      %gather3A_883 = tpu.vector_load_idx %arg14[%broadcast_in_dim3A_856, %add3A_881, %broadcast_in_dim3A_862] : memref<7x64x128xf32, #tpu.memory_space<vmem>>[vector<16xi32>, vector<16xi32>, vector<16xi32>], vector<16xf32>,
      %mul3A_884 = arith.mulf %gather3A_882, %gather3A_883 : vector<16xf32>
      %mul3A_885 = arith.mulf %mul3A_884, %get3A_19 : vector<16xf32>
      %add3A_886 = arith.addf %add3A_878, %mul3A_885 : vector<16xf32>
      %add3A_887 = arith.constant 48 : i32
      %add3A_888 = vector.broadcast %add3A_887 : i32 to vector<16xi32>
      %add3A_889 = arith.addi %add3A_888, %iota3A : vector<16xi32>
      %gather3A_890 = tpu.vector_load_idx %arg13[%broadcast_in_dim3A_850, %add3A_889, %broadcast_in_dim3A_859] : memref<7x64x128xf32, #tpu.memory_space<vmem>>[vector<16xi32>, vector<16xi32>, vector<16xi32>], vector<16xf32>,
      %gather3A_891 = tpu.vector_load_idx %arg14[%broadcast_in_dim3A_856, %add3A_889, %broadcast_in_dim3A_862] : memref<7x64x128xf32, #tpu.memory_space<vmem>>[vector<16xi32>, vector<16xi32>, vector<16xi32>], vector<16xf32>,
      %mul3A_892 = arith.mulf %gather3A_890, %gather3A_891 : vector<16xf32>
      %mul3A_893 = arith.mulf %mul3A_892, %get3A_21 : vector<16xf32>
      %add3A_894 = arith.addf %add3A_886, %mul3A_893 : vector<16xf32>
      %broadcast_in_dim3A_895 = vector.shape_cast %xor3A_5 : vector<16xi32> to vector<16x1xi32>
      %gather3A_896 = vector.shape_cast %broadcast_in_dim3A_895 : vector<16x1xi32> to vector<16xi32>
      %gather3A_897 = tpu.dynamic_gather %add3A_894[%gather3A_896] in [0] : vector<16xf32>, vector<16xi32> -> vector<16xf32>
      %add3A_898 = arith.addf %add3A_894, %gather3A_897 : vector<16xf32>
      %broadcast_in_dim3A_899 = vector.shape_cast %xor3A_8 : vector<16xi32> to vector<16x1xi32>
      %gather3A_900 = vector.shape_cast %broadcast_in_dim3A_899 : vector<16x1xi32> to vector<16xi32>
      %gather3A_901 = tpu.dynamic_gather %add3A_898[%gather3A_900] in [0] : vector<16xf32>, vector<16xi32> -> vector<16xf32>
      %add3A_902 = arith.addf %add3A_898, %gather3A_901 : vector<16xf32>
      %broadcast_in_dim3A_903 = vector.shape_cast %xor3A_11 : vector<16xi32> to vector<16x1xi32>
      %gather3A_904 = vector.shape_cast %broadcast_in_dim3A_903 : vector<16x1xi32> to vector<16xi32>
      %gather3A_905 = tpu.dynamic_gather %add3A_902[%gather3A_904] in [0] : vector<16xf32>, vector<16xi32> -> vector<16xf32>
      %add3A_906 = arith.addf %add3A_902, %gather3A_905 : vector<16xf32>
      %broadcast_in_dim3A_907 = vector.shape_cast %xor3A_14 : vector<16xi32> to vector<16x1xi32>
      %gather3A_908 = vector.shape_cast %broadcast_in_dim3A_907 : vector<16x1xi32> to vector<16xi32>
      %gather3A_909 = tpu.dynamic_gather %add3A_906[%gather3A_908] in [0] : vector<16xf32>, vector<16xi32> -> vector<16xf32>
      %add3A_910 = arith.addf %add3A_906, %gather3A_909 : vector<16xf32>
      %add3A_911 = arith.constant 2 : i32
      %add3A_912 = arith.addi %mul3A_481, %add3A_911 : i32
      %add3A_913 = arith.constant 6 : i32
      %add3A_914 = arith.addi %add3A_912, %add3A_913 : i32
      %min3A_915 = arith.constant 511 : i32
      %min3A_916 = arith.minsi %add3A_914, %min3A_915 : i32
      %get3A_917 = arith.index_cast %min3A_916 : i32 to index
      %get3A_918 = tpu.vector_load %arg11[%get3A_917] {strides = array<i32>} : memref<528xi32, #tpu.memory_space<vmem>>, vector<16xi32>,
      %slice3A_919 = vector.extract_strided_slice %get3A_918 {offsets = [0], sizes = [1], strides = [1]} : vector<16xi32> to vector<1xi32>
      %squeeze3A_920 = vector.extract %slice3A_919[0] : i32 from vector<1xi32>
      %shift_right_arithmetic3A_921 = arith.constant 7 : i32
      %shift_right_arithmetic3A_922 = arith.shrsi %squeeze3A_920, %shift_right_arithmetic3A_921 : i32
      %min3A_923 = arith.constant 7811 : i32
      %min3A_924 = arith.minsi %shift_right_arithmetic3A_922, %min3A_923 : i32
      %get3A_925 = arith.index_cast %min3A_916 : i32 to index
      %get3A_926 = tpu.vector_load %arg12[%get3A_925] {strides = array<i32>} : memref<528xi32, #tpu.memory_space<vmem>>, vector<16xi32>,
      %slice3A_927 = vector.extract_strided_slice %get3A_926 {offsets = [0], sizes = [1], strides = [1]} : vector<16xi32> to vector<1xi32>
      %squeeze3A_928 = vector.extract %slice3A_927[0] : i32 from vector<1xi32>
      %shift_right_arithmetic3A_929 = arith.constant 7 : i32
      %shift_right_arithmetic3A_930 = arith.shrsi %squeeze3A_928, %shift_right_arithmetic3A_929 : i32
      %min3A_931 = arith.constant 7811 : i32
      %min3A_932 = arith.minsi %shift_right_arithmetic3A_930, %min3A_931 : i32
      %mul3A_933 = arith.constant 128 : i32
      %mul3A_934 = arith.muli %min3A_924, %mul3A_933 : i32
      %dma_start3A_935 = arith.constant 2 : i32
      %dma_start3A_936 = arith.constant 0 : i32
      %dma_start3A_937 = arith.constant 0 : i32
      %dma_start3A_938 = tpu.memref_slice %arg13[%dma_start3A_935, %dma_start3A_936, %dma_start3A_937] : memref<7x64x128xf32, #tpu.memory_space<vmem>> -> memref<1x64x128xf32, #tpu.memory_space<vmem>>
      %dma_start3A_939 = tpu.memref_squeeze %dma_start3A_938 : memref<1x64x128xf32, #tpu.memory_space<vmem>> -> memref<64x128xf32, #tpu.memory_space<vmem>>
      %dma_start3A_940 = arith.constant 0 : i32
      %dma_start3A_941 = tpu.memref_slice %arg4[%dma_start3A_940, %mul3A_934] : memref<64x1000000xf32, #tpu.memory_space<hbm>> -> memref<64x128xf32, #tpu.memory_space<hbm>>
      %dma_start3A_942 = arith.constant 0 : i32
      %dma_start3A_943 = arith.constant 0 : i32
      %dma_start3A_944 = tpu.memref_slice %arg13[%dma_start3A_935, %dma_start3A_942, %dma_start3A_943] : memref<7x64x128xf32, #tpu.memory_space<vmem>> -> memref<1x64x128xf32, #tpu.memory_space<vmem>>
      %dma_start3A_945 = tpu.memref_squeeze %dma_start3A_944 : memref<1x64x128xf32, #tpu.memory_space<vmem>> -> memref<64x128xf32, #tpu.memory_space<vmem>>
      %dma_start3A_946 = arith.constant 0 : i32
      %dma_start3A_947 = tpu.memref_slice %arg4[%dma_start3A_946, %mul3A_934] : memref<64x1000000xf32, #tpu.memory_space<hbm>> -> memref<64x128xf32, #tpu.memory_space<hbm>>
      tpu.enqueue_dma source(%dma_start3A_947 : memref<64x128xf32, #tpu.memory_space<hbm>>) target(%dma_start3A_945 : memref<64x128xf32, #tpu.memory_space<vmem>>) target_semaphore(%arg20 : memref<!tpu.dma_semaphore, #tpu.memory_space<semaphore_mem>>)
      %mul3A_948 = arith.constant 128 : i32
      %mul3A_949 = arith.muli %min3A_932, %mul3A_948 : i32
      %dma_start3A_950 = arith.constant 2 : i32
      %dma_start3A_951 = arith.constant 0 : i32
      %dma_start3A_952 = arith.constant 0 : i32
      %dma_start3A_953 = tpu.memref_slice %arg14[%dma_start3A_950, %dma_start3A_951, %dma_start3A_952] : memref<7x64x128xf32, #tpu.memory_space<vmem>> -> memref<1x64x128xf32, #tpu.memory_space<vmem>>
      %dma_start3A_954 = tpu.memref_squeeze %dma_start3A_953 : memref<1x64x128xf32, #tpu.memory_space<vmem>> -> memref<64x128xf32, #tpu.memory_space<vmem>>
      %dma_start3A_955 = arith.constant 0 : i32
      %dma_start3A_956 = tpu.memref_slice %arg5[%dma_start3A_955, %mul3A_949] : memref<64x1000000xf32, #tpu.memory_space<hbm>> -> memref<64x128xf32, #tpu.memory_space<hbm>>
      %dma_start3A_957 = arith.constant 0 : i32
      %dma_start3A_958 = arith.constant 0 : i32
      %dma_start3A_959 = tpu.memref_slice %arg14[%dma_start3A_950, %dma_start3A_957, %dma_start3A_958] : memref<7x64x128xf32, #tpu.memory_space<vmem>> -> memref<1x64x128xf32, #tpu.memory_space<vmem>>
      %dma_start3A_960 = tpu.memref_squeeze %dma_start3A_959 : memref<1x64x128xf32, #tpu.memory_space<vmem>> -> memref<64x128xf32, #tpu.memory_space<vmem>>
      %dma_start3A_961 = arith.constant 0 : i32
      %dma_start3A_962 = tpu.memref_slice %arg5[%dma_start3A_961, %mul3A_949] : memref<64x1000000xf32, #tpu.memory_space<hbm>> -> memref<64x128xf32, #tpu.memory_space<hbm>>
      tpu.enqueue_dma source(%dma_start3A_962 : memref<64x128xf32, #tpu.memory_space<hbm>>) target(%dma_start3A_960 : memref<64x128xf32, #tpu.memory_space<vmem>>) target_semaphore(%arg20 : memref<!tpu.dma_semaphore, #tpu.memory_space<semaphore_mem>>)
      %broadcast_in_dim3A_963 = vector.broadcast %min3A_806 : i32 to vector<16xi32>
      %eq3A_964 = arith.constant 0 : i32
      %eq3A_965 = vector.broadcast %eq3A_964 : i32 to vector<16xi32>
      %eq3A_966 = arith.cmpi eq, %iota3A, %eq3A_965 : vector<16xi32>
      tpu.vector_store_idx %arg15[%broadcast_in_dim3A_963], %add3A_910 masked %eq3A_966 : memref<512xf32, #tpu.memory_space<vmem>>[vector<16xi32>], vector<16xf32>, vector<16xi1>
      %add3A_967 = arith.constant 3 : i32
      %add3A_968 = arith.addi %mul3A_481, %add3A_967 : i32
      %min3A_969 = arith.constant 511 : i32
      %min3A_970 = arith.minsi %add3A_968, %min3A_969 : i32
      %dma_wait3A_971 = arith.constant 3 : i32
      %dma_wait3A_972 = arith.constant 0 : i32
      %dma_wait3A_973 = arith.constant 0 : i32
      %dma_wait3A_974 = tpu.memref_slice %arg13[%dma_wait3A_971, %dma_wait3A_972, %dma_wait3A_973] : memref<7x64x128xf32, #tpu.memory_space<vmem>> -> memref<1x64x128xf32, #tpu.memory_space<vmem>>
      %dma_wait3A_975 = tpu.memref_squeeze %dma_wait3A_974 : memref<1x64x128xf32, #tpu.memory_space<vmem>> -> memref<64x128xf32, #tpu.memory_space<vmem>>
      %dma_wait3A_976 = arith.constant 0 : i32
      %dma_wait3A_977 = arith.constant 0 : i32
      %dma_wait3A_978 = tpu.memref_slice %arg4[%dma_wait3A_976, %dma_wait3A_977] : memref<64x1000000xf32, #tpu.memory_space<hbm>> -> memref<64x128xf32, #tpu.memory_space<hbm>>
      %dma_wait3A_979 = arith.constant 0 : i32
      %dma_wait3A_980 = arith.constant 0 : i32
      %dma_wait3A_981 = tpu.memref_slice %arg13[%dma_wait3A_971, %dma_wait3A_979, %dma_wait3A_980] : memref<7x64x128xf32, #tpu.memory_space<vmem>> -> memref<1x64x128xf32, #tpu.memory_space<vmem>>
      %dma_wait3A_982 = tpu.memref_squeeze %dma_wait3A_981 : memref<1x64x128xf32, #tpu.memory_space<vmem>> -> memref<64x128xf32, #tpu.memory_space<vmem>>
      %dma_wait3A_983 = arith.constant 0 : i32
      %dma_wait3A_984 = arith.constant 0 : i32
      %dma_wait3A_985 = tpu.memref_slice %arg4[%dma_wait3A_983, %dma_wait3A_984] : memref<64x1000000xf32, #tpu.memory_space<hbm>> -> memref<64x128xf32, #tpu.memory_space<hbm>>
      tpu.wait_dma2 semaphore(%arg21 : memref<!tpu.dma_semaphore, #tpu.memory_space<semaphore_mem>>) src(%dma_wait3A_985 : memref<64x128xf32, #tpu.memory_space<hbm>>) dst(%dma_wait3A_982 : memref<64x128xf32, #tpu.memory_space<vmem>>)
      %dma_wait3A_986 = arith.constant 3 : i32
      %dma_wait3A_987 = arith.constant 0 : i32
      %dma_wait3A_988 = arith.constant 0 : i32
      %dma_wait3A_989 = tpu.memref_slice %arg14[%dma_wait3A_986, %dma_wait3A_987, %dma_wait3A_988] : memref<7x64x128xf32, #tpu.memory_space<vmem>> -> memref<1x64x128xf32, #tpu.memory_space<vmem>>
      %dma_wait3A_990 = tpu.memref_squeeze %dma_wait3A_989 : memref<1x64x128xf32, #tpu.memory_space<vmem>> -> memref<64x128xf32, #tpu.memory_space<vmem>>
      %dma_wait3A_991 = arith.constant 0 : i32
      %dma_wait3A_992 = arith.constant 0 : i32
      %dma_wait3A_993 = tpu.memref_slice %arg4[%dma_wait3A_991, %dma_wait3A_992] : memref<64x1000000xf32, #tpu.memory_space<hbm>> -> memref<64x128xf32, #tpu.memory_space<hbm>>
      %dma_wait3A_994 = arith.constant 0 : i32
      %dma_wait3A_995 = arith.constant 0 : i32
      %dma_wait3A_996 = tpu.memref_slice %arg14[%dma_wait3A_986, %dma_wait3A_994, %dma_wait3A_995] : memref<7x64x128xf32, #tpu.memory_space<vmem>> -> memref<1x64x128xf32, #tpu.memory_space<vmem>>
      %dma_wait3A_997 = tpu.memref_squeeze %dma_wait3A_996 : memref<1x64x128xf32, #tpu.memory_space<vmem>> -> memref<64x128xf32, #tpu.memory_space<vmem>>
      %dma_wait3A_998 = arith.constant 0 : i32
      %dma_wait3A_999 = arith.constant 0 : i32
      %dma_wait3A_1000 = tpu.memref_slice %arg4[%dma_wait3A_998, %dma_wait3A_999] : memref<64x1000000xf32, #tpu.memory_space<hbm>> -> memref<64x128xf32, #tpu.memory_space<hbm>>
      tpu.wait_dma2 semaphore(%arg21 : memref<!tpu.dma_semaphore, #tpu.memory_space<semaphore_mem>>) src(%dma_wait3A_1000 : memref<64x128xf32, #tpu.memory_space<hbm>>) dst(%dma_wait3A_997 : memref<64x128xf32, #tpu.memory_space<vmem>>)
      %get3A_1001 = arith.index_cast %min3A_970 : i32 to index
      %get3A_1002 = tpu.vector_load %arg11[%get3A_1001] {strides = array<i32>} : memref<528xi32, #tpu.memory_space<vmem>>, vector<16xi32>,
      %slice3A_1003 = vector.extract_strided_slice %get3A_1002 {offsets = [0], sizes = [1], strides = [1]} : vector<16xi32> to vector<1xi32>
      %squeeze3A_1004 = vector.extract %slice3A_1003[0] : i32 from vector<1xi32>
      %get3A_1005 = arith.index_cast %min3A_970 : i32 to index
      %get3A_1006 = tpu.vector_load %arg12[%get3A_1005] {strides = array<i32>} : memref<528xi32, #tpu.memory_space<vmem>>, vector<16xi32>,
      %slice3A_1007 = vector.extract_strided_slice %get3A_1006 {offsets = [0], sizes = [1], strides = [1]} : vector<16xi32> to vector<1xi32>
      %squeeze3A_1008 = vector.extract %slice3A_1007[0] : i32 from vector<1xi32>
      %ge3A_1009 = arith.constant 999936 : i32
      %ge3A_1010 = arith.cmpi sge, %squeeze3A_1004, %ge3A_1009 : i32
      %jit3A_1011 = arith.constant 6 : i32
      %jit3A_1012 = arith.constant 3 : i32
      %select_n3A_1013 = arith.select %ge3A_1010, %jit3A_1011, %jit3A_1012 : i32
      %broadcast_in_dim3A_1014 = vector.broadcast %select_n3A_1013 : i32 to vector<16xi32>
      %ge3A_1015 = arith.constant 999936 : i32
      %ge3A_1016 = arith.cmpi sge, %squeeze3A_1008, %ge3A_1015 : i32
      %jit3A_1017 = arith.constant 6 : i32
      %jit3A_1018 = arith.constant 3 : i32
      %select_n3A_1019 = arith.select %ge3A_1016, %jit3A_1017, %jit3A_1018 : i32
      %broadcast_in_dim3A_1020 = vector.broadcast %select_n3A_1019 : i32 to vector<16xi32>
      %and3A_1021 = arith.constant 127 : i32
      %and3A_1022 = arith.andi %squeeze3A_1004, %and3A_1021 : i32
      %broadcast_in_dim3A_1023 = vector.broadcast %and3A_1022 : i32 to vector<16xi32>
      %and3A_1024 = arith.constant 127 : i32
      %and3A_1025 = arith.andi %squeeze3A_1008, %and3A_1024 : i32
      %broadcast_in_dim3A_1026 = vector.broadcast %and3A_1025 : i32 to vector<16xi32>
      %add3A_1027 = arith.constant 0 : i32
      %add3A_1028 = vector.broadcast %add3A_1027 : i32 to vector<16xi32>
      %add3A_1029 = arith.addi %add3A_1028, %iota3A : vector<16xi32>
      %gather3A_1030 = tpu.vector_load_idx %arg13[%broadcast_in_dim3A_1014, %add3A_1029, %broadcast_in_dim3A_1023] : memref<7x64x128xf32, #tpu.memory_space<vmem>>[vector<16xi32>, vector<16xi32>, vector<16xi32>], vector<16xf32>,
      %gather3A_1031 = tpu.vector_load_idx %arg14[%broadcast_in_dim3A_1020, %add3A_1029, %broadcast_in_dim3A_1026] : memref<7x64x128xf32, #tpu.memory_space<vmem>>[vector<16xi32>, vector<16xi32>, vector<16xi32>], vector<16xf32>,
      %mul3A_1032 = arith.mulf %gather3A_1030, %gather3A_1031 : vector<16xf32>
      %mul3A_1033 = arith.mulf %mul3A_1032, %get3A_15 : vector<16xf32>
      %add3A_1034 = arith.addf %get3A_23, %mul3A_1033 : vector<16xf32>
      %add3A_1035 = arith.constant 16 : i32
      %add3A_1036 = vector.broadcast %add3A_1035 : i32 to vector<16xi32>
      %add3A_1037 = arith.addi %add3A_1036, %iota3A : vector<16xi32>
      %gather3A_1038 = tpu.vector_load_idx %arg13[%broadcast_in_dim3A_1014, %add3A_1037, %broadcast_in_dim3A_1023] : memref<7x64x128xf32, #tpu.memory_space<vmem>>[vector<16xi32>, vector<16xi32>, vector<16xi32>], vector<16xf32>,
      %gather3A_1039 = tpu.vector_load_idx %arg14[%broadcast_in_dim3A_1020, %add3A_1037, %broadcast_in_dim3A_1026] : memref<7x64x128xf32, #tpu.memory_space<vmem>>[vector<16xi32>, vector<16xi32>, vector<16xi32>], vector<16xf32>,
      %mul3A_1040 = arith.mulf %gather3A_1038, %gather3A_1039 : vector<16xf32>
      %mul3A_1041 = arith.mulf %mul3A_1040, %get3A_17 : vector<16xf32>
      %add3A_1042 = arith.addf %add3A_1034, %mul3A_1041 : vector<16xf32>
      %add3A_1043 = arith.constant 32 : i32
      %add3A_1044 = vector.broadcast %add3A_1043 : i32 to vector<16xi32>
      %add3A_1045 = arith.addi %add3A_1044, %iota3A : vector<16xi32>
      %gather3A_1046 = tpu.vector_load_idx %arg13[%broadcast_in_dim3A_1014, %add3A_1045, %broadcast_in_dim3A_1023] : memref<7x64x128xf32, #tpu.memory_space<vmem>>[vector<16xi32>, vector<16xi32>, vector<16xi32>], vector<16xf32>,
      %gather3A_1047 = tpu.vector_load_idx %arg14[%broadcast_in_dim3A_1020, %add3A_1045, %broadcast_in_dim3A_1026] : memref<7x64x128xf32, #tpu.memory_space<vmem>>[vector<16xi32>, vector<16xi32>, vector<16xi32>], vector<16xf32>,
      %mul3A_1048 = arith.mulf %gather3A_1046, %gather3A_1047 : vector<16xf32>
      %mul3A_1049 = arith.mulf %mul3A_1048, %get3A_19 : vector<16xf32>
      %add3A_1050 = arith.addf %add3A_1042, %mul3A_1049 : vector<16xf32>
      %add3A_1051 = arith.constant 48 : i32
      %add3A_1052 = vector.broadcast %add3A_1051 : i32 to vector<16xi32>
      %add3A_1053 = arith.addi %add3A_1052, %iota3A : vector<16xi32>
      %gather3A_1054 = tpu.vector_load_idx %arg13[%broadcast_in_dim3A_1014, %add3A_1053, %broadcast_in_dim3A_1023] : memref<7x64x128xf32, #tpu.memory_space<vmem>>[vector<16xi32>, vector<16xi32>, vector<16xi32>], vector<16xf32>,
      %gather3A_1055 = tpu.vector_load_idx %arg14[%broadcast_in_dim3A_1020, %add3A_1053, %broadcast_in_dim3A_1026] : memref<7x64x128xf32, #tpu.memory_space<vmem>>[vector<16xi32>, vector<16xi32>, vector<16xi32>], vector<16xf32>,
      %mul3A_1056 = arith.mulf %gather3A_1054, %gather3A_1055 : vector<16xf32>
      %mul3A_1057 = arith.mulf %mul3A_1056, %get3A_21 : vector<16xf32>
      %add3A_1058 = arith.addf %add3A_1050, %mul3A_1057 : vector<16xf32>
      %broadcast_in_dim3A_1059 = vector.shape_cast %xor3A_5 : vector<16xi32> to vector<16x1xi32>
      %gather3A_1060 = vector.shape_cast %broadcast_in_dim3A_1059 : vector<16x1xi32> to vector<16xi32>
      %gather3A_1061 = tpu.dynamic_gather %add3A_1058[%gather3A_1060] in [0] : vector<16xf32>, vector<16xi32> -> vector<16xf32>
      %add3A_1062 = arith.addf %add3A_1058, %gather3A_1061 : vector<16xf32>
      %broadcast_in_dim3A_1063 = vector.shape_cast %xor3A_8 : vector<16xi32> to vector<16x1xi32>
      %gather3A_1064 = vector.shape_cast %broadcast_in_dim3A_1063 : vector<16x1xi32> to vector<16xi32>
      %gather3A_1065 = tpu.dynamic_gather %add3A_1062[%gather3A_1064] in [0] : vector<16xf32>, vector<16xi32> -> vector<16xf32>
      %add3A_1066 = arith.addf %add3A_1062, %gather3A_1065 : vector<16xf32>
      %broadcast_in_dim3A_1067 = vector.shape_cast %xor3A_11 : vector<16xi32> to vector<16x1xi32>
      %gather3A_1068 = vector.shape_cast %broadcast_in_dim3A_1067 : vector<16x1xi32> to vector<16xi32>
      %gather3A_1069 = tpu.dynamic_gather %add3A_1066[%gather3A_1068] in [0] : vector<16xf32>, vector<16xi32> -> vector<16xf32>
      %add3A_1070 = arith.addf %add3A_1066, %gather3A_1069 : vector<16xf32>
      %broadcast_in_dim3A_1071 = vector.shape_cast %xor3A_14 : vector<16xi32> to vector<16x1xi32>
      %gather3A_1072 = vector.shape_cast %broadcast_in_dim3A_1071 : vector<16x1xi32> to vector<16xi32>
      %gather3A_1073 = tpu.dynamic_gather %add3A_1070[%gather3A_1072] in [0] : vector<16xf32>, vector<16xi32> -> vector<16xf32>
      %add3A_1074 = arith.addf %add3A_1070, %gather3A_1073 : vector<16xf32>
      %add3A_1075 = arith.constant 3 : i32
      %add3A_1076 = arith.addi %mul3A_481, %add3A_1075 : i32
      %add3A_1077 = arith.constant 6 : i32
      %add3A_1078 = arith.addi %add3A_1076, %add3A_1077 : i32
      %min3A_1079 = arith.constant 511 : i32
      %min3A_1080 = arith.minsi %add3A_1078, %min3A_1079 : i32
      %get3A_1081 = arith.index_cast %min3A_1080 : i32 to index
      %get3A_1082 = tpu.vector_load %arg11[%get3A_1081] {strides = array<i32>} : memref<528xi32, #tpu.memory_space<vmem>>, vector<16xi32>,
      %slice3A_1083 = vector.extract_strided_slice %get3A_1082 {offsets = [0], sizes = [1], strides = [1]} : vector<16xi32> to vector<1xi32>
      %squeeze3A_1084 = vector.extract %slice3A_1083[0] : i32 from vector<1xi32>
      %shift_right_arithmetic3A_1085 = arith.constant 7 : i32
      %shift_right_arithmetic3A_1086 = arith.shrsi %squeeze3A_1084, %shift_right_arithmetic3A_1085 : i32
      %min3A_1087 = arith.constant 7811 : i32
      %min3A_1088 = arith.minsi %shift_right_arithmetic3A_1086, %min3A_1087 : i32
      %get3A_1089 = arith.index_cast %min3A_1080 : i32 to index
      %get3A_1090 = tpu.vector_load %arg12[%get3A_1089] {strides = array<i32>} : memref<528xi32, #tpu.memory_space<vmem>>, vector<16xi32>,
      %slice3A_1091 = vector.extract_strided_slice %get3A_1090 {offsets = [0], sizes = [1], strides = [1]} : vector<16xi32> to vector<1xi32>
      %squeeze3A_1092 = vector.extract %slice3A_1091[0] : i32 from vector<1xi32>
      %shift_right_arithmetic3A_1093 = arith.constant 7 : i32
      %shift_right_arithmetic3A_1094 = arith.shrsi %squeeze3A_1092, %shift_right_arithmetic3A_1093 : i32
      %min3A_1095 = arith.constant 7811 : i32
      %min3A_1096 = arith.minsi %shift_right_arithmetic3A_1094, %min3A_1095 : i32
      %mul3A_1097 = arith.constant 128 : i32
      %mul3A_1098 = arith.muli %min3A_1088, %mul3A_1097 : i32
      %dma_start3A_1099 = arith.constant 3 : i32
      %dma_start3A_1100 = arith.constant 0 : i32
      %dma_start3A_1101 = arith.constant 0 : i32
      %dma_start3A_1102 = tpu.memref_slice %arg13[%dma_start3A_1099, %dma_start3A_1100, %dma_start3A_1101] : memref<7x64x128xf32, #tpu.memory_space<vmem>> -> memref<1x64x128xf32, #tpu.memory_space<vmem>>
      %dma_start3A_1103 = tpu.memref_squeeze %dma_start3A_1102 : memref<1x64x128xf32, #tpu.memory_space<vmem>> -> memref<64x128xf32, #tpu.memory_space<vmem>>
      %dma_start3A_1104 = arith.constant 0 : i32
      %dma_start3A_1105 = tpu.memref_slice %arg4[%dma_start3A_1104, %mul3A_1098] : memref<64x1000000xf32, #tpu.memory_space<hbm>> -> memref<64x128xf32, #tpu.memory_space<hbm>>
      %dma_start3A_1106 = arith.constant 0 : i32
      %dma_start3A_1107 = arith.constant 0 : i32
      %dma_start3A_1108 = tpu.memref_slice %arg13[%dma_start3A_1099, %dma_start3A_1106, %dma_start3A_1107] : memref<7x64x128xf32, #tpu.memory_space<vmem>> -> memref<1x64x128xf32, #tpu.memory_space<vmem>>
      %dma_start3A_1109 = tpu.memref_squeeze %dma_start3A_1108 : memref<1x64x128xf32, #tpu.memory_space<vmem>> -> memref<64x128xf32, #tpu.memory_space<vmem>>
      %dma_start3A_1110 = arith.constant 0 : i32
      %dma_start3A_1111 = tpu.memref_slice %arg4[%dma_start3A_1110, %mul3A_1098] : memref<64x1000000xf32, #tpu.memory_space<hbm>> -> memref<64x128xf32, #tpu.memory_space<hbm>>
      tpu.enqueue_dma source(%dma_start3A_1111 : memref<64x128xf32, #tpu.memory_space<hbm>>) target(%dma_start3A_1109 : memref<64x128xf32, #tpu.memory_space<vmem>>) target_semaphore(%arg21 : memref<!tpu.dma_semaphore, #tpu.memory_space<semaphore_mem>>)
      %mul3A_1112 = arith.constant 128 : i32
      %mul3A_1113 = arith.muli %min3A_1096, %mul3A_1112 : i32
      %dma_start3A_1114 = arith.constant 3 : i32
      %dma_start3A_1115 = arith.constant 0 : i32
      %dma_start3A_1116 = arith.constant 0 : i32
      %dma_start3A_1117 = tpu.memref_slice %arg14[%dma_start3A_1114, %dma_start3A_1115, %dma_start3A_1116] : memref<7x64x128xf32, #tpu.memory_space<vmem>> -> memref<1x64x128xf32, #tpu.memory_space<vmem>>
      %dma_start3A_1118 = tpu.memref_squeeze %dma_start3A_1117 : memref<1x64x128xf32, #tpu.memory_space<vmem>> -> memref<64x128xf32, #tpu.memory_space<vmem>>
      %dma_start3A_1119 = arith.constant 0 : i32
      %dma_start3A_1120 = tpu.memref_slice %arg5[%dma_start3A_1119, %mul3A_1113] : memref<64x1000000xf32, #tpu.memory_space<hbm>> -> memref<64x128xf32, #tpu.memory_space<hbm>>
      %dma_start3A_1121 = arith.constant 0 : i32
      %dma_start3A_1122 = arith.constant 0 : i32
      %dma_start3A_1123 = tpu.memref_slice %arg14[%dma_start3A_1114, %dma_start3A_1121, %dma_start3A_1122] : memref<7x64x128xf32, #tpu.memory_space<vmem>> -> memref<1x64x128xf32, #tpu.memory_space<vmem>>
      %dma_start3A_1124 = tpu.memref_squeeze %dma_start3A_1123 : memref<1x64x128xf32, #tpu.memory_space<vmem>> -> memref<64x128xf32, #tpu.memory_space<vmem>>
      %dma_start3A_1125 = arith.constant 0 : i32
      %dma_start3A_1126 = tpu.memref_slice %arg5[%dma_start3A_1125, %mul3A_1113] : memref<64x1000000xf32, #tpu.memory_space<hbm>> -> memref<64x128xf32, #tpu.memory_space<hbm>>
      tpu.enqueue_dma source(%dma_start3A_1126 : memref<64x128xf32, #tpu.memory_space<hbm>>) target(%dma_start3A_1124 : memref<64x128xf32, #tpu.memory_space<vmem>>) target_semaphore(%arg21 : memref<!tpu.dma_semaphore, #tpu.memory_space<semaphore_mem>>)
      %broadcast_in_dim3A_1127 = vector.broadcast %min3A_970 : i32 to vector<16xi32>
      %eq3A_1128 = arith.constant 0 : i32
      %eq3A_1129 = vector.broadcast %eq3A_1128 : i32 to vector<16xi32>
      %eq3A_1130 = arith.cmpi eq, %iota3A, %eq3A_1129 : vector<16xi32>
      tpu.vector_store_idx %arg15[%broadcast_in_dim3A_1127], %add3A_1074 masked %eq3A_1130 : memref<512xf32, #tpu.memory_space<vmem>>[vector<16xi32>], vector<16xf32>, vector<16xi1>
      %add3A_1131 = arith.constant 4 : i32
      %add3A_1132 = arith.addi %mul3A_481, %add3A_1131 : i32
      %min3A_1133 = arith.constant 511 : i32
      %min3A_1134 = arith.minsi %add3A_1132, %min3A_1133 : i32
      %dma_wait3A_1135 = arith.constant 4 : i32
      %dma_wait3A_1136 = arith.constant 0 : i32
      %dma_wait3A_1137 = arith.constant 0 : i32
      %dma_wait3A_1138 = tpu.memref_slice %arg13[%dma_wait3A_1135, %dma_wait3A_1136, %dma_wait3A_1137] : memref<7x64x128xf32, #tpu.memory_space<vmem>> -> memref<1x64x128xf32, #tpu.memory_space<vmem>>
      %dma_wait3A_1139 = tpu.memref_squeeze %dma_wait3A_1138 : memref<1x64x128xf32, #tpu.memory_space<vmem>> -> memref<64x128xf32, #tpu.memory_space<vmem>>
      %dma_wait3A_1140 = arith.constant 0 : i32
      %dma_wait3A_1141 = arith.constant 0 : i32
      %dma_wait3A_1142 = tpu.memref_slice %arg4[%dma_wait3A_1140, %dma_wait3A_1141] : memref<64x1000000xf32, #tpu.memory_space<hbm>> -> memref<64x128xf32, #tpu.memory_space<hbm>>
      %dma_wait3A_1143 = arith.constant 0 : i32
      %dma_wait3A_1144 = arith.constant 0 : i32
      %dma_wait3A_1145 = tpu.memref_slice %arg13[%dma_wait3A_1135, %dma_wait3A_1143, %dma_wait3A_1144] : memref<7x64x128xf32, #tpu.memory_space<vmem>> -> memref<1x64x128xf32, #tpu.memory_space<vmem>>
      %dma_wait3A_1146 = tpu.memref_squeeze %dma_wait3A_1145 : memref<1x64x128xf32, #tpu.memory_space<vmem>> -> memref<64x128xf32, #tpu.memory_space<vmem>>
      %dma_wait3A_1147 = arith.constant 0 : i32
      %dma_wait3A_1148 = arith.constant 0 : i32
      %dma_wait3A_1149 = tpu.memref_slice %arg4[%dma_wait3A_1147, %dma_wait3A_1148] : memref<64x1000000xf32, #tpu.memory_space<hbm>> -> memref<64x128xf32, #tpu.memory_space<hbm>>
      tpu.wait_dma2 semaphore(%arg22 : memref<!tpu.dma_semaphore, #tpu.memory_space<semaphore_mem>>) src(%dma_wait3A_1149 : memref<64x128xf32, #tpu.memory_space<hbm>>) dst(%dma_wait3A_1146 : memref<64x128xf32, #tpu.memory_space<vmem>>)
      %dma_wait3A_1150 = arith.constant 4 : i32
      %dma_wait3A_1151 = arith.constant 0 : i32
      %dma_wait3A_1152 = arith.constant 0 : i32
      %dma_wait3A_1153 = tpu.memref_slice %arg14[%dma_wait3A_1150, %dma_wait3A_1151, %dma_wait3A_1152] : memref<7x64x128xf32, #tpu.memory_space<vmem>> -> memref<1x64x128xf32, #tpu.memory_space<vmem>>
      %dma_wait3A_1154 = tpu.memref_squeeze %dma_wait3A_1153 : memref<1x64x128xf32, #tpu.memory_space<vmem>> -> memref<64x128xf32, #tpu.memory_space<vmem>>
      %dma_wait3A_1155 = arith.constant 0 : i32
      %dma_wait3A_1156 = arith.constant 0 : i32
      %dma_wait3A_1157 = tpu.memref_slice %arg4[%dma_wait3A_1155, %dma_wait3A_1156] : memref<64x1000000xf32, #tpu.memory_space<hbm>> -> memref<64x128xf32, #tpu.memory_space<hbm>>
      %dma_wait3A_1158 = arith.constant 0 : i32
      %dma_wait3A_1159 = arith.constant 0 : i32
      %dma_wait3A_1160 = tpu.memref_slice %arg14[%dma_wait3A_1150, %dma_wait3A_1158, %dma_wait3A_1159] : memref<7x64x128xf32, #tpu.memory_space<vmem>> -> memref<1x64x128xf32, #tpu.memory_space<vmem>>
      %dma_wait3A_1161 = tpu.memref_squeeze %dma_wait3A_1160 : memref<1x64x128xf32, #tpu.memory_space<vmem>> -> memref<64x128xf32, #tpu.memory_space<vmem>>
      %dma_wait3A_1162 = arith.constant 0 : i32
      %dma_wait3A_1163 = arith.constant 0 : i32
      %dma_wait3A_1164 = tpu.memref_slice %arg4[%dma_wait3A_1162, %dma_wait3A_1163] : memref<64x1000000xf32, #tpu.memory_space<hbm>> -> memref<64x128xf32, #tpu.memory_space<hbm>>
      tpu.wait_dma2 semaphore(%arg22 : memref<!tpu.dma_semaphore, #tpu.memory_space<semaphore_mem>>) src(%dma_wait3A_1164 : memref<64x128xf32, #tpu.memory_space<hbm>>) dst(%dma_wait3A_1161 : memref<64x128xf32, #tpu.memory_space<vmem>>)
      %get3A_1165 = arith.index_cast %min3A_1134 : i32 to index
      %get3A_1166 = tpu.vector_load %arg11[%get3A_1165] {strides = array<i32>} : memref<528xi32, #tpu.memory_space<vmem>>, vector<16xi32>,
      %slice3A_1167 = vector.extract_strided_slice %get3A_1166 {offsets = [0], sizes = [1], strides = [1]} : vector<16xi32> to vector<1xi32>
      %squeeze3A_1168 = vector.extract %slice3A_1167[0] : i32 from vector<1xi32>
      %get3A_1169 = arith.index_cast %min3A_1134 : i32 to index
      %get3A_1170 = tpu.vector_load %arg12[%get3A_1169] {strides = array<i32>} : memref<528xi32, #tpu.memory_space<vmem>>, vector<16xi32>,
      %slice3A_1171 = vector.extract_strided_slice %get3A_1170 {offsets = [0], sizes = [1], strides = [1]} : vector<16xi32> to vector<1xi32>
      %squeeze3A_1172 = vector.extract %slice3A_1171[0] : i32 from vector<1xi32>
      %ge3A_1173 = arith.constant 999936 : i32
      %ge3A_1174 = arith.cmpi sge, %squeeze3A_1168, %ge3A_1173 : i32
      %jit3A_1175 = arith.constant 6 : i32
      %jit3A_1176 = arith.constant 4 : i32
      %select_n3A_1177 = arith.select %ge3A_1174, %jit3A_1175, %jit3A_1176 : i32
      %broadcast_in_dim3A_1178 = vector.broadcast %select_n3A_1177 : i32 to vector<16xi32>
      %ge3A_1179 = arith.constant 999936 : i32
      %ge3A_1180 = arith.cmpi sge, %squeeze3A_1172, %ge3A_1179 : i32
      %jit3A_1181 = arith.constant 6 : i32
      %jit3A_1182 = arith.constant 4 : i32
      %select_n3A_1183 = arith.select %ge3A_1180, %jit3A_1181, %jit3A_1182 : i32
      %broadcast_in_dim3A_1184 = vector.broadcast %select_n3A_1183 : i32 to vector<16xi32>
      %and3A_1185 = arith.constant 127 : i32
      %and3A_1186 = arith.andi %squeeze3A_1168, %and3A_1185 : i32
      %broadcast_in_dim3A_1187 = vector.broadcast %and3A_1186 : i32 to vector<16xi32>
      %and3A_1188 = arith.constant 127 : i32
      %and3A_1189 = arith.andi %squeeze3A_1172, %and3A_1188 : i32
      %broadcast_in_dim3A_1190 = vector.broadcast %and3A_1189 : i32 to vector<16xi32>
      %add3A_1191 = arith.constant 0 : i32
      %add3A_1192 = vector.broadcast %add3A_1191 : i32 to vector<16xi32>
      %add3A_1193 = arith.addi %add3A_1192, %iota3A : vector<16xi32>
      %gather3A_1194 = tpu.vector_load_idx %arg13[%broadcast_in_dim3A_1178, %add3A_1193, %broadcast_in_dim3A_1187] : memref<7x64x128xf32, #tpu.memory_space<vmem>>[vector<16xi32>, vector<16xi32>, vector<16xi32>], vector<16xf32>,
      %gather3A_1195 = tpu.vector_load_idx %arg14[%broadcast_in_dim3A_1184, %add3A_1193, %broadcast_in_dim3A_1190] : memref<7x64x128xf32, #tpu.memory_space<vmem>>[vector<16xi32>, vector<16xi32>, vector<16xi32>], vector<16xf32>,
      %mul3A_1196 = arith.mulf %gather3A_1194, %gather3A_1195 : vector<16xf32>
      %mul3A_1197 = arith.mulf %mul3A_1196, %get3A_15 : vector<16xf32>
      %add3A_1198 = arith.addf %get3A_23, %mul3A_1197 : vector<16xf32>
      %add3A_1199 = arith.constant 16 : i32
      %add3A_1200 = vector.broadcast %add3A_1199 : i32 to vector<16xi32>
      %add3A_1201 = arith.addi %add3A_1200, %iota3A : vector<16xi32>
      %gather3A_1202 = tpu.vector_load_idx %arg13[%broadcast_in_dim3A_1178, %add3A_1201, %broadcast_in_dim3A_1187] : memref<7x64x128xf32, #tpu.memory_space<vmem>>[vector<16xi32>, vector<16xi32>, vector<16xi32>], vector<16xf32>,
      %gather3A_1203 = tpu.vector_load_idx %arg14[%broadcast_in_dim3A_1184, %add3A_1201, %broadcast_in_dim3A_1190] : memref<7x64x128xf32, #tpu.memory_space<vmem>>[vector<16xi32>, vector<16xi32>, vector<16xi32>], vector<16xf32>,
      %mul3A_1204 = arith.mulf %gather3A_1202, %gather3A_1203 : vector<16xf32>
      %mul3A_1205 = arith.mulf %mul3A_1204, %get3A_17 : vector<16xf32>
      %add3A_1206 = arith.addf %add3A_1198, %mul3A_1205 : vector<16xf32>
      %add3A_1207 = arith.constant 32 : i32
      %add3A_1208 = vector.broadcast %add3A_1207 : i32 to vector<16xi32>
      %add3A_1209 = arith.addi %add3A_1208, %iota3A : vector<16xi32>
      %gather3A_1210 = tpu.vector_load_idx %arg13[%broadcast_in_dim3A_1178, %add3A_1209, %broadcast_in_dim3A_1187] : memref<7x64x128xf32, #tpu.memory_space<vmem>>[vector<16xi32>, vector<16xi32>, vector<16xi32>], vector<16xf32>,
      %gather3A_1211 = tpu.vector_load_idx %arg14[%broadcast_in_dim3A_1184, %add3A_1209, %broadcast_in_dim3A_1190] : memref<7x64x128xf32, #tpu.memory_space<vmem>>[vector<16xi32>, vector<16xi32>, vector<16xi32>], vector<16xf32>,
      %mul3A_1212 = arith.mulf %gather3A_1210, %gather3A_1211 : vector<16xf32>
      %mul3A_1213 = arith.mulf %mul3A_1212, %get3A_19 : vector<16xf32>
      %add3A_1214 = arith.addf %add3A_1206, %mul3A_1213 : vector<16xf32>
      %add3A_1215 = arith.constant 48 : i32
      %add3A_1216 = vector.broadcast %add3A_1215 : i32 to vector<16xi32>
      %add3A_1217 = arith.addi %add3A_1216, %iota3A : vector<16xi32>
      %gather3A_1218 = tpu.vector_load_idx %arg13[%broadcast_in_dim3A_1178, %add3A_1217, %broadcast_in_dim3A_1187] : memref<7x64x128xf32, #tpu.memory_space<vmem>>[vector<16xi32>, vector<16xi32>, vector<16xi32>], vector<16xf32>,
      %gather3A_1219 = tpu.vector_load_idx %arg14[%broadcast_in_dim3A_1184, %add3A_1217, %broadcast_in_dim3A_1190] : memref<7x64x128xf32, #tpu.memory_space<vmem>>[vector<16xi32>, vector<16xi32>, vector<16xi32>], vector<16xf32>,
      %mul3A_1220 = arith.mulf %gather3A_1218, %gather3A_1219 : vector<16xf32>
      %mul3A_1221 = arith.mulf %mul3A_1220, %get3A_21 : vector<16xf32>
      %add3A_1222 = arith.addf %add3A_1214, %mul3A_1221 : vector<16xf32>
      %broadcast_in_dim3A_1223 = vector.shape_cast %xor3A_5 : vector<16xi32> to vector<16x1xi32>
      %gather3A_1224 = vector.shape_cast %broadcast_in_dim3A_1223 : vector<16x1xi32> to vector<16xi32>
      %gather3A_1225 = tpu.dynamic_gather %add3A_1222[%gather3A_1224] in [0] : vector<16xf32>, vector<16xi32> -> vector<16xf32>
      %add3A_1226 = arith.addf %add3A_1222, %gather3A_1225 : vector<16xf32>
      %broadcast_in_dim3A_1227 = vector.shape_cast %xor3A_8 : vector<16xi32> to vector<16x1xi32>
      %gather3A_1228 = vector.shape_cast %broadcast_in_dim3A_1227 : vector<16x1xi32> to vector<16xi32>
      %gather3A_1229 = tpu.dynamic_gather %add3A_1226[%gather3A_1228] in [0] : vector<16xf32>, vector<16xi32> -> vector<16xf32>
      %add3A_1230 = arith.addf %add3A_1226, %gather3A_1229 : vector<16xf32>
      %broadcast_in_dim3A_1231 = vector.shape_cast %xor3A_11 : vector<16xi32> to vector<16x1xi32>
      %gather3A_1232 = vector.shape_cast %broadcast_in_dim3A_1231 : vector<16x1xi32> to vector<16xi32>
      %gather3A_1233 = tpu.dynamic_gather %add3A_1230[%gather3A_1232] in [0] : vector<16xf32>, vector<16xi32> -> vector<16xf32>
      %add3A_1234 = arith.addf %add3A_1230, %gather3A_1233 : vector<16xf32>
      %broadcast_in_dim3A_1235 = vector.shape_cast %xor3A_14 : vector<16xi32> to vector<16x1xi32>
      %gather3A_1236 = vector.shape_cast %broadcast_in_dim3A_1235 : vector<16x1xi32> to vector<16xi32>
      %gather3A_1237 = tpu.dynamic_gather %add3A_1234[%gather3A_1236] in [0] : vector<16xf32>, vector<16xi32> -> vector<16xf32>
      %add3A_1238 = arith.addf %add3A_1234, %gather3A_1237 : vector<16xf32>
      %add3A_1239 = arith.constant 4 : i32
      %add3A_1240 = arith.addi %mul3A_481, %add3A_1239 : i32
      %add3A_1241 = arith.constant 6 : i32
      %add3A_1242 = arith.addi %add3A_1240, %add3A_1241 : i32
      %min3A_1243 = arith.constant 511 : i32
      %min3A_1244 = arith.minsi %add3A_1242, %min3A_1243 : i32
      %get3A_1245 = arith.index_cast %min3A_1244 : i32 to index
      %get3A_1246 = tpu.vector_load %arg11[%get3A_1245] {strides = array<i32>} : memref<528xi32, #tpu.memory_space<vmem>>, vector<16xi32>,
      %slice3A_1247 = vector.extract_strided_slice %get3A_1246 {offsets = [0], sizes = [1], strides = [1]} : vector<16xi32> to vector<1xi32>
      %squeeze3A_1248 = vector.extract %slice3A_1247[0] : i32 from vector<1xi32>
      %shift_right_arithmetic3A_1249 = arith.constant 7 : i32
      %shift_right_arithmetic3A_1250 = arith.shrsi %squeeze3A_1248, %shift_right_arithmetic3A_1249 : i32
      %min3A_1251 = arith.constant 7811 : i32
      %min3A_1252 = arith.minsi %shift_right_arithmetic3A_1250, %min3A_1251 : i32
      %get3A_1253 = arith.index_cast %min3A_1244 : i32 to index
      %get3A_1254 = tpu.vector_load %arg12[%get3A_1253] {strides = array<i32>} : memref<528xi32, #tpu.memory_space<vmem>>, vector<16xi32>,
      %slice3A_1255 = vector.extract_strided_slice %get3A_1254 {offsets = [0], sizes = [1], strides = [1]} : vector<16xi32> to vector<1xi32>
      %squeeze3A_1256 = vector.extract %slice3A_1255[0] : i32 from vector<1xi32>
      %shift_right_arithmetic3A_1257 = arith.constant 7 : i32
      %shift_right_arithmetic3A_1258 = arith.shrsi %squeeze3A_1256, %shift_right_arithmetic3A_1257 : i32
      %min3A_1259 = arith.constant 7811 : i32
      %min3A_1260 = arith.minsi %shift_right_arithmetic3A_1258, %min3A_1259 : i32
      %mul3A_1261 = arith.constant 128 : i32
      %mul3A_1262 = arith.muli %min3A_1252, %mul3A_1261 : i32
      %dma_start3A_1263 = arith.constant 4 : i32
      %dma_start3A_1264 = arith.constant 0 : i32
      %dma_start3A_1265 = arith.constant 0 : i32
      %dma_start3A_1266 = tpu.memref_slice %arg13[%dma_start3A_1263, %dma_start3A_1264, %dma_start3A_1265] : memref<7x64x128xf32, #tpu.memory_space<vmem>> -> memref<1x64x128xf32, #tpu.memory_space<vmem>>
      %dma_start3A_1267 = tpu.memref_squeeze %dma_start3A_1266 : memref<1x64x128xf32, #tpu.memory_space<vmem>> -> memref<64x128xf32, #tpu.memory_space<vmem>>
      %dma_start3A_1268 = arith.constant 0 : i32
      %dma_start3A_1269 = tpu.memref_slice %arg4[%dma_start3A_1268, %mul3A_1262] : memref<64x1000000xf32, #tpu.memory_space<hbm>> -> memref<64x128xf32, #tpu.memory_space<hbm>>
      %dma_start3A_1270 = arith.constant 0 : i32
      %dma_start3A_1271 = arith.constant 0 : i32
      %dma_start3A_1272 = tpu.memref_slice %arg13[%dma_start3A_1263, %dma_start3A_1270, %dma_start3A_1271] : memref<7x64x128xf32, #tpu.memory_space<vmem>> -> memref<1x64x128xf32, #tpu.memory_space<vmem>>
      %dma_start3A_1273 = tpu.memref_squeeze %dma_start3A_1272 : memref<1x64x128xf32, #tpu.memory_space<vmem>> -> memref<64x128xf32, #tpu.memory_space<vmem>>
      %dma_start3A_1274 = arith.constant 0 : i32
      %dma_start3A_1275 = tpu.memref_slice %arg4[%dma_start3A_1274, %mul3A_1262] : memref<64x1000000xf32, #tpu.memory_space<hbm>> -> memref<64x128xf32, #tpu.memory_space<hbm>>
      tpu.enqueue_dma source(%dma_start3A_1275 : memref<64x128xf32, #tpu.memory_space<hbm>>) target(%dma_start3A_1273 : memref<64x128xf32, #tpu.memory_space<vmem>>) target_semaphore(%arg22 : memref<!tpu.dma_semaphore, #tpu.memory_space<semaphore_mem>>)
      %mul3A_1276 = arith.constant 128 : i32
      %mul3A_1277 = arith.muli %min3A_1260, %mul3A_1276 : i32
      %dma_start3A_1278 = arith.constant 4 : i32
      %dma_start3A_1279 = arith.constant 0 : i32
      %dma_start3A_1280 = arith.constant 0 : i32
      %dma_start3A_1281 = tpu.memref_slice %arg14[%dma_start3A_1278, %dma_start3A_1279, %dma_start3A_1280] : memref<7x64x128xf32, #tpu.memory_space<vmem>> -> memref<1x64x128xf32, #tpu.memory_space<vmem>>
      %dma_start3A_1282 = tpu.memref_squeeze %dma_start3A_1281 : memref<1x64x128xf32, #tpu.memory_space<vmem>> -> memref<64x128xf32, #tpu.memory_space<vmem>>
      %dma_start3A_1283 = arith.constant 0 : i32
      %dma_start3A_1284 = tpu.memref_slice %arg5[%dma_start3A_1283, %mul3A_1277] : memref<64x1000000xf32, #tpu.memory_space<hbm>> -> memref<64x128xf32, #tpu.memory_space<hbm>>
      %dma_start3A_1285 = arith.constant 0 : i32
      %dma_start3A_1286 = arith.constant 0 : i32
      %dma_start3A_1287 = tpu.memref_slice %arg14[%dma_start3A_1278, %dma_start3A_1285, %dma_start3A_1286] : memref<7x64x128xf32, #tpu.memory_space<vmem>> -> memref<1x64x128xf32, #tpu.memory_space<vmem>>
      %dma_start3A_1288 = tpu.memref_squeeze %dma_start3A_1287 : memref<1x64x128xf32, #tpu.memory_space<vmem>> -> memref<64x128xf32, #tpu.memory_space<vmem>>
      %dma_start3A_1289 = arith.constant 0 : i32
      %dma_start3A_1290 = tpu.memref_slice %arg5[%dma_start3A_1289, %mul3A_1277] : memref<64x1000000xf32, #tpu.memory_space<hbm>> -> memref<64x128xf32, #tpu.memory_space<hbm>>
      tpu.enqueue_dma source(%dma_start3A_1290 : memref<64x128xf32, #tpu.memory_space<hbm>>) target(%dma_start3A_1288 : memref<64x128xf32, #tpu.memory_space<vmem>>) target_semaphore(%arg22 : memref<!tpu.dma_semaphore, #tpu.memory_space<semaphore_mem>>)
      %broadcast_in_dim3A_1291 = vector.broadcast %min3A_1134 : i32 to vector<16xi32>
      %eq3A_1292 = arith.constant 0 : i32
      %eq3A_1293 = vector.broadcast %eq3A_1292 : i32 to vector<16xi32>
      %eq3A_1294 = arith.cmpi eq, %iota3A, %eq3A_1293 : vector<16xi32>
      tpu.vector_store_idx %arg15[%broadcast_in_dim3A_1291], %add3A_1238 masked %eq3A_1294 : memref<512xf32, #tpu.memory_space<vmem>>[vector<16xi32>], vector<16xf32>, vector<16xi1>
      %add3A_1295 = arith.constant 5 : i32
      %add3A_1296 = arith.addi %mul3A_481, %add3A_1295 : i32
      %min3A_1297 = arith.constant 511 : i32
      %min3A_1298 = arith.minsi %add3A_1296, %min3A_1297 : i32
      %dma_wait3A_1299 = arith.constant 5 : i32
      %dma_wait3A_1300 = arith.constant 0 : i32
      %dma_wait3A_1301 = arith.constant 0 : i32
      %dma_wait3A_1302 = tpu.memref_slice %arg13[%dma_wait3A_1299, %dma_wait3A_1300, %dma_wait3A_1301] : memref<7x64x128xf32, #tpu.memory_space<vmem>> -> memref<1x64x128xf32, #tpu.memory_space<vmem>>
      %dma_wait3A_1303 = tpu.memref_squeeze %dma_wait3A_1302 : memref<1x64x128xf32, #tpu.memory_space<vmem>> -> memref<64x128xf32, #tpu.memory_space<vmem>>
      %dma_wait3A_1304 = arith.constant 0 : i32
      %dma_wait3A_1305 = arith.constant 0 : i32
      %dma_wait3A_1306 = tpu.memref_slice %arg4[%dma_wait3A_1304, %dma_wait3A_1305] : memref<64x1000000xf32, #tpu.memory_space<hbm>> -> memref<64x128xf32, #tpu.memory_space<hbm>>
      %dma_wait3A_1307 = arith.constant 0 : i32
      %dma_wait3A_1308 = arith.constant 0 : i32
      %dma_wait3A_1309 = tpu.memref_slice %arg13[%dma_wait3A_1299, %dma_wait3A_1307, %dma_wait3A_1308] : memref<7x64x128xf32, #tpu.memory_space<vmem>> -> memref<1x64x128xf32, #tpu.memory_space<vmem>>
      %dma_wait3A_1310 = tpu.memref_squeeze %dma_wait3A_1309 : memref<1x64x128xf32, #tpu.memory_space<vmem>> -> memref<64x128xf32, #tpu.memory_space<vmem>>
      %dma_wait3A_1311 = arith.constant 0 : i32
      %dma_wait3A_1312 = arith.constant 0 : i32
      %dma_wait3A_1313 = tpu.memref_slice %arg4[%dma_wait3A_1311, %dma_wait3A_1312] : memref<64x1000000xf32, #tpu.memory_space<hbm>> -> memref<64x128xf32, #tpu.memory_space<hbm>>
      tpu.wait_dma2 semaphore(%arg23 : memref<!tpu.dma_semaphore, #tpu.memory_space<semaphore_mem>>) src(%dma_wait3A_1313 : memref<64x128xf32, #tpu.memory_space<hbm>>) dst(%dma_wait3A_1310 : memref<64x128xf32, #tpu.memory_space<vmem>>)
      %dma_wait3A_1314 = arith.constant 5 : i32
      %dma_wait3A_1315 = arith.constant 0 : i32
      %dma_wait3A_1316 = arith.constant 0 : i32
      %dma_wait3A_1317 = tpu.memref_slice %arg14[%dma_wait3A_1314, %dma_wait3A_1315, %dma_wait3A_1316] : memref<7x64x128xf32, #tpu.memory_space<vmem>> -> memref<1x64x128xf32, #tpu.memory_space<vmem>>
      %dma_wait3A_1318 = tpu.memref_squeeze %dma_wait3A_1317 : memref<1x64x128xf32, #tpu.memory_space<vmem>> -> memref<64x128xf32, #tpu.memory_space<vmem>>
      %dma_wait3A_1319 = arith.constant 0 : i32
      %dma_wait3A_1320 = arith.constant 0 : i32
      %dma_wait3A_1321 = tpu.memref_slice %arg4[%dma_wait3A_1319, %dma_wait3A_1320] : memref<64x1000000xf32, #tpu.memory_space<hbm>> -> memref<64x128xf32, #tpu.memory_space<hbm>>
      %dma_wait3A_1322 = arith.constant 0 : i32
      %dma_wait3A_1323 = arith.constant 0 : i32
      %dma_wait3A_1324 = tpu.memref_slice %arg14[%dma_wait3A_1314, %dma_wait3A_1322, %dma_wait3A_1323] : memref<7x64x128xf32, #tpu.memory_space<vmem>> -> memref<1x64x128xf32, #tpu.memory_space<vmem>>
      %dma_wait3A_1325 = tpu.memref_squeeze %dma_wait3A_1324 : memref<1x64x128xf32, #tpu.memory_space<vmem>> -> memref<64x128xf32, #tpu.memory_space<vmem>>
      %dma_wait3A_1326 = arith.constant 0 : i32
      %dma_wait3A_1327 = arith.constant 0 : i32
      %dma_wait3A_1328 = tpu.memref_slice %arg4[%dma_wait3A_1326, %dma_wait3A_1327] : memref<64x1000000xf32, #tpu.memory_space<hbm>> -> memref<64x128xf32, #tpu.memory_space<hbm>>
      tpu.wait_dma2 semaphore(%arg23 : memref<!tpu.dma_semaphore, #tpu.memory_space<semaphore_mem>>) src(%dma_wait3A_1328 : memref<64x128xf32, #tpu.memory_space<hbm>>) dst(%dma_wait3A_1325 : memref<64x128xf32, #tpu.memory_space<vmem>>)
      %get3A_1329 = arith.index_cast %min3A_1298 : i32 to index
      %get3A_1330 = tpu.vector_load %arg11[%get3A_1329] {strides = array<i32>} : memref<528xi32, #tpu.memory_space<vmem>>, vector<16xi32>,
      %slice3A_1331 = vector.extract_strided_slice %get3A_1330 {offsets = [0], sizes = [1], strides = [1]} : vector<16xi32> to vector<1xi32>
      %squeeze3A_1332 = vector.extract %slice3A_1331[0] : i32 from vector<1xi32>
      %get3A_1333 = arith.index_cast %min3A_1298 : i32 to index
      %get3A_1334 = tpu.vector_load %arg12[%get3A_1333] {strides = array<i32>} : memref<528xi32, #tpu.memory_space<vmem>>, vector<16xi32>,
      %slice3A_1335 = vector.extract_strided_slice %get3A_1334 {offsets = [0], sizes = [1], strides = [1]} : vector<16xi32> to vector<1xi32>
      %squeeze3A_1336 = vector.extract %slice3A_1335[0] : i32 from vector<1xi32>
      %ge3A_1337 = arith.constant 999936 : i32
      %ge3A_1338 = arith.cmpi sge, %squeeze3A_1332, %ge3A_1337 : i32
      %jit3A_1339 = arith.constant 6 : i32
      %jit3A_1340 = arith.constant 5 : i32
      %select_n3A_1341 = arith.select %ge3A_1338, %jit3A_1339, %jit3A_1340 : i32
      %broadcast_in_dim3A_1342 = vector.broadcast %select_n3A_1341 : i32 to vector<16xi32>
      %ge3A_1343 = arith.constant 999936 : i32
      %ge3A_1344 = arith.cmpi sge, %squeeze3A_1336, %ge3A_1343 : i32
      %jit3A_1345 = arith.constant 6 : i32
      %jit3A_1346 = arith.constant 5 : i32
      %select_n3A_1347 = arith.select %ge3A_1344, %jit3A_1345, %jit3A_1346 : i32
      %broadcast_in_dim3A_1348 = vector.broadcast %select_n3A_1347 : i32 to vector<16xi32>
      %and3A_1349 = arith.constant 127 : i32
      %and3A_1350 = arith.andi %squeeze3A_1332, %and3A_1349 : i32
      %broadcast_in_dim3A_1351 = vector.broadcast %and3A_1350 : i32 to vector<16xi32>
      %and3A_1352 = arith.constant 127 : i32
      %and3A_1353 = arith.andi %squeeze3A_1336, %and3A_1352 : i32
      %broadcast_in_dim3A_1354 = vector.broadcast %and3A_1353 : i32 to vector<16xi32>
      %add3A_1355 = arith.constant 0 : i32
      %add3A_1356 = vector.broadcast %add3A_1355 : i32 to vector<16xi32>
      %add3A_1357 = arith.addi %add3A_1356, %iota3A : vector<16xi32>
      %gather3A_1358 = tpu.vector_load_idx %arg13[%broadcast_in_dim3A_1342, %add3A_1357, %broadcast_in_dim3A_1351] : memref<7x64x128xf32, #tpu.memory_space<vmem>>[vector<16xi32>, vector<16xi32>, vector<16xi32>], vector<16xf32>,
      %gather3A_1359 = tpu.vector_load_idx %arg14[%broadcast_in_dim3A_1348, %add3A_1357, %broadcast_in_dim3A_1354] : memref<7x64x128xf32, #tpu.memory_space<vmem>>[vector<16xi32>, vector<16xi32>, vector<16xi32>], vector<16xf32>,
      %mul3A_1360 = arith.mulf %gather3A_1358, %gather3A_1359 : vector<16xf32>
      %mul3A_1361 = arith.mulf %mul3A_1360, %get3A_15 : vector<16xf32>
      %add3A_1362 = arith.addf %get3A_23, %mul3A_1361 : vector<16xf32>
      %add3A_1363 = arith.constant 16 : i32
      %add3A_1364 = vector.broadcast %add3A_1363 : i32 to vector<16xi32>
      %add3A_1365 = arith.addi %add3A_1364, %iota3A : vector<16xi32>
      %gather3A_1366 = tpu.vector_load_idx %arg13[%broadcast_in_dim3A_1342, %add3A_1365, %broadcast_in_dim3A_1351] : memref<7x64x128xf32, #tpu.memory_space<vmem>>[vector<16xi32>, vector<16xi32>, vector<16xi32>], vector<16xf32>,
      %gather3A_1367 = tpu.vector_load_idx %arg14[%broadcast_in_dim3A_1348, %add3A_1365, %broadcast_in_dim3A_1354] : memref<7x64x128xf32, #tpu.memory_space<vmem>>[vector<16xi32>, vector<16xi32>, vector<16xi32>], vector<16xf32>,
      %mul3A_1368 = arith.mulf %gather3A_1366, %gather3A_1367 : vector<16xf32>
      %mul3A_1369 = arith.mulf %mul3A_1368, %get3A_17 : vector<16xf32>
      %add3A_1370 = arith.addf %add3A_1362, %mul3A_1369 : vector<16xf32>
      %add3A_1371 = arith.constant 32 : i32
      %add3A_1372 = vector.broadcast %add3A_1371 : i32 to vector<16xi32>
      %add3A_1373 = arith.addi %add3A_1372, %iota3A : vector<16xi32>
      %gather3A_1374 = tpu.vector_load_idx %arg13[%broadcast_in_dim3A_1342, %add3A_1373, %broadcast_in_dim3A_1351] : memref<7x64x128xf32, #tpu.memory_space<vmem>>[vector<16xi32>, vector<16xi32>, vector<16xi32>], vector<16xf32>,
      %gather3A_1375 = tpu.vector_load_idx %arg14[%broadcast_in_dim3A_1348, %add3A_1373, %broadcast_in_dim3A_1354] : memref<7x64x128xf32, #tpu.memory_space<vmem>>[vector<16xi32>, vector<16xi32>, vector<16xi32>], vector<16xf32>,
      %mul3A_1376 = arith.mulf %gather3A_1374, %gather3A_1375 : vector<16xf32>
      %mul3A_1377 = arith.mulf %mul3A_1376, %get3A_19 : vector<16xf32>
      %add3A_1378 = arith.addf %add3A_1370, %mul3A_1377 : vector<16xf32>
      %add3A_1379 = arith.constant 48 : i32
      %add3A_1380 = vector.broadcast %add3A_1379 : i32 to vector<16xi32>
      %add3A_1381 = arith.addi %add3A_1380, %iota3A : vector<16xi32>
      %gather3A_1382 = tpu.vector_load_idx %arg13[%broadcast_in_dim3A_1342, %add3A_1381, %broadcast_in_dim3A_1351] : memref<7x64x128xf32, #tpu.memory_space<vmem>>[vector<16xi32>, vector<16xi32>, vector<16xi32>], vector<16xf32>,
      %gather3A_1383 = tpu.vector_load_idx %arg14[%broadcast_in_dim3A_1348, %add3A_1381, %broadcast_in_dim3A_1354] : memref<7x64x128xf32, #tpu.memory_space<vmem>>[vector<16xi32>, vector<16xi32>, vector<16xi32>], vector<16xf32>,
      %mul3A_1384 = arith.mulf %gather3A_1382, %gather3A_1383 : vector<16xf32>
      %mul3A_1385 = arith.mulf %mul3A_1384, %get3A_21 : vector<16xf32>
      %add3A_1386 = arith.addf %add3A_1378, %mul3A_1385 : vector<16xf32>
      %broadcast_in_dim3A_1387 = vector.shape_cast %xor3A_5 : vector<16xi32> to vector<16x1xi32>
      %gather3A_1388 = vector.shape_cast %broadcast_in_dim3A_1387 : vector<16x1xi32> to vector<16xi32>
      %gather3A_1389 = tpu.dynamic_gather %add3A_1386[%gather3A_1388] in [0] : vector<16xf32>, vector<16xi32> -> vector<16xf32>
      %add3A_1390 = arith.addf %add3A_1386, %gather3A_1389 : vector<16xf32>
      %broadcast_in_dim3A_1391 = vector.shape_cast %xor3A_8 : vector<16xi32> to vector<16x1xi32>
      %gather3A_1392 = vector.shape_cast %broadcast_in_dim3A_1391 : vector<16x1xi32> to vector<16xi32>
      %gather3A_1393 = tpu.dynamic_gather %add3A_1390[%gather3A_1392] in [0] : vector<16xf32>, vector<16xi32> -> vector<16xf32>
      %add3A_1394 = arith.addf %add3A_1390, %gather3A_1393 : vector<16xf32>
      %broadcast_in_dim3A_1395 = vector.shape_cast %xor3A_11 : vector<16xi32> to vector<16x1xi32>
      %gather3A_1396 = vector.shape_cast %broadcast_in_dim3A_1395 : vector<16x1xi32> to vector<16xi32>
      %gather3A_1397 = tpu.dynamic_gather %add3A_1394[%gather3A_1396] in [0] : vector<16xf32>, vector<16xi32> -> vector<16xf32>
      %add3A_1398 = arith.addf %add3A_1394, %gather3A_1397 : vector<16xf32>
      %broadcast_in_dim3A_1399 = vector.shape_cast %xor3A_14 : vector<16xi32> to vector<16x1xi32>
      %gather3A_1400 = vector.shape_cast %broadcast_in_dim3A_1399 : vector<16x1xi32> to vector<16xi32>
      %gather3A_1401 = tpu.dynamic_gather %add3A_1398[%gather3A_1400] in [0] : vector<16xf32>, vector<16xi32> -> vector<16xf32>
      %add3A_1402 = arith.addf %add3A_1398, %gather3A_1401 : vector<16xf32>
      %add3A_1403 = arith.constant 5 : i32
      %add3A_1404 = arith.addi %mul3A_481, %add3A_1403 : i32
      %add3A_1405 = arith.constant 6 : i32
      %add3A_1406 = arith.addi %add3A_1404, %add3A_1405 : i32
      %min3A_1407 = arith.constant 511 : i32
      %min3A_1408 = arith.minsi %add3A_1406, %min3A_1407 : i32
      %get3A_1409 = arith.index_cast %min3A_1408 : i32 to index
      %get3A_1410 = tpu.vector_load %arg11[%get3A_1409] {strides = array<i32>} : memref<528xi32, #tpu.memory_space<vmem>>, vector<16xi32>,
      %slice3A_1411 = vector.extract_strided_slice %get3A_1410 {offsets = [0], sizes = [1], strides = [1]} : vector<16xi32> to vector<1xi32>
      %squeeze3A_1412 = vector.extract %slice3A_1411[0] : i32 from vector<1xi32>
      %shift_right_arithmetic3A_1413 = arith.constant 7 : i32
      %shift_right_arithmetic3A_1414 = arith.shrsi %squeeze3A_1412, %shift_right_arithmetic3A_1413 : i32
      %min3A_1415 = arith.constant 7811 : i32
      %min3A_1416 = arith.minsi %shift_right_arithmetic3A_1414, %min3A_1415 : i32
      %get3A_1417 = arith.index_cast %min3A_1408 : i32 to index
      %get3A_1418 = tpu.vector_load %arg12[%get3A_1417] {strides = array<i32>} : memref<528xi32, #tpu.memory_space<vmem>>, vector<16xi32>,
      %slice3A_1419 = vector.extract_strided_slice %get3A_1418 {offsets = [0], sizes = [1], strides = [1]} : vector<16xi32> to vector<1xi32>
      %squeeze3A_1420 = vector.extract %slice3A_1419[0] : i32 from vector<1xi32>
      %shift_right_arithmetic3A_1421 = arith.constant 7 : i32
      %shift_right_arithmetic3A_1422 = arith.shrsi %squeeze3A_1420, %shift_right_arithmetic3A_1421 : i32
      %min3A_1423 = arith.constant 7811 : i32
      %min3A_1424 = arith.minsi %shift_right_arithmetic3A_1422, %min3A_1423 : i32
      %mul3A_1425 = arith.constant 128 : i32
      %mul3A_1426 = arith.muli %min3A_1416, %mul3A_1425 : i32
      %dma_start3A_1427 = arith.constant 5 : i32
      %dma_start3A_1428 = arith.constant 0 : i32
      %dma_start3A_1429 = arith.constant 0 : i32
      %dma_start3A_1430 = tpu.memref_slice %arg13[%dma_start3A_1427, %dma_start3A_1428, %dma_start3A_1429] : memref<7x64x128xf32, #tpu.memory_space<vmem>> -> memref<1x64x128xf32, #tpu.memory_space<vmem>>
      %dma_start3A_1431 = tpu.memref_squeeze %dma_start3A_1430 : memref<1x64x128xf32, #tpu.memory_space<vmem>> -> memref<64x128xf32, #tpu.memory_space<vmem>>
      %dma_start3A_1432 = arith.constant 0 : i32
      %dma_start3A_1433 = tpu.memref_slice %arg4[%dma_start3A_1432, %mul3A_1426] : memref<64x1000000xf32, #tpu.memory_space<hbm>> -> memref<64x128xf32, #tpu.memory_space<hbm>>
      %dma_start3A_1434 = arith.constant 0 : i32
      %dma_start3A_1435 = arith.constant 0 : i32
      %dma_start3A_1436 = tpu.memref_slice %arg13[%dma_start3A_1427, %dma_start3A_1434, %dma_start3A_1435] : memref<7x64x128xf32, #tpu.memory_space<vmem>> -> memref<1x64x128xf32, #tpu.memory_space<vmem>>
      %dma_start3A_1437 = tpu.memref_squeeze %dma_start3A_1436 : memref<1x64x128xf32, #tpu.memory_space<vmem>> -> memref<64x128xf32, #tpu.memory_space<vmem>>
      %dma_start3A_1438 = arith.constant 0 : i32
      %dma_start3A_1439 = tpu.memref_slice %arg4[%dma_start3A_1438, %mul3A_1426] : memref<64x1000000xf32, #tpu.memory_space<hbm>> -> memref<64x128xf32, #tpu.memory_space<hbm>>
      tpu.enqueue_dma source(%dma_start3A_1439 : memref<64x128xf32, #tpu.memory_space<hbm>>) target(%dma_start3A_1437 : memref<64x128xf32, #tpu.memory_space<vmem>>) target_semaphore(%arg23 : memref<!tpu.dma_semaphore, #tpu.memory_space<semaphore_mem>>)
      %mul3A_1440 = arith.constant 128 : i32
      %mul3A_1441 = arith.muli %min3A_1424, %mul3A_1440 : i32
      %dma_start3A_1442 = arith.constant 5 : i32
      %dma_start3A_1443 = arith.constant 0 : i32
      %dma_start3A_1444 = arith.constant 0 : i32
      %dma_start3A_1445 = tpu.memref_slice %arg14[%dma_start3A_1442, %dma_start3A_1443, %dma_start3A_1444] : memref<7x64x128xf32, #tpu.memory_space<vmem>> -> memref<1x64x128xf32, #tpu.memory_space<vmem>>
      %dma_start3A_1446 = tpu.memref_squeeze %dma_start3A_1445 : memref<1x64x128xf32, #tpu.memory_space<vmem>> -> memref<64x128xf32, #tpu.memory_space<vmem>>
      %dma_start3A_1447 = arith.constant 0 : i32
      %dma_start3A_1448 = tpu.memref_slice %arg5[%dma_start3A_1447, %mul3A_1441] : memref<64x1000000xf32, #tpu.memory_space<hbm>> -> memref<64x128xf32, #tpu.memory_space<hbm>>
      %dma_start3A_1449 = arith.constant 0 : i32
      %dma_start3A_1450 = arith.constant 0 : i32
      %dma_start3A_1451 = tpu.memref_slice %arg14[%dma_start3A_1442, %dma_start3A_1449, %dma_start3A_1450] : memref<7x64x128xf32, #tpu.memory_space<vmem>> -> memref<1x64x128xf32, #tpu.memory_space<vmem>>
      %dma_start3A_1452 = tpu.memref_squeeze %dma_start3A_1451 : memref<1x64x128xf32, #tpu.memory_space<vmem>> -> memref<64x128xf32, #tpu.memory_space<vmem>>
      %dma_start3A_1453 = arith.constant 0 : i32
      %dma_start3A_1454 = tpu.memref_slice %arg5[%dma_start3A_1453, %mul3A_1441] : memref<64x1000000xf32, #tpu.memory_space<hbm>> -> memref<64x128xf32, #tpu.memory_space<hbm>>
      tpu.enqueue_dma source(%dma_start3A_1454 : memref<64x128xf32, #tpu.memory_space<hbm>>) target(%dma_start3A_1452 : memref<64x128xf32, #tpu.memory_space<vmem>>) target_semaphore(%arg23 : memref<!tpu.dma_semaphore, #tpu.memory_space<semaphore_mem>>)
      %broadcast_in_dim3A_1455 = vector.broadcast %min3A_1298 : i32 to vector<16xi32>
      %eq3A_1456 = arith.constant 0 : i32
      %eq3A_1457 = vector.broadcast %eq3A_1456 : i32 to vector<16xi32>
      %eq3A_1458 = arith.cmpi eq, %iota3A, %eq3A_1457 : vector<16xi32>
      tpu.vector_store_idx %arg15[%broadcast_in_dim3A_1455], %add3A_1402 masked %eq3A_1458 : memref<512xf32, #tpu.memory_space<vmem>>[vector<16xi32>], vector<16xf32>, vector<16xi1>
    }
    %scan3A_299 = arith.constant 86 : i32
    %dma_wait3A = arith.constant 0 : i32
    %dma_wait3A_300 = arith.constant 0 : i32
    %dma_wait3A_301 = arith.constant 0 : i32
    %dma_wait3A_302 = tpu.memref_slice %arg13[%dma_wait3A, %dma_wait3A_300, %dma_wait3A_301] : memref<7x64x128xf32, #tpu.memory_space<vmem>> -> memref<1x64x128xf32, #tpu.memory_space<vmem>>
    %dma_wait3A_303 = tpu.memref_squeeze %dma_wait3A_302 : memref<1x64x128xf32, #tpu.memory_space<vmem>> -> memref<64x128xf32, #tpu.memory_space<vmem>>
    %dma_wait3A_304 = arith.constant 0 : i32
    %dma_wait3A_305 = arith.constant 0 : i32
    %dma_wait3A_306 = tpu.memref_slice %arg4[%dma_wait3A_304, %dma_wait3A_305] : memref<64x1000000xf32, #tpu.memory_space<hbm>> -> memref<64x128xf32, #tpu.memory_space<hbm>>
    %dma_wait3A_307 = arith.constant 0 : i32
    %dma_wait3A_308 = arith.constant 0 : i32
    %dma_wait3A_309 = tpu.memref_slice %arg13[%dma_wait3A, %dma_wait3A_307, %dma_wait3A_308] : memref<7x64x128xf32, #tpu.memory_space<vmem>> -> memref<1x64x128xf32, #tpu.memory_space<vmem>>
    %dma_wait3A_310 = tpu.memref_squeeze %dma_wait3A_309 : memref<1x64x128xf32, #tpu.memory_space<vmem>> -> memref<64x128xf32, #tpu.memory_space<vmem>>
    %dma_wait3A_311 = arith.constant 0 : i32
    %dma_wait3A_312 = arith.constant 0 : i32
    %dma_wait3A_313 = tpu.memref_slice %arg4[%dma_wait3A_311, %dma_wait3A_312] : memref<64x1000000xf32, #tpu.memory_space<hbm>> -> memref<64x128xf32, #tpu.memory_space<hbm>>
    tpu.wait_dma2 semaphore(%arg18 : memref<!tpu.dma_semaphore, #tpu.memory_space<semaphore_mem>>) src(%dma_wait3A_313 : memref<64x128xf32, #tpu.memory_space<hbm>>) dst(%dma_wait3A_310 : memref<64x128xf32, #tpu.memory_space<vmem>>)
    %dma_wait3A_314 = arith.constant 0 : i32
    %dma_wait3A_315 = arith.constant 0 : i32
    %dma_wait3A_316 = arith.constant 0 : i32
    %dma_wait3A_317 = tpu.memref_slice %arg14[%dma_wait3A_314, %dma_wait3A_315, %dma_wait3A_316] : memref<7x64x128xf32, #tpu.memory_space<vmem>> -> memref<1x64x128xf32, #tpu.memory_space<vmem>>
    %dma_wait3A_318 = tpu.memref_squeeze %dma_wait3A_317 : memref<1x64x128xf32, #tpu.memory_space<vmem>> -> memref<64x128xf32, #tpu.memory_space<vmem>>
    %dma_wait3A_319 = arith.constant 0 : i32
    %dma_wait3A_320 = arith.constant 0 : i32
    %dma_wait3A_321 = tpu.memref_slice %arg4[%dma_wait3A_319, %dma_wait3A_320] : memref<64x1000000xf32, #tpu.memory_space<hbm>> -> memref<64x128xf32, #tpu.memory_space<hbm>>
    %dma_wait3A_322 = arith.constant 0 : i32
    %dma_wait3A_323 = arith.constant 0 : i32
    %dma_wait3A_324 = tpu.memref_slice %arg14[%dma_wait3A_314, %dma_wait3A_322, %dma_wait3A_323] : memref<7x64x128xf32, #tpu.memory_space<vmem>> -> memref<1x64x128xf32, #tpu.memory_space<vmem>>
    %dma_wait3A_325 = tpu.memref_squeeze %dma_wait3A_324 : memref<1x64x128xf32, #tpu.memory_space<vmem>> -> memref<64x128xf32, #tpu.memory_space<vmem>>
    %dma_wait3A_326 = arith.constant 0 : i32
    %dma_wait3A_327 = arith.constant 0 : i32
    %dma_wait3A_328 = tpu.memref_slice %arg4[%dma_wait3A_326, %dma_wait3A_327] : memref<64x1000000xf32, #tpu.memory_space<hbm>> -> memref<64x128xf32, #tpu.memory_space<hbm>>
    tpu.wait_dma2 semaphore(%arg18 : memref<!tpu.dma_semaphore, #tpu.memory_space<semaphore_mem>>) src(%dma_wait3A_328 : memref<64x128xf32, #tpu.memory_space<hbm>>) dst(%dma_wait3A_325 : memref<64x128xf32, #tpu.memory_space<vmem>>)
    %dma_wait3A_329 = arith.constant 1 : i32
    %dma_wait3A_330 = arith.constant 0 : i32
    %dma_wait3A_331 = arith.constant 0 : i32
    %dma_wait3A_332 = tpu.memref_slice %arg13[%dma_wait3A_329, %dma_wait3A_330, %dma_wait3A_331] : memref<7x64x128xf32, #tpu.memory_space<vmem>> -> memref<1x64x128xf32, #tpu.memory_space<vmem>>
    %dma_wait3A_333 = tpu.memref_squeeze %dma_wait3A_332 : memref<1x64x128xf32, #tpu.memory_space<vmem>> -> memref<64x128xf32, #tpu.memory_space<vmem>>
    %dma_wait3A_334 = arith.constant 0 : i32
    %dma_wait3A_335 = arith.constant 0 : i32
    %dma_wait3A_336 = tpu.memref_slice %arg4[%dma_wait3A_334, %dma_wait3A_335] : memref<64x1000000xf32, #tpu.memory_space<hbm>> -> memref<64x128xf32, #tpu.memory_space<hbm>>
    %dma_wait3A_337 = arith.constant 0 : i32
    %dma_wait3A_338 = arith.constant 0 : i32
    %dma_wait3A_339 = tpu.memref_slice %arg13[%dma_wait3A_329, %dma_wait3A_337, %dma_wait3A_338] : memref<7x64x128xf32, #tpu.memory_space<vmem>> -> memref<1x64x128xf32, #tpu.memory_space<vmem>>
    %dma_wait3A_340 = tpu.memref_squeeze %dma_wait3A_339 : memref<1x64x128xf32, #tpu.memory_space<vmem>> -> memref<64x128xf32, #tpu.memory_space<vmem>>
    %dma_wait3A_341 = arith.constant 0 : i32
    %dma_wait3A_342 = arith.constant 0 : i32
    %dma_wait3A_343 = tpu.memref_slice %arg4[%dma_wait3A_341, %dma_wait3A_342] : memref<64x1000000xf32, #tpu.memory_space<hbm>> -> memref<64x128xf32, #tpu.memory_space<hbm>>
    tpu.wait_dma2 semaphore(%arg19 : memref<!tpu.dma_semaphore, #tpu.memory_space<semaphore_mem>>) src(%dma_wait3A_343 : memref<64x128xf32, #tpu.memory_space<hbm>>) dst(%dma_wait3A_340 : memref<64x128xf32, #tpu.memory_space<vmem>>)
    %dma_wait3A_344 = arith.constant 1 : i32
    %dma_wait3A_345 = arith.constant 0 : i32
    %dma_wait3A_346 = arith.constant 0 : i32
    %dma_wait3A_347 = tpu.memref_slice %arg14[%dma_wait3A_344, %dma_wait3A_345, %dma_wait3A_346] : memref<7x64x128xf32, #tpu.memory_space<vmem>> -> memref<1x64x128xf32, #tpu.memory_space<vmem>>
    %dma_wait3A_348 = tpu.memref_squeeze %dma_wait3A_347 : memref<1x64x128xf32, #tpu.memory_space<vmem>> -> memref<64x128xf32, #tpu.memory_space<vmem>>
    %dma_wait3A_349 = arith.constant 0 : i32
    %dma_wait3A_350 = arith.constant 0 : i32
    %dma_wait3A_351 = tpu.memref_slice %arg4[%dma_wait3A_349, %dma_wait3A_350] : memref<64x1000000xf32, #tpu.memory_space<hbm>> -> memref<64x128xf32, #tpu.memory_space<hbm>>
    %dma_wait3A_352 = arith.constant 0 : i32
    %dma_wait3A_353 = arith.constant 0 : i32
    %dma_wait3A_354 = tpu.memref_slice %arg14[%dma_wait3A_344, %dma_wait3A_352, %dma_wait3A_353] : memref<7x64x128xf32, #tpu.memory_space<vmem>> -> memref<1x64x128xf32, #tpu.memory_space<vmem>>
    %dma_wait3A_355 = tpu.memref_squeeze %dma_wait3A_354 : memref<1x64x128xf32, #tpu.memory_space<vmem>> -> memref<64x128xf32, #tpu.memory_space<vmem>>
    %dma_wait3A_356 = arith.constant 0 : i32
    %dma_wait3A_357 = arith.constant 0 : i32
    %dma_wait3A_358 = tpu.memref_slice %arg4[%dma_wait3A_356, %dma_wait3A_357] : memref<64x1000000xf32, #tpu.memory_space<hbm>> -> memref<64x128xf32, #tpu.memory_space<hbm>>
    tpu.wait_dma2 semaphore(%arg19 : memref<!tpu.dma_semaphore, #tpu.memory_space<semaphore_mem>>) src(%dma_wait3A_358 : memref<64x128xf32, #tpu.memory_space<hbm>>) dst(%dma_wait3A_355 : memref<64x128xf32, #tpu.memory_space<vmem>>)
    %dma_wait3A_359 = arith.constant 2 : i32
    %dma_wait3A_360 = arith.constant 0 : i32
    %dma_wait3A_361 = arith.constant 0 : i32
    %dma_wait3A_362 = tpu.memref_slice %arg13[%dma_wait3A_359, %dma_wait3A_360, %dma_wait3A_361] : memref<7x64x128xf32, #tpu.memory_space<vmem>> -> memref<1x64x128xf32, #tpu.memory_space<vmem>>
    %dma_wait3A_363 = tpu.memref_squeeze %dma_wait3A_362 : memref<1x64x128xf32, #tpu.memory_space<vmem>> -> memref<64x128xf32, #tpu.memory_space<vmem>>
    %dma_wait3A_364 = arith.constant 0 : i32
    %dma_wait3A_365 = arith.constant 0 : i32
    %dma_wait3A_366 = tpu.memref_slice %arg4[%dma_wait3A_364, %dma_wait3A_365] : memref<64x1000000xf32, #tpu.memory_space<hbm>> -> memref<64x128xf32, #tpu.memory_space<hbm>>
    %dma_wait3A_367 = arith.constant 0 : i32
    %dma_wait3A_368 = arith.constant 0 : i32
    %dma_wait3A_369 = tpu.memref_slice %arg13[%dma_wait3A_359, %dma_wait3A_367, %dma_wait3A_368] : memref<7x64x128xf32, #tpu.memory_space<vmem>> -> memref<1x64x128xf32, #tpu.memory_space<vmem>>
    %dma_wait3A_370 = tpu.memref_squeeze %dma_wait3A_369 : memref<1x64x128xf32, #tpu.memory_space<vmem>> -> memref<64x128xf32, #tpu.memory_space<vmem>>
    %dma_wait3A_371 = arith.constant 0 : i32
    %dma_wait3A_372 = arith.constant 0 : i32
    %dma_wait3A_373 = tpu.memref_slice %arg4[%dma_wait3A_371, %dma_wait3A_372] : memref<64x1000000xf32, #tpu.memory_space<hbm>> -> memref<64x128xf32, #tpu.memory_space<hbm>>
    tpu.wait_dma2 semaphore(%arg20 : memref<!tpu.dma_semaphore, #tpu.memory_space<semaphore_mem>>) src(%dma_wait3A_373 : memref<64x128xf32, #tpu.memory_space<hbm>>) dst(%dma_wait3A_370 : memref<64x128xf32, #tpu.memory_space<vmem>>)
    %dma_wait3A_374 = arith.constant 2 : i32
    %dma_wait3A_375 = arith.constant 0 : i32
    %dma_wait3A_376 = arith.constant 0 : i32
    %dma_wait3A_377 = tpu.memref_slice %arg14[%dma_wait3A_374, %dma_wait3A_375, %dma_wait3A_376] : memref<7x64x128xf32, #tpu.memory_space<vmem>> -> memref<1x64x128xf32, #tpu.memory_space<vmem>>
    %dma_wait3A_378 = tpu.memref_squeeze %dma_wait3A_377 : memref<1x64x128xf32, #tpu.memory_space<vmem>> -> memref<64x128xf32, #tpu.memory_space<vmem>>
    %dma_wait3A_379 = arith.constant 0 : i32
    %dma_wait3A_380 = arith.constant 0 : i32
    %dma_wait3A_381 = tpu.memref_slice %arg4[%dma_wait3A_379, %dma_wait3A_380] : memref<64x1000000xf32, #tpu.memory_space<hbm>> -> memref<64x128xf32, #tpu.memory_space<hbm>>
    %dma_wait3A_382 = arith.constant 0 : i32
    %dma_wait3A_383 = arith.constant 0 : i32
    %dma_wait3A_384 = tpu.memref_slice %arg14[%dma_wait3A_374, %dma_wait3A_382, %dma_wait3A_383] : memref<7x64x128xf32, #tpu.memory_space<vmem>> -> memref<1x64x128xf32, #tpu.memory_space<vmem>>
    %dma_wait3A_385 = tpu.memref_squeeze %dma_wait3A_384 : memref<1x64x128xf32, #tpu.memory_space<vmem>> -> memref<64x128xf32, #tpu.memory_space<vmem>>
    %dma_wait3A_386 = arith.constant 0 : i32
    %dma_wait3A_387 = arith.constant 0 : i32
    %dma_wait3A_388 = tpu.memref_slice %arg4[%dma_wait3A_386, %dma_wait3A_387] : memref<64x1000000xf32, #tpu.memory_space<hbm>> -> memref<64x128xf32, #tpu.memory_space<hbm>>
    tpu.wait_dma2 semaphore(%arg20 : memref<!tpu.dma_semaphore, #tpu.memory_space<semaphore_mem>>) src(%dma_wait3A_388 : memref<64x128xf32, #tpu.memory_space<hbm>>) dst(%dma_wait3A_385 : memref<64x128xf32, #tpu.memory_space<vmem>>)
    %dma_wait3A_389 = arith.constant 3 : i32
    %dma_wait3A_390 = arith.constant 0 : i32
    %dma_wait3A_391 = arith.constant 0 : i32
    %dma_wait3A_392 = tpu.memref_slice %arg13[%dma_wait3A_389, %dma_wait3A_390, %dma_wait3A_391] : memref<7x64x128xf32, #tpu.memory_space<vmem>> -> memref<1x64x128xf32, #tpu.memory_space<vmem>>
    %dma_wait3A_393 = tpu.memref_squeeze %dma_wait3A_392 : memref<1x64x128xf32, #tpu.memory_space<vmem>> -> memref<64x128xf32, #tpu.memory_space<vmem>>
    %dma_wait3A_394 = arith.constant 0 : i32
    %dma_wait3A_395 = arith.constant 0 : i32
    %dma_wait3A_396 = tpu.memref_slice %arg4[%dma_wait3A_394, %dma_wait3A_395] : memref<64x1000000xf32, #tpu.memory_space<hbm>> -> memref<64x128xf32, #tpu.memory_space<hbm>>
    %dma_wait3A_397 = arith.constant 0 : i32
    %dma_wait3A_398 = arith.constant 0 : i32
    %dma_wait3A_399 = tpu.memref_slice %arg13[%dma_wait3A_389, %dma_wait3A_397, %dma_wait3A_398] : memref<7x64x128xf32, #tpu.memory_space<vmem>> -> memref<1x64x128xf32, #tpu.memory_space<vmem>>
    %dma_wait3A_400 = tpu.memref_squeeze %dma_wait3A_399 : memref<1x64x128xf32, #tpu.memory_space<vmem>> -> memref<64x128xf32, #tpu.memory_space<vmem>>
    %dma_wait3A_401 = arith.constant 0 : i32
    %dma_wait3A_402 = arith.constant 0 : i32
    %dma_wait3A_403 = tpu.memref_slice %arg4[%dma_wait3A_401, %dma_wait3A_402] : memref<64x1000000xf32, #tpu.memory_space<hbm>> -> memref<64x128xf32, #tpu.memory_space<hbm>>
    tpu.wait_dma2 semaphore(%arg21 : memref<!tpu.dma_semaphore, #tpu.memory_space<semaphore_mem>>) src(%dma_wait3A_403 : memref<64x128xf32, #tpu.memory_space<hbm>>) dst(%dma_wait3A_400 : memref<64x128xf32, #tpu.memory_space<vmem>>)
    %dma_wait3A_404 = arith.constant 3 : i32
    %dma_wait3A_405 = arith.constant 0 : i32
    %dma_wait3A_406 = arith.constant 0 : i32
    %dma_wait3A_407 = tpu.memref_slice %arg14[%dma_wait3A_404, %dma_wait3A_405, %dma_wait3A_406] : memref<7x64x128xf32, #tpu.memory_space<vmem>> -> memref<1x64x128xf32, #tpu.memory_space<vmem>>
    %dma_wait3A_408 = tpu.memref_squeeze %dma_wait3A_407 : memref<1x64x128xf32, #tpu.memory_space<vmem>> -> memref<64x128xf32, #tpu.memory_space<vmem>>
    %dma_wait3A_409 = arith.constant 0 : i32
    %dma_wait3A_410 = arith.constant 0 : i32
    %dma_wait3A_411 = tpu.memref_slice %arg4[%dma_wait3A_409, %dma_wait3A_410] : memref<64x1000000xf32, #tpu.memory_space<hbm>> -> memref<64x128xf32, #tpu.memory_space<hbm>>
    %dma_wait3A_412 = arith.constant 0 : i32
    %dma_wait3A_413 = arith.constant 0 : i32
    %dma_wait3A_414 = tpu.memref_slice %arg14[%dma_wait3A_404, %dma_wait3A_412, %dma_wait3A_413] : memref<7x64x128xf32, #tpu.memory_space<vmem>> -> memref<1x64x128xf32, #tpu.memory_space<vmem>>
    %dma_wait3A_415 = tpu.memref_squeeze %dma_wait3A_414 : memref<1x64x128xf32, #tpu.memory_space<vmem>> -> memref<64x128xf32, #tpu.memory_space<vmem>>
    %dma_wait3A_416 = arith.constant 0 : i32
    %dma_wait3A_417 = arith.constant 0 : i32
    %dma_wait3A_418 = tpu.memref_slice %arg4[%dma_wait3A_416, %dma_wait3A_417] : memref<64x1000000xf32, #tpu.memory_space<hbm>> -> memref<64x128xf32, #tpu.memory_space<hbm>>
    tpu.wait_dma2 semaphore(%arg21 : memref<!tpu.dma_semaphore, #tpu.memory_space<semaphore_mem>>) src(%dma_wait3A_418 : memref<64x128xf32, #tpu.memory_space<hbm>>) dst(%dma_wait3A_415 : memref<64x128xf32, #tpu.memory_space<vmem>>)
    %dma_wait3A_419 = arith.constant 4 : i32
    %dma_wait3A_420 = arith.constant 0 : i32
    %dma_wait3A_421 = arith.constant 0 : i32
    %dma_wait3A_422 = tpu.memref_slice %arg13[%dma_wait3A_419, %dma_wait3A_420, %dma_wait3A_421] : memref<7x64x128xf32, #tpu.memory_space<vmem>> -> memref<1x64x128xf32, #tpu.memory_space<vmem>>
    %dma_wait3A_423 = tpu.memref_squeeze %dma_wait3A_422 : memref<1x64x128xf32, #tpu.memory_space<vmem>> -> memref<64x128xf32, #tpu.memory_space<vmem>>
    %dma_wait3A_424 = arith.constant 0 : i32
    %dma_wait3A_425 = arith.constant 0 : i32
    %dma_wait3A_426 = tpu.memref_slice %arg4[%dma_wait3A_424, %dma_wait3A_425] : memref<64x1000000xf32, #tpu.memory_space<hbm>> -> memref<64x128xf32, #tpu.memory_space<hbm>>
    %dma_wait3A_427 = arith.constant 0 : i32
    %dma_wait3A_428 = arith.constant 0 : i32
    %dma_wait3A_429 = tpu.memref_slice %arg13[%dma_wait3A_419, %dma_wait3A_427, %dma_wait3A_428] : memref<7x64x128xf32, #tpu.memory_space<vmem>> -> memref<1x64x128xf32, #tpu.memory_space<vmem>>
    %dma_wait3A_430 = tpu.memref_squeeze %dma_wait3A_429 : memref<1x64x128xf32, #tpu.memory_space<vmem>> -> memref<64x128xf32, #tpu.memory_space<vmem>>
    %dma_wait3A_431 = arith.constant 0 : i32
    %dma_wait3A_432 = arith.constant 0 : i32
    %dma_wait3A_433 = tpu.memref_slice %arg4[%dma_wait3A_431, %dma_wait3A_432] : memref<64x1000000xf32, #tpu.memory_space<hbm>> -> memref<64x128xf32, #tpu.memory_space<hbm>>
    tpu.wait_dma2 semaphore(%arg22 : memref<!tpu.dma_semaphore, #tpu.memory_space<semaphore_mem>>) src(%dma_wait3A_433 : memref<64x128xf32, #tpu.memory_space<hbm>>) dst(%dma_wait3A_430 : memref<64x128xf32, #tpu.memory_space<vmem>>)
    %dma_wait3A_434 = arith.constant 4 : i32
    %dma_wait3A_435 = arith.constant 0 : i32
    %dma_wait3A_436 = arith.constant 0 : i32
    %dma_wait3A_437 = tpu.memref_slice %arg14[%dma_wait3A_434, %dma_wait3A_435, %dma_wait3A_436] : memref<7x64x128xf32, #tpu.memory_space<vmem>> -> memref<1x64x128xf32, #tpu.memory_space<vmem>>
    %dma_wait3A_438 = tpu.memref_squeeze %dma_wait3A_437 : memref<1x64x128xf32, #tpu.memory_space<vmem>> -> memref<64x128xf32, #tpu.memory_space<vmem>>
    %dma_wait3A_439 = arith.constant 0 : i32
    %dma_wait3A_440 = arith.constant 0 : i32
    %dma_wait3A_441 = tpu.memref_slice %arg4[%dma_wait3A_439, %dma_wait3A_440] : memref<64x1000000xf32, #tpu.memory_space<hbm>> -> memref<64x128xf32, #tpu.memory_space<hbm>>
    %dma_wait3A_442 = arith.constant 0 : i32
    %dma_wait3A_443 = arith.constant 0 : i32
    %dma_wait3A_444 = tpu.memref_slice %arg14[%dma_wait3A_434, %dma_wait3A_442, %dma_wait3A_443] : memref<7x64x128xf32, #tpu.memory_space<vmem>> -> memref<1x64x128xf32, #tpu.memory_space<vmem>>
    %dma_wait3A_445 = tpu.memref_squeeze %dma_wait3A_444 : memref<1x64x128xf32, #tpu.memory_space<vmem>> -> memref<64x128xf32, #tpu.memory_space<vmem>>
    %dma_wait3A_446 = arith.constant 0 : i32
    %dma_wait3A_447 = arith.constant 0 : i32
    %dma_wait3A_448 = tpu.memref_slice %arg4[%dma_wait3A_446, %dma_wait3A_447] : memref<64x1000000xf32, #tpu.memory_space<hbm>> -> memref<64x128xf32, #tpu.memory_space<hbm>>
    tpu.wait_dma2 semaphore(%arg22 : memref<!tpu.dma_semaphore, #tpu.memory_space<semaphore_mem>>) src(%dma_wait3A_448 : memref<64x128xf32, #tpu.memory_space<hbm>>) dst(%dma_wait3A_445 : memref<64x128xf32, #tpu.memory_space<vmem>>)
    %dma_wait3A_449 = arith.constant 5 : i32
    %dma_wait3A_450 = arith.constant 0 : i32
    %dma_wait3A_451 = arith.constant 0 : i32
    %dma_wait3A_452 = tpu.memref_slice %arg13[%dma_wait3A_449, %dma_wait3A_450, %dma_wait3A_451] : memref<7x64x128xf32, #tpu.memory_space<vmem>> -> memref<1x64x128xf32, #tpu.memory_space<vmem>>
    %dma_wait3A_453 = tpu.memref_squeeze %dma_wait3A_452 : memref<1x64x128xf32, #tpu.memory_space<vmem>> -> memref<64x128xf32, #tpu.memory_space<vmem>>
    %dma_wait3A_454 = arith.constant 0 : i32
    %dma_wait3A_455 = arith.constant 0 : i32
    %dma_wait3A_456 = tpu.memref_slice %arg4[%dma_wait3A_454, %dma_wait3A_455] : memref<64x1000000xf32, #tpu.memory_space<hbm>> -> memref<64x128xf32, #tpu.memory_space<hbm>>
    %dma_wait3A_457 = arith.constant 0 : i32
    %dma_wait3A_458 = arith.constant 0 : i32
    %dma_wait3A_459 = tpu.memref_slice %arg13[%dma_wait3A_449, %dma_wait3A_457, %dma_wait3A_458] : memref<7x64x128xf32, #tpu.memory_space<vmem>> -> memref<1x64x128xf32, #tpu.memory_space<vmem>>
    %dma_wait3A_460 = tpu.memref_squeeze %dma_wait3A_459 : memref<1x64x128xf32, #tpu.memory_space<vmem>> -> memref<64x128xf32, #tpu.memory_space<vmem>>
    %dma_wait3A_461 = arith.constant 0 : i32
    %dma_wait3A_462 = arith.constant 0 : i32
    %dma_wait3A_463 = tpu.memref_slice %arg4[%dma_wait3A_461, %dma_wait3A_462] : memref<64x1000000xf32, #tpu.memory_space<hbm>> -> memref<64x128xf32, #tpu.memory_space<hbm>>
    tpu.wait_dma2 semaphore(%arg23 : memref<!tpu.dma_semaphore, #tpu.memory_space<semaphore_mem>>) src(%dma_wait3A_463 : memref<64x128xf32, #tpu.memory_space<hbm>>) dst(%dma_wait3A_460 : memref<64x128xf32, #tpu.memory_space<vmem>>)
    %dma_wait3A_464 = arith.constant 5 : i32
    %dma_wait3A_465 = arith.constant 0 : i32
    %dma_wait3A_466 = arith.constant 0 : i32
    %dma_wait3A_467 = tpu.memref_slice %arg14[%dma_wait3A_464, %dma_wait3A_465, %dma_wait3A_466] : memref<7x64x128xf32, #tpu.memory_space<vmem>> -> memref<1x64x128xf32, #tpu.memory_space<vmem>>
    %dma_wait3A_468 = tpu.memref_squeeze %dma_wait3A_467 : memref<1x64x128xf32, #tpu.memory_space<vmem>> -> memref<64x128xf32, #tpu.memory_space<vmem>>
    %dma_wait3A_469 = arith.constant 0 : i32
    %dma_wait3A_470 = arith.constant 0 : i32
    %dma_wait3A_471 = tpu.memref_slice %arg4[%dma_wait3A_469, %dma_wait3A_470] : memref<64x1000000xf32, #tpu.memory_space<hbm>> -> memref<64x128xf32, #tpu.memory_space<hbm>>
    %dma_wait3A_472 = arith.constant 0 : i32
    %dma_wait3A_473 = arith.constant 0 : i32
    %dma_wait3A_474 = tpu.memref_slice %arg14[%dma_wait3A_464, %dma_wait3A_472, %dma_wait3A_473] : memref<7x64x128xf32, #tpu.memory_space<vmem>> -> memref<1x64x128xf32, #tpu.memory_space<vmem>>
    %dma_wait3A_475 = tpu.memref_squeeze %dma_wait3A_474 : memref<1x64x128xf32, #tpu.memory_space<vmem>> -> memref<64x128xf32, #tpu.memory_space<vmem>>
    %dma_wait3A_476 = arith.constant 0 : i32
    %dma_wait3A_477 = arith.constant 0 : i32
    %dma_wait3A_478 = tpu.memref_slice %arg4[%dma_wait3A_476, %dma_wait3A_477] : memref<64x1000000xf32, #tpu.memory_space<hbm>> -> memref<64x128xf32, #tpu.memory_space<hbm>>
    tpu.wait_dma2 semaphore(%arg23 : memref<!tpu.dma_semaphore, #tpu.memory_space<semaphore_mem>>) src(%dma_wait3A_478 : memref<64x128xf32, #tpu.memory_space<hbm>>) dst(%dma_wait3A_475 : memref<64x128xf32, #tpu.memory_space<vmem>>)
    "tpu.region"() ({
      %run_scoped3A_479 = tpu.sem_alloc : memref<!tpu.dma_semaphore, #tpu.memory_space<semaphore_mem>>
      %dma_start3A_480 = tpu.memref_slice %arg10[%mul3A_2] : memref<16384xf32, #tpu.memory_space<hbm>> -> memref<512xf32, #tpu.memory_space<hbm>>
      %dma_start3A_481 = tpu.memref_slice %arg10[%mul3A_2] : memref<16384xf32, #tpu.memory_space<hbm>> -> memref<512xf32, #tpu.memory_space<hbm>>
      tpu.enqueue_dma source(%arg15 : memref<512xf32, #tpu.memory_space<vmem>>) target(%dma_start3A_481 : memref<512xf32, #tpu.memory_space<hbm>>) target_semaphore(%run_scoped3A_479 : memref<!tpu.dma_semaphore, #tpu.memory_space<semaphore_mem>>)
      %dma_wait3A_482 = tpu.memref_slice %arg10[%mul3A_2] : memref<16384xf32, #tpu.memory_space<hbm>> -> memref<512xf32, #tpu.memory_space<hbm>>
      %dma_wait3A_483 = tpu.memref_slice %arg10[%mul3A_2] : memref<16384xf32, #tpu.memory_space<hbm>> -> memref<512xf32, #tpu.memory_space<hbm>>
      tpu.wait_dma2 semaphore(%run_scoped3A_479 : memref<!tpu.dma_semaphore, #tpu.memory_space<semaphore_mem>>) src(%arg15 : memref<512xf32, #tpu.memory_space<vmem>>) dst(%dma_wait3A_483 : memref<512xf32, #tpu.memory_space<hbm>>)
      tpu.yield
    }) : () -> ()
    return
  }
}

</mosaic_0001>

<sc_bundles>
// kernel: kernel.3.cloned.1.call-start
scs
__scs_entry_jumppad:
0x0: {  	(pc) =	sbr.rel $0x88, $3  }
0x1: {  	(tag) =	ssettag $0x0;
	lr =	simm.s32 $0x1  }
0x2: {  	[smem:$0x3F9B] =	sst lr;
	_ =	strace $0xD0000000  }
0x3: {  	_ = 	snop  }
0x4: {  	_ = 	snop  }
0x5: {  	_ = 	snop  }
0x6: {  	_ = 	snop  }
0x7: {  	_ = 	snop  }
__scs_overlays_trampoline_lowered:
0x8: {  	[smem:$0x3FAA] =	sst s0  }
0x9: {  	[smem:$0x3FAB] =	sst s1  }
0xa: {  	[smem:$0x3FAC] =	sst s2  }
0xb: {  	[smem:$0x3FAD] =	sst s3  }
0xc: {  	[smem:$0x3FAE] =	sst s4  }
0xd: {  	[smem:$0x3FAF] =	sst s5  }
0xe: {  	[smem:$0x3FB0] =	sst s6  }
0xf: {  	[smem:$0x3FB1] =	sst s7  }
0x10: {  	[smem:$0x3FB2] =	sst s8  }
0x11: {  	[smem:$0x3FB3] =	sst s9;
	s0 =	simm.s32 @!p0 $0x0  }
0x12: {  	s1 =	sld [smem:$0x3F99];
	s0 =	simm.s32 @p0 $0x1  }
0x13: {  	[smem:$0x3FB4] =	sst s0;
	s0 =	simm.s32 @!p1 $0x0  }
0x14: {  	s2 =	sld [smem:$0x3F98];
	s0 =	simm.s32 @p1 $0x1  }
0x15: {  	[smem:$0x3FB5] =	sst s0;
	s0 =	simm.s32 @!p2 $0x0  }
0x16: {  	s3 =	sld [smem:$0x3FDB];
	s0 =	simm.s32 @p2 $0x1  }
0x17: {  	s4 =	simm.s32 $0x1BF5;
	[smem:$0x3FB7] =	sst s0  }
0x18: {  	s0 =	sld [smem:$0x3F9A];
	_ =	swait.ge [sflag:s4], $0x0  }
0x19: {  	s7 =	sld [smem:$0x3F9B]  }
0x1a: {  	s8 =	sadd.s32 $0xFFFFE003, lr  }
0x1b: {  	s9 =	sadd.s32 $0xFFFFFEF7, lr;
	s5 =	simm.s32 $0xFFFFFFFF;
	p2 =	slt.u32 s8, $0xFFFFF086  }
0x1c: {  	p1 =	slt.u32 s9, $0xF7A;
	s5 =	simm.s32 @!p2 $0x0  }
0x1d: {  	s5 =	simm.s32 @p1 $0x1;
	p0 =	seq.s32 s7, s2  }
0x1e: {  	s7 =	smul.u32 @!p0 $0xF7A, s2;
	p2 =	seq.s32 @!p0 s5, $0x0  }
0x1f: {  	s9 =	smul.u32 $0xF7A, s1;
	s8 =	simm.s32 @!p0 $0x1BF5;
	p2 =	por !p2, p0  }
0x20: {  	[sflag:s8] =	ssyncset.s32 @!p0 $0xFFFFF086;
	s6 =	sadd.s32 @!p0 s3, s7;
	s7 =	simm.s32 @!p0 $0x108  }
0x21: {  	s3 =	sadd.s32 s3, s9;
	s6 =	sadd.s32 @!p0 $0x88, s6;
	s7 =	simm.s32 @p2 $0x1082  }
0x22: {  	[simem:s7], [sflag:s8] =	dma.local @!p0 [hbm:s6], $0xF7A  }
0x23: {  	s9 =	sor.u32 $0xD0000000, s2;
	s6 =	simm.s32 $0x108;
	_ =	swait.ge @!p0 [sflag:s8], $0x0  }
0x24: {  	s3 =	sadd.s32 $0x88, s3;
	s6 =	simm.s32 @!p1 $0x1082;
	[sflag:s4] =	ssyncset.s32 $0xFFFFF086  }
0x25: {  	[simem:s6], [sflag:s4] =	dma.local [hbm:s3], $0xF7A  }
0x26: {  	[smem:$0x3F9B] =	sst s1;
	(tag) =	ssettag s2;
	_ =	strace s9  }
0x27: {  	s1 =	sld [smem:$0x3FAB]  }
0x28: {  	s2 =	sld [smem:$0x3FAC]  }
0x29: {  	s4 =	sld [smem:$0x3FAE]  }
0x2a: {  	p0 =	seq.s32 s5, $0x0;
	s5 =	sld [smem:$0x3FAF]  }
0x2b: {  	s6 =	sld [smem:$0x3FB0]  }
0x2c: {  	s7 =	sld [smem:$0x3FB1]  }
0x2d: {  	s3 =	simm.s32 $0x108;
	s8 =	sld [smem:$0x3FB2]  }
0x2e: {  	s3 =	simm.s32 @!p0 $0x1082;
	s9 =	sld [smem:$0x3FB3]  }
0x2f: {  	lr =	sadd.s32 s0, s3;
	s0 =	sld [smem:$0x3FAA]  }
0x30: {  	s3 =	sld [smem:$0x3FAD]  }
0x31: {  	[smem:$0x3FB6] =	sst s10  }
0x32: {  	s10 =	sld [smem:$0x3FB4];
	_ =	sdelay $0x3  }
0x33: {  	p0 =	seq.s32 s10, $0x1;
	s10 =	sld [smem:$0x3FB6];
	_ =	sdelay $0x3  }
0x34: {  	[smem:$0x3FB6] =	sst s10  }
0x35: {  	s10 =	sld [smem:$0x3FB5];
	_ =	sdelay $0x3  }
0x36: {  	p1 =	seq.s32 s10, $0x1;
	s10 =	sld [smem:$0x3FB6];
	_ =	sdelay $0x3  }
0x37: {  	[smem:$0x3FB6] =	sst s10  }
0x38: {  	s10 =	sld [smem:$0x3FB7]  }
0x39: {  	_ = 	snop;
	(pc) =	sbr.ind lr, $3  }
0x3a: {  	_ = 	snop  }
0x3b: {  	_ = 	snop  }
0x3c: {  	p2 =	seq.s32 s10, $0x1;
	s10 =	sld [smem:$0x3FB6]  }
0x3d: {  	_ =	shalt  }
0x3e: {  	_ =	shalt  }
0x3f: {  	_ =	shalt  }
0x40: {  	_ =	shalt  }
0x41: {  	_ =	shalt  }
0x42: {  	_ =	shalt  }
0x43: {  	_ =	shalt  }
0x44: {  	_ =	shalt  }
0x45: {  	_ =	shalt  }
0x46: {  	_ =	shalt  }
0x47: {  	_ =	shalt  }
0x48: {  	_ =	shalt  }
0x49: {  	_ =	shalt  }
0x4a: {  	_ =	shalt  }
0x4b: {  	_ =	shalt  }
0x4c: {  	_ =	shalt  }
0x4d: {  	_ =	shalt  }
0x4e: {  	_ =	shalt  }
0x4f: {  	_ =	shalt  }
0x50: {  	_ =	shalt  }
0x51: {  	_ =	shalt  }
0x52: {  	_ =	shalt  }
0x53: {  	_ =	shalt  }
0x54: {  	_ =	shalt  }
0x55: {  	_ =	shalt  }
0x56: {  	_ =	shalt  }
0x57: {  	_ =	shalt  }
0x58: {  	_ =	shalt  }
0x59: {  	_ =	shalt  }
0x5a: {  	_ =	shalt  }
0x5b: {  	_ =	shalt  }
0x5c: {  	_ =	shalt  }
0x5d: {  	_ =	shalt  }
0x5e: {  	_ =	shalt  }
0x5f: {  	_ =	shalt  }
0x60: {  	_ =	shalt  }
0x61: {  	_ =	shalt  }
0x62: {  	_ =	shalt  }
0x63: {  	_ =	shalt  }
0x64: {  	_ =	shalt  }
0x65: {  	_ =	shalt  }
0x66: {  	_ =	shalt  }
0x67: {  	_ =	shalt  }
0x68: {  	_ =	shalt  }
0x69: {  	_ =	shalt  }
0x6a: {  	_ =	shalt  }
0x6b: {  	_ =	shalt  }
0x6c: {  	_ =	shalt  }
0x6d: {  	_ =	shalt  }
0x6e: {  	_ =	shalt  }
0x6f: {  	_ =	shalt  }
0x70: {  	_ =	shalt  }
0x71: {  	_ =	shalt  }
0x72: {  	_ =	shalt  }
0x73: {  	_ =	shalt  }
0x74: {  	_ =	shalt  }
0x75: {  	_ =	shalt  }
0x76: {  	_ =	shalt  }
0x77: {  	_ =	shalt  }
0x78: {  	_ =	shalt  }
0x79: {  	_ =	shalt  }
0x7a: {  	_ =	shalt  }
0x7b: {  	_ =	shalt  }
0x7c: {  	_ =	shalt  }
0x7d: {  	_ =	shalt  }
0x7e: {  	_ =	shalt  }
0x7f: {  	_ =	shalt  }
0x80: {  	_ =	shalt  }
0x81: {  	_ =	shalt  }
0x82: {  	_ =	shalt  }
0x83: {  	_ =	shalt  }
0x84: {  	_ =	shalt  }
0x85: {  	_ =	shalt  }
0x86: {  	_ =	shalt  }
0x87: {  	_ =	shalt  }
.Lfunc_end0:
.L_simem_size_0:
called_computation_lowered:
.L_overlay_start_0:
0x88: {  	s2 =	sld [smem:$0x3FD9]  }
0x89: {  	s3 =	sld [smem:$0x3FFE];
	_ =	sdelay $0x1  }
0x8a: {  	s1 =	srdreg.scid  }
0x8b: {  	s0 =	sand.u32 $0x1, s1  }
0x8c: {  	s17 =	sshll.u32 s0, $0xA;
	s2 =	sadd.s32 s3, s2  }
0x8d: {  	s2 =	sadd.s32 s2, s17  }
0x8e: {  	[smem:$0x3FC2] =	sst s2  }
0x8f: {  	_ = 	snop  }
0x90: {  	s2 =	sld [smem:$0x3FC9]  }
0x91: {  	s18 =	sld [smem:$0x3FC8]  }
0x92: {  	s4 =	sld [smem:$0x3FC7]  }
0x93: {  	s5 =	sld [smem:$0x3FC6]  }
0x94: {  	s6 =	sld [smem:$0x3FC5]  }
0x95: {  	s7 =	sld [smem:$0x3FD0];
	(tm) =	ssettm $0x1  }
0x96: {  	s8 =	sld [smem:$0x3FFB];
	_ =	sdelay $0x3  }
0x97: {  	_ =	strace s8  }
0x98: {  	s8 =	sld [smem:$0x3FFC];
	_ =	sdelay $0x3  }
0x99: {  	_ =	strace s8  }
0x9a: {  	s8 =	sld [smem:$0x3FFD];
	_ =	sdelay $0x3  }
0x9b: {  	_ =	strace s8  }
0x9c: {  	_ =	strace $0x8FFFFFFF  }
0x9d: {  	s19 =	sld [smem:$0x3FDB];
	_ =	sdelay $0x1  }
0x9e: {  	s9 =	simm.s32 $_scs_section_size  }
0x9f: {  	s10 =	simm.s32 $_size__tile_overlayer_lowered;
	s11 =	simm.s32 $_tile_overlayer_lowered  }
0xa0: {  	s22 =	simm.s32 $0x1BFF;
	s21 =	sshll.u32 s11, $0x1;
	s8 =	sadd.s32 s9, s19  }
0xa1: {  	s12 =	simm.s32 $0x0;
	s20 =	sshll.u32 s10, $0x1;
	s10 =	sadd.s32 s21, s8  }
0xa2: {  	[timem:s12], [sflag:s22] =	dma.local [hbm:s10], s20  }
0xa3: {  	_ =	swait.ge [sflag:s22], s20  }
0xa4: {  	s9 =	ssub.s32 $0x0, s20;
	[sflag:s22] =	ssyncset.done $0x0  }
0xa5: {  	[sflag:s22] =	ssyncadd.s32 s9;
	_ =	sdelay $0x1  }
0xa6: {  	s23 =	simm.s32 $0x1B8B  }
0xa7: {  	_ =	swait.ge [sflag:s23], $0x1  }
0xa8: {  	[sflag:s23] =	ssyncset.done $0x0  }
0xa9: {  	s25 =	simm.s32 $0x1B8E;
	s24 =	sld [smem:$0x3FFE];
	[sflag:s23] =	ssyncadd.s32 $0xFFFFFFFF  }
0xaa: {  	s26 =	simm.s32 $execute0_lowered;
	[smem:$0x3FD2] =	sst s25  }
0xab: {  	s10 =	sshll.u32 s26, $0x1;
	_ =	strace $0x80000046;
	[dreg:$0x1] =	wrdreg $0xFFFFFFFF  }
0xac: {  	s28 =	simm.s32 $_size_execute0_lowered;
	s8 =	sadd.s32 s8, s10;
	[dreg:$0x0] =	wrdreg $0x0  }
0xad: {  	s10 =	sshll.u32 s28, $0x1;
	[dreg:$0x2] =	wrdreg s8  }
0xae: {  	[dreg:$0x3] =	wrdreg s10  }
0xaf: {  	[dreg:$0x4] =	wrdreg $0xC0  }
0xb0: {  	_ =	task [dreg:s12], $0x5FFFF  }
0xb1: {  	[dreg:$0x1] =	wrdreg $0xFFFFFFFF  }
0xb2: {  	[dreg:$0x0] =	wrdreg $0x60  }
0xb3: {  	[dreg:$0x2] =	wrdreg s2  }
0xb4: {  	[dreg:$0x3] =	wrdreg s18  }
0xb5: {  	[dreg:$0x4] =	wrdreg s4  }
0xb6: {  	[dreg:$0x5] =	wrdreg s5  }
0xb7: {  	[dreg:$0x6] =	wrdreg s24  }
0xb8: {  	[dreg:$0x7] =	wrdreg s6  }
0xb9: {  	[dreg:$0x8] =	wrdreg s7  }
0xba: {  	[dreg:$0x9] =	wrdreg $0x9  }
0xbb: {  	_ =	task.clear_ibuf [dreg:s12], $0xAFFFF;
	_ =	strace $0x90000046  }
0xbc: {  	s29 =	simm.s32 $0x9;
	_ =	strace $0x80000048  }
0xbd: {  	_ =	swait.ge [sflag:s29], $0x1  }
0xbe: {  	[sflag:s29] =	ssyncadd.s32 $0xFFFFFFFF  }
0xbf: {  	_ =	strace $0x90000048  }
0xc0: {  	_ =	sfence  }
0xc1: {  	s30 =	sld [smem:$0x0];
	_ =	sdelay $0x2  }
0xc2: {  	s31 =	sshll.u32 s1, $0xD;
	s1 =	sshrl.u32 s1, $0x2  }
0xc3: {  	s3 =	sand.u32 $0x4000, s31;
	s1 =	sadd.s32 s1, s30  }
0xc4: {  	s0 =	sor.u32 s3, s0;
	s1 =	sshll.u32 s1, $0x11  }
0xc5: {  	s0 =	sor.u32 s1, s0  }
0xc6: {  	s0 =	sadd.s32 $0x8F2B, s0  }
0xc7: {  	[sflag:s0] =	ssyncadd.remote.s32 $0x1  }
0xc8: {  	_ =	sfence.sel $0xFFFF  }
0xc9: {  	[dreg:$0x0] =	wrdreg $0xFFFFFFFF;
	(pc) =	sbr.abs _section_cstart, $3  }
0xca: {  	[dreg:$0x1] =	wrdreg $0xFFFFFFFF  }
0xcb: {  	_ =	task.clear_ibuf [dreg:s12], $0x2FFFF;
	_ =	strace $0x9FFFFFFF  }
0xcc: {  	(tm) =	ssettm $0x7FFFFFFF  }
0xcd: {  	_ =	shalt  }
tec
execute0_lowered:
.L_overlay_start_1:
0x0: {  	(tag) =	ssettag $0x1  }
0x1: {  	s0 =	rddreg [dreg:$0x0]  }
0x2: {  	s3 =	rddreg [dreg:$0x1]  }
0x3: {  	s1 =	rddreg [dreg:$0x2]  }
0x4: {  	s2 =	rddreg [dreg:$0x3]  }
0x5: {  	s5 =	rddreg [dreg:$0x4]  }
0x6: {  	s6 =	rddreg [dreg:$0x6];
	s10 =	simm.s32 $0x0  }
0x7: {  	s7 =	srdreg.scid;
	s21 =	stileid.u32;
	s19 =	simm.s32 $0x400  }
0x8: {  	s28 =	simm.s32 $0x6500;
	s29 =	simm.s32 $0x14500;
	s30 =	simm.s32 $0x8500  }
0x9: {  	v0 =	vimm.s32 $0xEFCDAB89;
	v1 =	vimm.s32 $0x67452301;
	s31 =	simm.s32 $0x16500;
	s13 =	simm.s32 $0x1C500;
	s14 =	simm.s32 $0x2  }
0xa: {  	s15 =	simm.s32 $0x3;
	s16 =	simm.s32 $0x4;
	s18 =	simm.s32 $0x5;
	v0 =	vunpack.c.l.s4.s8 v0;
	v1 =	vunpack.c.l.s4.s8 v1  }
0xb: {  	v2 =	vlaneseq.u32;
	v3 =	vimm.s32 $0xDCFE98BA;
	[smem:$0x7FF] =	sst s10;
	s4 =	sadd.s32 $0x400, s5;
	s20 =	sadd.s32 $0x800, s5  }
0xc: {  	v6 =	vimm.s32 $0xFEDCBA98;
	s7 =	sand.u32 $0x1, s7;
	s9 =	sshll.u32 s21, $0x7;
	s22 =	sadd.s32 $0xC00, s5;
	v4 =	vunpack.c.0.s8.s32 v0;
	v1 =	vunpack.c.0.s8.s32 v1  }
0xd: {  	v5 =	vimm.s32 $0x32107654;
	v3 =	vunpack.c.l.s4.s8 v3;
	s21 =	simm.s32 $0x500;
	v6 =	vunpack.c.l.s4.s8 v6;
	_ =	strace $0x80000047;
	[dreg:$0x8] =	wrdreg s4  }
0xe: {  	[dreg:$0x9] =	wrdreg s20;
	s8 =	ssub.s32 $0x2, s7;
	s7 =	sshll.u32 s7, $0x6;
	v0 =	vmul.u32 $0x80, v2;
	v4 =	vcombine.low v1, v4;
	v1 =	vimm.s32 $0x54761032  }
0xf: {  	[dreg:$0xa] =	wrdreg s22;
	s20 =	simm.s32 $0x7A1400;
	s23 =	sshrl.u32 s8, $0x1;
	v2 =	vunpack.c.0.s8.s32 v3;
	v3 =	vimm.s32 $0xBA98FEDC;
	v1 =	vunpack.c.l.s4.s8 v1  }
0x10: {  	v5 =	vunpack.c.l.s4.s8 v5;
	s22 =	simm.s32 $0xE500;
	s7 =	sor.u32 s7, s9;
	s5 =	ssub.s32 s8, s23;
	v3 =	vunpack.c.l.s4.s8 v3  }
0x11: {  	v6 =	vunpack.c.0.s8.s32 v6;
	s0 =	sadd.s32 s0, s7;
	s24 =	sadd.s32 s3, s7;
	s25 =	sadd.s32 s6, s7;
	v7 =	vunpack.c.0.s8.s32 v1;
	v1 =	vimm.s32 $0x76543210  }
0x12: {  	v5 =	vunpack.c.0.s8.s32 v5;
	s8 =	simm.s32 $0x7;
	s23 =	simm.s32 $0x2500;
	[dreg:$0xb] =	wrdreg s0;
	v3 =	vunpack.c.0.s8.s32 v3;
	v8 =	vunpack.c.l.s4.s8 v1  }
0x13: {  	s3 =	simm.s32 $0x1;
	s6 =	simm.s32 $0x6;
	[dreg:$0xc] =	wrdreg s24;
	v10 =	vand.u32 $0xF, v6;
	v4 =	vand.u32 $0xF, v4  }
0x14: {  	s7 =	simm.s32 $0x0;
	[dreg:$0xd] =	wrdreg s25;
	s26 =	smax.u32 s5, $0x1;
	v9 =	vcombine.low v5, v3;
	v7 =	vcombine.low v7, v2;
	v8 =	vunpack.c.0.s8.s32 v8  }
0x15: {  	s24 =	simm.s32 $0x10500;
	s25 =	simm.s32 $0x4500;
	s0 =	simm.s32 $0xA500;
	v3 =	vor.u32 $0x1800, v0;
	v1 =	vor.u32 $0x800, v0;
	v2 =	vor.u32 $0x1000, v0  }
0x16: {  	s5 =	simm.s32 $0x18500;
	[dreg:$0xe] =	wrdreg s26;
	s26 =	simm.s32 $0x12500;
	v6 =	vand.u32 $0xF, v9;
	v5 =	vand.u32 $0xF, v7;
	v7 =	vcombine.low v10, v8  }
.LBB2_1:
0x17: {  	[dreg:$0xf] =	wrdreg s7  }
0x18: {  	s4 =	rddreg [dreg:$0xb]  }
0x19: {  	[tilespmem:s10], [sflag:$0x7] =	stream.linear.gather [hbm4b:s4+s10], $0x200, $0x38;
	[tilespmem:$0x1C800] =	vst v63  }
0x1a: {  	_ =	swait.ge [sflag:s8], $0x200  }
0x1b: {  	[sflag:s8] =	ssyncset.done $0x0  }
0x1c: {  	s17 =	simm.s32 $0x280;
	s12 =	rddreg [dreg:$0xc];
	[sflag:s8] =	ssyncadd.s32 $0xFFFFFE00  }
0x1d: {  	[tilespmem:s17], [sflag:$0x7] =	stream.linear.gather [hbm4b:s12+s10], $0x200, $0x38;
	[tilespmem:$0x1C800] =	vst v63  }
0x1e: {  	_ =	swait.ge [sflag:s8], $0x200  }
0x1f: {  	[sflag:s8] =	ssyncset.done $0x0  }
0x20: {  	[sflag:s8] =	ssyncadd.s32 $0xFFFFFE00  }
0x21: {  	s11 =	simm.s32 $0x1C700;
	s9 =	rddreg [dreg:$0x5]  }
0x22: {  	[tilespmem:s11], [sflag:$0x7] =	stream.linear.gather [hbm4b:s9+s10], $0x80, $0x38;
	[tilespmem:$0x1C800] =	vst v63  }
0x23: {  	_ =	swait.ge [sflag:s8], $0x80  }
0x24: {  	[sflag:s8] =	ssyncset.done $0x0  }
0x25: {  	s17 =	simm.s32 $0x1C780;
	s12 =	rddreg [dreg:$0xa];
	[sflag:s8] =	ssyncadd.s32 $0xFFFFFF80  }
0x26: {  	[tilespmem:s17], [sflag:$0x7] =	stream.linear.gather [hbm4b:s12+s10], $0x80, $0x38;
	[tilespmem:$0x1C800] =	vst v63  }
0x27: {  	_ =	swait.ge [sflag:s8], $0x80  }
0x28: {  	[sflag:s8] =	ssyncset.done $0x0  }
0x29: {  	s11 =	simm.s32 $0xC500;
	s9 =	rddreg [dreg:$0x8];
	[sflag:s8] =	ssyncadd.s32 $0xFFFFFF80  }
0x2a: {  	[tilespmem:s11], [sflag:$0x7] =	stream.linear.gather [hbm4b:s9+s10], $0x2000, $0x38;
	[tilespmem:$0x1C800] =	vst v63  }
0x2b: {  	_ =	swait.ge [sflag:s8], $0x2000  }
0x2c: {  	[sflag:s8] =	ssyncset.done $0x0  }
0x2d: {  	s17 =	simm.s32 $0x1A500;
	s12 =	rddreg [dreg:$0x9];
	[sflag:s8] =	ssyncadd.s32 $0xFFFFE000  }
0x2e: {  	[tilespmem:s17], [sflag:$0x7] =	stream.linear.gather [hbm4b:s12+s10], $0x2000, $0x38;
	[tilespmem:$0x1C800] =	vst v63  }
0x2f: {  	_ =	swait.ge [sflag:s8], $0x2000  }
0x30: {  	[sflag:s8] =	ssyncset.done $0x0  }
0x31: {  	[sflag:s8] =	ssyncadd.s32 $0xFFFFE000  }
0x32: {  	v8 =	vld [tilespmem:$0x280]  }
0x33: {  	v9 =	vld [tilespmem:$0x0];
	_ =	sdelay $0x3  }
0x34: {  	(v2sf) =	vpush v8, $0x0  }
0x35: {  	(v2sf) =	vpush v9, $0x0;
	_ =	sdelay $0xd  }
0x36: {  	s7 =	spop (v2sf)  }
0x37: {  	s9 =	spop (v2sf)  }
0x38: {  	s9 =	sshra.s32 s9, $0x7  }
0x39: {  	s8 =	sshra.s32 s7, $0x7;
	p0 =	slt.s32 s9, $0x1E83  }
0x3a: {  	v10 =	vld [tilespmem:$0x1C720];
	s9 =	simm.s32 @!p0 $0x1E83;
	p0 =	slt.s32 s8, $0x1E83  }
0x3b: {  	v11 =	vld [tilespmem:$0x1C730];
	s9 =	sshll.u32 s9, $0x7;
	s8 =	simm.s32 @!p0 $0x1E83  }
0x3c: {  	v12 =	vld [tilespmem:$0x1C780];
	s9 =	sand.u32 $0x1FFFFF80, s9;
	s8 =	sshll.u32 s8, $0x7  }
0x3d: {  	v8 =	vld [tilespmem:$0x1C700];
	s9 =	sadd.s32 s1, s9;
	s8 =	sand.u32 $0x1FFFFF80, s8  }
0x3e: {  	v9 =	vld [tilespmem:$0x1C710];
	[tilespmem:s21], [sflag:$0x1] =	stream.strided.gather [hbm4b:s9+s19], $0x2000, s20, s19, $0x38  }
0x3f: {  	s8 =	sadd.s32 s2, s8  }
0x40: {  	[tilespmem:s22], [sflag:$0x1] =	stream.strided.gather [hbm4b:s8+s19], $0x2000, s20, s19, $0x38;
	[tilespmem:$0x1C800] =	vst v63  }
0x41: {  	v13 =	vld [tilespmem:$0x281]  }
0x42: {  	v14 =	vld [tilespmem:$0x1];
	_ =	sdelay $0x3  }
0x43: {  	(v2sf) =	vpush v13, $0x0  }
0x44: {  	(v2sf) =	vpush v14, $0x0;
	_ =	sdelay $0xd  }
0x45: {  	s10 =	spop (v2sf)  }
0x46: {  	s11 =	spop (v2sf)  }
0x47: {  	s9 =	sshra.s32 s11, $0x7  }
0x48: {  	s8 =	sshra.s32 s10, $0x7;
	p0 =	slt.s32 s9, $0x1E83  }
0x49: {  	s9 =	simm.s32 @!p0 $0x1E83;
	p0 =	slt.s32 s8, $0x1E83  }
0x4a: {  	s9 =	sshll.u32 s9, $0x7;
	s8 =	simm.s32 @!p0 $0x1E83  }
0x4b: {  	s9 =	sand.u32 $0x1FFFFF80, s9;
	s8 =	sshll.u32 s8, $0x7  }
0x4c: {  	s9 =	sadd.s32 s1, s9;
	s8 =	sand.u32 $0x1FFFFF80, s8  }
0x4d: {  	[tilespmem:s23], [sflag:$0x2] =	stream.strided.gather [hbm4b:s9+s19], $0x2000, s20, s19, $0x38;
	[tilespmem:$0x1C800] =	vst v63  }
0x4e: {  	s8 =	sadd.s32 s2, s8  }
0x4f: {  	[tilespmem:s24], [sflag:$0x2] =	stream.strided.gather [hbm4b:s8+s19], $0x2000, s20, s19, $0x38;
	[tilespmem:$0x1C800] =	vst v63  }
0x50: {  	v13 =	vld [tilespmem:$0x282]  }
0x51: {  	v14 =	vld [tilespmem:$0x2];
	_ =	sdelay $0x3  }
0x52: {  	(v2sf) =	vpush v13, $0x0  }
0x53: {  	(v2sf) =	vpush v14, $0x0;
	_ =	sdelay $0xd  }
0x54: {  	s12 =	spop (v2sf)  }
0x55: {  	s17 =	spop (v2sf)  }
0x56: {  	s9 =	sshra.s32 s17, $0x7  }
0x57: {  	s8 =	sshra.s32 s12, $0x7;
	p0 =	slt.s32 s9, $0x1E83  }
0x58: {  	s9 =	simm.s32 @!p0 $0x1E83;
	p0 =	slt.s32 s8, $0x1E83  }
0x59: {  	s9 =	sshll.u32 s9, $0x7;
	s8 =	simm.s32 @!p0 $0x1E83  }
0x5a: {  	s9 =	sand.u32 $0x1FFFFF80, s9;
	s8 =	sshll.u32 s8, $0x7  }
0x5b: {  	s9 =	sadd.s32 s1, s9;
	s8 =	sand.u32 $0x1FFFFF80, s8  }
0x5c: {  	[tilespmem:s25], [sflag:$0x3] =	stream.strided.gather [hbm4b:s9+s19], $0x2000, s20, s19, $0x38;
	[tilespmem:$0x1C800] =	vst v63  }
0x5d: {  	s8 =	sadd.s32 s2, s8  }
0x5e: {  	[tilespmem:s26], [sflag:$0x3] =	stream.strided.gather [hbm4b:s8+s19], $0x2000, s20, s19, $0x38;
	[tilespmem:$0x1C800] =	vst v63  }
0x5f: {  	v13 =	vld [tilespmem:$0x283]  }
0x60: {  	v14 =	vld [tilespmem:$0x3];
	_ =	sdelay $0x3  }
0x61: {  	(v2sf) =	vpush v13, $0x0  }
0x62: {  	(v2sf) =	vpush v14, $0x0;
	_ =	sdelay $0xd  }
0x63: {  	s4 =	spop (v2sf)  }
0x64: {  	s7 =	spop (v2sf)  }
0x65: {  	s9 =	sshra.s32 s7, $0x7  }
0x66: {  	s8 =	sshra.s32 s4, $0x7;
	p0 =	slt.s32 s9, $0x1E83  }
0x67: {  	s9 =	simm.s32 @!p0 $0x1E83;
	p0 =	slt.s32 s8, $0x1E83  }
0x68: {  	s9 =	sshll.u32 s9, $0x7;
	s8 =	simm.s32 @!p0 $0x1E83  }
0x69: {  	s9 =	sand.u32 $0x1FFFFF80, s9;
	s8 =	sshll.u32 s8, $0x7  }
0x6a: {  	s9 =	sadd.s32 s1, s9;
	s8 =	sand.u32 $0x1FFFFF80, s8  }
0x6b: {  	[tilespmem:s28], [sflag:$0x4] =	stream.strided.gather [hbm4b:s9+s19], $0x2000, s20, s19, $0x38;
	[tilespmem:$0x1C800] =	vst v63  }
0x6c: {  	s8 =	sadd.s32 s2, s8  }
0x6d: {  	[tilespmem:s29], [sflag:$0x4] =	stream.strided.gather [hbm4b:s8+s19], $0x2000, s20, s19, $0x38;
	[tilespmem:$0x1C800] =	vst v63  }
0x6e: {  	v13 =	vld [tilespmem:$0x284]  }
0x6f: {  	v14 =	vld [tilespmem:$0x4];
	_ =	sdelay $0x3  }
0x70: {  	(v2sf) =	vpush v13, $0x0  }
0x71: {  	(v2sf) =	vpush v14, $0x0;
	_ =	sdelay $0xd  }
0x72: {  	s10 =	spop (v2sf)  }
0x73: {  	s11 =	spop (v2sf)  }
0x74: {  	s9 =	sshra.s32 s11, $0x7  }
0x75: {  	s8 =	sshra.s32 s10, $0x7;
	p0 =	slt.s32 s9, $0x1E83  }
0x76: {  	s9 =	simm.s32 @!p0 $0x1E83;
	p0 =	slt.s32 s8, $0x1E83  }
0x77: {  	s9 =	sshll.u32 s9, $0x7;
	s8 =	simm.s32 @!p0 $0x1E83  }
0x78: {  	s9 =	sand.u32 $0x1FFFFF80, s9;
	s8 =	sshll.u32 s8, $0x7  }
0x79: {  	s9 =	sadd.s32 s1, s9;
	s8 =	sand.u32 $0x1FFFFF80, s8  }
0x7a: {  	[tilespmem:s30], [sflag:$0x5] =	stream.strided.gather [hbm4b:s9+s19], $0x2000, s20, s19, $0x38;
	[tilespmem:$0x1C800] =	vst v63  }
0x7b: {  	s8 =	sadd.s32 s2, s8  }
0x7c: {  	[tilespmem:s31], [sflag:$0x5] =	stream.strided.gather [hbm4b:s8+s19], $0x2000, s20, s19, $0x38;
	[tilespmem:$0x1C800] =	vst v63  }
0x7d: {  	v13 =	vld [tilespmem:$0x285]  }
0x7e: {  	v14 =	vld [tilespmem:$0x5];
	_ =	sdelay $0x3  }
0x7f: {  	(v2sf) =	vpush v13, $0x0  }
0x80: {  	(v2sf) =	vpush v14, $0x0;
	_ =	sdelay $0xd  }
0x81: {  	s12 =	spop (v2sf)  }
0x82: {  	s17 =	spop (v2sf)  }
0x83: {  	s9 =	sshra.s32 s17, $0x7  }
0x84: {  	s8 =	sshra.s32 s12, $0x7;
	p0 =	slt.s32 s9, $0x1E83  }
0x85: {  	s9 =	simm.s32 @!p0 $0x1E83;
	p0 =	slt.s32 s8, $0x1E83  }
0x86: {  	s9 =	sshll.u32 s9, $0x7;
	s8 =	simm.s32 @!p0 $0x1E83  }
0x87: {  	s9 =	sand.u32 $0x1FFFFF80, s9;
	s8 =	sshll.u32 s8, $0x7  }
0x88: {  	s9 =	sadd.s32 s1, s9;
	s8 =	sand.u32 $0x1FFFFF80, s8  }
0x89: {  	[tilespmem:s0], [sflag:$0x6] =	stream.strided.gather [hbm4b:s9+s19], $0x2000, s20, s19, $0x38;
	[tilespmem:$0x1C800] =	vst v63  }
0x8a: {  	s8 =	sadd.s32 s2, s8  }
0x8b: {  	[tilespmem:s5], [sflag:$0x6] =	stream.strided.gather [hbm4b:s8+s19], $0x2000, s20, s19, $0x38;
	[tilespmem:$0x1C800] =	vst v63  }
0x8c: {  	s10 =	simm.s32 $0x1;
	s9 =	simm.s32 $0x1;
	s8 =	simm.s32 $0x281  }
.LBB2_2:
0x8d: {  	_ =	swait.ge [sflag:s3], $0x2000  }
0x8e: {  	[sflag:s3] =	ssyncset.done $0x0  }
0x8f: {  	[sflag:s3] =	ssyncadd.s32 $0xFFFFE000  }
0x90: {  	_ =	swait.ge [sflag:s3], $0x2000  }
0x91: {  	[sflag:s3] =	ssyncset.done $0x0  }
0x92: {  	[sflag:s3] =	ssyncadd.s32 $0xFFFFE000  }
0x93: {  	v13 =	vld [tilespmem:s9+$0xFFFFFFFF]  }
0x94: {  	v14 =	vld [tilespmem:s8+$0xFFFFFFFF];
	_ =	sdelay $0x3  }
0x95: {  	(v2sf) =	vpush v13, $0x0  }
0x96: {  	(v2sf) =	vpush v14, $0x0;
	_ =	sdelay $0xd  }
0x97: {  	s12 =	simm.s32 $0xC000;
	s11 =	spop (v2sf)  }
0x98: {  	s7 =	simm.s32 $0xC000;
	p0 =	sgt.s32 s11, $0xF41FF;
	s4 =	spop (v2sf)  }
0x99: {  	s11 =	sand.u32 $0x7F, s11;
	s12 =	simm.s32 @!p0 $0x0;
	p0 =	sgt.s32 s4, $0xF41FF  }
0x9a: {  	s4 =	sand.u32 $0x7F, s4;
	s7 =	simm.s32 @!p0 $0x0;
	s12 =	sor.u32 s11, s12  }
0x9b: {  	v13 =	vor.u32 s12, v0;
	s4 =	sor.u32 s4, s7  }
0x9c: {  	s11 =	sadd.s32 $0xFFFFFFFF, s10;
	v14 =	vor.u32 s4, v0  }
0x9d: {  	v15 =	vor.u32 s12, v1;
	s17 =	smin.u32 s11, $0x1F9  }
0x9e: {  	v16 =	vor.u32 s4, v1;
	v20 =	vld [tilespmem:s17+$0x286]  }
0x9f: {  	v17 =	vor.u32 s12, v2;
	v22 =	vld [tilespmem:s17+$0x6]  }
0xa0: {  	v18 =	vor.u32 s4, v2;
	v13 =	vld.idx.msk [tilespmem:v13+s21+$0x0], $0xffff  }
0xa1: {  	v21 =	vor.u32 s4, v3;
	v14 =	vld.idx.msk [tilespmem:v14+s22+$0x0], $0xffff  }
0xa2: {  	v19 =	vor.u32 s12, v3;
	v15 =	vld.idx.msk [tilespmem:v15+s21+$0x0], $0xffff  }
0xa3: {  	v16 =	vld.idx.msk [tilespmem:v16+s22+$0x0], $0xffff  }
0xa4: {  	v17 =	vld.idx.msk [tilespmem:v17+s21+$0x0], $0xffff  }
0xa5: {  	v18 =	vld.idx.msk [tilespmem:v18+s22+$0x0], $0xffff  }
0xa6: {  	v55 =	vld.idx.msk [tilespmem:v21+s22+$0x0], $0xffff;
	v13 =	vmul.f32 v14, v13  }
0xa7: {  	v14 =	vld.idx.msk [tilespmem:v19+s21+$0x0], $0xffff  }
0xa8: {  	(v2sf) =	vpush v20, $0x0;
	v15 =	vmul.f32 v16, v15;
	v13 =	vmul.f32 v13, v8  }
0xa9: {  	(v2sf) =	vpush v22, $0x0  }
0xaa: {  	v56 =	vmul.f32 v18, v17;
	v15 =	vmul.f32 v15, v9;
	v13 =	vadd.f32 v13, v12;
	_ =	sdelay $0x1  }
0xab: {  	v14 =	vmul.f32 v55, v14;
	v13 =	vadd.f32 v15, v13;
	v15 =	vmul.f32 v56, v10;
	_ =	sdelay $0x1  }
0xac: {  	v14 =	vmul.f32 v14, v11;
	v13 =	vadd.f32 v15, v13;
	_ =	sdelay $0x1  }
0xad: {  	v13 =	vadd.f32 v14, v13;
	_ =	sdelay $0x1  }
0xae: {  	v14 =	vperm.xlane v13, v4;
	_ =	sdelay $0x1  }
0xaf: {  	v13 =	vadd.f32 v13, v14;
	_ =	sdelay $0x1  }
0xb0: {  	v14 =	vperm.xlane v13, v5  }
0xb1: {  	s12 =	spop (v2sf)  }
0xb2: {  	s17 =	spop (v2sf);
	v13 =	vadd.f32 v13, v14  }
0xb3: {  	s7 =	sshra.s32 s17, $0x7  }
0xb4: {  	s4 =	sshra.s32 s12, $0x7;
	p0 =	slt.s32 s7, $0x1E83;
	v14 =	vperm.xlane v13, v6  }
0xb5: {  	s7 =	simm.s32 @!p0 $0x1E83;
	p0 =	slt.s32 s4, $0x1E83  }
0xb6: {  	s7 =	sshll.u32 s7, $0x7;
	s4 =	simm.s32 @!p0 $0x1E83;
	v13 =	vadd.f32 v13, v14  }
0xb7: {  	s7 =	sand.u32 $0x1FFFFF80, s7;
	s4 =	sshll.u32 s4, $0x7;
	v14 =	vmov s11  }
0xb8: {  	s7 =	sadd.s32 s1, s7;
	s4 =	sand.u32 $0x1FFFFF80, s4;
	v15 =	vperm.xlane v13, v7  }
0xb9: {  	[tilespmem:s21], [sflag:$0x1] =	stream.strided.gather [hbm4b:s7+s19], $0x2000, s20, s19, $0x38;
	[tilespmem:$0x1C800] =	vst v63  }
0xba: {  	s4 =	sadd.s32 s2, s4;
	v13 =	vadd.f32 v13, v15  }
0xbb: {  	[tilespmem:s22], [sflag:$0x1] =	stream.strided.gather [hbm4b:s4+s19], $0x2000, s20, s19, $0x38;
	[tilespmem:$0x1C800] =	vst v63  }
0xbc: {  	[tilespmem:v14+s13+$0x0] =	vst.idx.msk $0x1, v13  }
0xbd: {  	_ =	swait.ge [sflag:s14], $0x2000  }
0xbe: {  	[sflag:s14] =	ssyncset.done $0x0  }
0xbf: {  	[sflag:s14] =	ssyncadd.s32 $0xFFFFE000  }
0xc0: {  	_ =	swait.ge [sflag:s14], $0x2000  }
0xc1: {  	[sflag:s14] =	ssyncset.done $0x0  }
0xc2: {  	[sflag:s14] =	ssyncadd.s32 $0xFFFFE000  }
0xc3: {  	v13 =	vld [tilespmem:s9+$0x0]  }
0xc4: {  	v14 =	vld [tilespmem:s8+$0x0];
	_ =	sdelay $0x3  }
0xc5: {  	(v2sf) =	vpush v13, $0x0  }
0xc6: {  	(v2sf) =	vpush v14, $0x0;
	_ =	sdelay $0xd  }
0xc7: {  	s17 =	simm.s32 $0xC000;
	s4 =	spop (v2sf)  }
0xc8: {  	s7 =	simm.s32 $0xC000;
	p0 =	sgt.s32 s4, $0xF41FF;
	s12 =	spop (v2sf)  }
0xc9: {  	s4 =	sand.u32 $0x7F, s4;
	s7 =	simm.s32 @!p0 $0x2000;
	p0 =	sgt.s32 s12, $0xF41FF  }
0xca: {  	s12 =	sand.u32 $0x7F, s12;
	s17 =	simm.s32 @!p0 $0x2000;
	s4 =	sor.u32 s4, s7  }
0xcb: {  	v13 =	vor.u32 s4, v0;
	s12 =	sor.u32 s12, s17  }
0xcc: {  	v14 =	vor.u32 s12, v0  }
0xcd: {  	v15 =	vor.u32 s4, v1;
	s17 =	smin.u32 s11, $0x1F8  }
0xce: {  	v57 =	vor.u32 s12, v1;
	v61 =	vld [tilespmem:s17+$0x287]  }
0xcf: {  	v58 =	vor.u32 s4, v2;
	v63 =	vld [tilespmem:s17+$0x7]  }
0xd0: {  	v59 =	vor.u32 s12, v2;
	v13 =	vld.idx.msk [tilespmem:v13+s21+$0x0], $0xffff  }
0xd1: {  	v62 =	vor.u32 s12, v3;
	v14 =	vld.idx.msk [tilespmem:v14+s22+$0x0], $0xffff  }
0xd2: {  	v60 =	vor.u32 s4, v3;
	v15 =	vld.idx.msk [tilespmem:v15+s21+$0x0], $0xffff  }
0xd3: {  	v16 =	vld.idx.msk [tilespmem:v57+s22+$0x0], $0xffff  }
0xd4: {  	v17 =	vld.idx.msk [tilespmem:v58+s21+$0x0], $0xffff  }
0xd5: {  	v18 =	vld.idx.msk [tilespmem:v59+s22+$0x0], $0xffff  }
0xd6: {  	v24 =	vld.idx.msk [tilespmem:v62+s22+$0x0], $0xffff;
	v13 =	vmul.f32 v14, v13  }
0xd7: {  	v14 =	vld.idx.msk [tilespmem:v60+s21+$0x0], $0xffff  }
0xd8: {  	(v2sf) =	vpush v61, $0x0;
	v15 =	vmul.f32 v16, v15;
	v13 =	vmul.f32 v13, v8  }
0xd9: {  	(v2sf) =	vpush v63, $0x0  }
0xda: {  	v25 =	vmul.f32 v18, v17;
	v15 =	vmul.f32 v15, v9;
	v13 =	vadd.f32 v13, v12;
	_ =	sdelay $0x1  }
0xdb: {  	v14 =	vmul.f32 v24, v14;
	v13 =	vadd.f32 v15, v13;
	v15 =	vmul.f32 v25, v10;
	_ =	sdelay $0x1  }
0xdc: {  	v14 =	vmul.f32 v14, v11;
	v13 =	vadd.f32 v15, v13;
	_ =	sdelay $0x1  }
0xdd: {  	v13 =	vadd.f32 v14, v13;
	_ =	sdelay $0x1  }
0xde: {  	v14 =	vperm.xlane v13, v4;
	_ =	sdelay $0x1  }
0xdf: {  	v13 =	vadd.f32 v13, v14;
	_ =	sdelay $0x1  }
0xe0: {  	v14 =	vperm.xlane v13, v5  }
0xe1: {  	s17 =	spop (v2sf)  }
0xe2: {  	s12 =	spop (v2sf);
	v13 =	vadd.f32 v13, v14  }
0xe3: {  	s7 =	sshra.s32 s12, $0x7  }
0xe4: {  	s4 =	sshra.s32 s17, $0x7;
	p0 =	slt.s32 s7, $0x1E83;
	v14 =	vperm.xlane v13, v6  }
0xe5: {  	s7 =	simm.s32 @!p0 $0x1E83;
	p0 =	slt.s32 s4, $0x1E83  }
0xe6: {  	s7 =	sshll.u32 s7, $0x7;
	s4 =	simm.s32 @!p0 $0x1E83;
	v13 =	vadd.f32 v13, v14  }
0xe7: {  	s7 =	sand.u32 $0x1FFFFF80, s7;
	s4 =	sshll.u32 s4, $0x7;
	v14 =	vmov s10  }
0xe8: {  	s7 =	sadd.s32 s1, s7;
	s4 =	sand.u32 $0x1FFFFF80, s4;
	v15 =	vperm.xlane v13, v7  }
0xe9: {  	[tilespmem:s23], [sflag:$0x2] =	stream.strided.gather [hbm4b:s7+s19], $0x2000, s20, s19, $0x38;
	[tilespmem:$0x1C800] =	vst v63  }
0xea: {  	s4 =	sadd.s32 s2, s4;
	v13 =	vadd.f32 v13, v15  }
0xeb: {  	[tilespmem:s24], [sflag:$0x2] =	stream.strided.gather [hbm4b:s4+s19], $0x2000, s20, s19, $0x38;
	[tilespmem:$0x1C800] =	vst v63  }
0xec: {  	[tilespmem:v14+s13+$0x0] =	vst.idx.msk $0x1, v13  }
0xed: {  	_ =	swait.ge [sflag:s15], $0x2000  }
0xee: {  	[sflag:s15] =	ssyncset.done $0x0  }
0xef: {  	[sflag:s15] =	ssyncadd.s32 $0xFFFFE000  }
0xf0: {  	_ =	swait.ge [sflag:s15], $0x2000  }
0xf1: {  	[sflag:s15] =	ssyncset.done $0x0  }
0xf2: {  	s12 =	smin.u32 s11, $0x1FD;
	[sflag:s15] =	ssyncadd.s32 $0xFFFFE000  }
0xf3: {  	v13 =	vld [tilespmem:s12+$0x2]  }
0xf4: {  	v14 =	vld [tilespmem:s12+$0x282];
	_ =	sdelay $0x3  }
0xf5: {  	(v2sf) =	vpush v13, $0x0  }
0xf6: {  	(v2sf) =	vpush v14, $0x0;
	_ =	sdelay $0xd  }
0xf7: {  	s7 =	simm.s32 $0xC000;
	s4 =	spop (v2sf)  }
0xf8: {  	s23 =	simm.s32 $0xC000;
	p0 =	sgt.s32 s4, $0xF41FF;
	s17 =	spop (v2sf)  }
0xf9: {  	s4 =	sand.u32 $0x7F, s4;
	s7 =	simm.s32 @!p0 $0x4000;
	p0 =	sgt.s32 s17, $0xF41FF  }
0xfa: {  	s17 =	sand.u32 $0x7F, s17;
	s23 =	simm.s32 @!p0 $0x4000;
	s4 =	sor.u32 s4, s7  }
0xfb: {  	v13 =	vor.u32 s4, v0;
	s17 =	sor.u32 s17, s23  }
0xfc: {  	v14 =	vor.u32 s17, v0  }
0xfd: {  	v15 =	vor.u32 s4, v1;
	s23 =	smin.u32 s11, $0x1F7  }
0xfe: {  	v26 =	vor.u32 s17, v1;
	v30 =	vld [tilespmem:s23+$0x288]  }
0xff: {  	v27 =	vor.u32 s4, v2;
	v32 =	vld [tilespmem:s23+$0x8]  }
0x100: {  	v28 =	vor.u32 s17, v2;
	v13 =	vld.idx.msk [tilespmem:v13+s21+$0x0], $0xffff  }
0x101: {  	v31 =	vor.u32 s17, v3;
	v14 =	vld.idx.msk [tilespmem:v14+s22+$0x0], $0xffff  }
0x102: {  	v29 =	vor.u32 s4, v3;
	v15 =	vld.idx.msk [tilespmem:v15+s21+$0x0], $0xffff  }
0x103: {  	v16 =	vld.idx.msk [tilespmem:v26+s22+$0x0], $0xffff  }
0x104: {  	v17 =	vld.idx.msk [tilespmem:v27+s21+$0x0], $0xffff  }
0x105: {  	v18 =	vld.idx.msk [tilespmem:v28+s22+$0x0], $0xffff  }
0x106: {  	v33 =	vld.idx.msk [tilespmem:v31+s22+$0x0], $0xffff;
	v13 =	vmul.f32 v14, v13  }
0x107: {  	v14 =	vld.idx.msk [tilespmem:v29+s21+$0x0], $0xffff  }
0x108: {  	(v2sf) =	vpush v30, $0x0;
	v15 =	vmul.f32 v16, v15;
	v13 =	vmul.f32 v13, v8  }
0x109: {  	(v2sf) =	vpush v32, $0x0  }
0x10a: {  	v34 =	vmul.f32 v18, v17;
	v15 =	vmul.f32 v15, v9;
	v13 =	vadd.f32 v13, v12;
	_ =	sdelay $0x1  }
0x10b: {  	v14 =	vmul.f32 v33, v14;
	v13 =	vadd.f32 v15, v13;
	v15 =	vmul.f32 v34, v10;
	_ =	sdelay $0x1  }
0x10c: {  	v14 =	vmul.f32 v14, v11;
	v13 =	vadd.f32 v15, v13;
	_ =	sdelay $0x1  }
0x10d: {  	v13 =	vadd.f32 v14, v13;
	_ =	sdelay $0x1  }
0x10e: {  	v14 =	vperm.xlane v13, v4;
	_ =	sdelay $0x1  }
0x10f: {  	v13 =	vadd.f32 v13, v14;
	_ =	sdelay $0x1  }
0x110: {  	v14 =	vperm.xlane v13, v5  }
0x111: {  	s17 =	spop (v2sf)  }
0x112: {  	s23 =	spop (v2sf);
	v13 =	vadd.f32 v13, v14  }
0x113: {  	s7 =	sshra.s32 s23, $0x7  }
0x114: {  	s4 =	sshra.s32 s17, $0x7;
	p0 =	slt.s32 s7, $0x1E83;
	v14 =	vperm.xlane v13, v6  }
0x115: {  	s7 =	simm.s32 @!p0 $0x1E83;
	p0 =	slt.s32 s4, $0x1E83  }
0x116: {  	s12 =	sadd.s32 $0x2, s12;
	s7 =	sshll.u32 s7, $0x7;
	s4 =	simm.s32 @!p0 $0x1E83;
	v13 =	vadd.f32 v13, v14  }
0x117: {  	s7 =	sand.u32 $0x1FFFFF80, s7;
	s4 =	sshll.u32 s4, $0x7;
	v14 =	vmov s12  }
0x118: {  	s7 =	sadd.s32 s1, s7;
	s4 =	sand.u32 $0x1FFFFF80, s4;
	v15 =	vperm.xlane v13, v7  }
0x119: {  	[tilespmem:s25], [sflag:$0x3] =	stream.strided.gather [hbm4b:s7+s19], $0x2000, s20, s19, $0x38;
	[tilespmem:$0x1C800] =	vst v63  }
0x11a: {  	s4 =	sadd.s32 s2, s4;
	v13 =	vadd.f32 v13, v15  }
0x11b: {  	[tilespmem:s26], [sflag:$0x3] =	stream.strided.gather [hbm4b:s4+s19], $0x2000, s20, s19, $0x38;
	[tilespmem:$0x1C800] =	vst v63  }
0x11c: {  	[tilespmem:v14+s13+$0x0] =	vst.idx.msk $0x1, v13  }
0x11d: {  	_ =	swait.ge [sflag:s16], $0x2000  }
0x11e: {  	[sflag:s16] =	ssyncset.done $0x0  }
0x11f: {  	[sflag:s16] =	ssyncadd.s32 $0xFFFFE000  }
0x120: {  	_ =	swait.ge [sflag:s16], $0x2000  }
0x121: {  	[sflag:s16] =	ssyncset.done $0x0  }
0x122: {  	s12 =	smin.u32 s11, $0x1FC;
	[sflag:s16] =	ssyncadd.s32 $0xFFFFE000  }
0x123: {  	v13 =	vld [tilespmem:s12+$0x3]  }
0x124: {  	v14 =	vld [tilespmem:s12+$0x283];
	_ =	sdelay $0x3  }
0x125: {  	(v2sf) =	vpush v13, $0x0  }
0x126: {  	(v2sf) =	vpush v14, $0x0;
	_ =	sdelay $0xd  }
0x127: {  	s23 =	simm.s32 $0xC000;
	s4 =	spop (v2sf)  }
0x128: {  	s7 =	simm.s32 $0xC000;
	p0 =	sgt.s32 s4, $0xF41FF;
	s17 =	spop (v2sf)  }
0x129: {  	s4 =	sand.u32 $0x7F, s4;
	s7 =	simm.s32 @!p0 $0x6000;
	p0 =	sgt.s32 s17, $0xF41FF  }
0x12a: {  	s17 =	sand.u32 $0x7F, s17;
	s23 =	simm.s32 @!p0 $0x6000;
	s4 =	sor.u32 s4, s7  }
0x12b: {  	v13 =	vor.u32 s4, v0;
	s17 =	sor.u32 s17, s23  }
0x12c: {  	v14 =	vor.u32 s17, v0  }
0x12d: {  	v15 =	vor.u32 s4, v1;
	s23 =	smin.u32 s11, $0x1F6  }
0x12e: {  	v35 =	vor.u32 s17, v1;
	v39 =	vld [tilespmem:s23+$0x289]  }
0x12f: {  	v36 =	vor.u32 s4, v2;
	v41 =	vld [tilespmem:s23+$0x9]  }
0x130: {  	v37 =	vor.u32 s17, v2;
	v13 =	vld.idx.msk [tilespmem:v13+s21+$0x0], $0xffff  }
0x131: {  	v40 =	vor.u32 s17, v3;
	v14 =	vld.idx.msk [tilespmem:v14+s22+$0x0], $0xffff  }
0x132: {  	v38 =	vor.u32 s4, v3;
	v15 =	vld.idx.msk [tilespmem:v15+s21+$0x0], $0xffff  }
0x133: {  	v16 =	vld.idx.msk [tilespmem:v35+s22+$0x0], $0xffff  }
0x134: {  	v17 =	vld.idx.msk [tilespmem:v36+s21+$0x0], $0xffff  }
0x135: {  	v18 =	vld.idx.msk [tilespmem:v37+s22+$0x0], $0xffff  }
0x136: {  	v42 =	vld.idx.msk [tilespmem:v40+s22+$0x0], $0xffff;
	v13 =	vmul.f32 v14, v13  }
0x137: {  	v14 =	vld.idx.msk [tilespmem:v38+s21+$0x0], $0xffff  }
0x138: {  	(v2sf) =	vpush v39, $0x0;
	v15 =	vmul.f32 v16, v15;
	v13 =	vmul.f32 v13, v8  }
0x139: {  	(v2sf) =	vpush v41, $0x0  }
0x13a: {  	v43 =	vmul.f32 v18, v17;
	v15 =	vmul.f32 v15, v9;
	v13 =	vadd.f32 v13, v12;
	_ =	sdelay $0x1  }
0x13b: {  	v14 =	vmul.f32 v42, v14;
	v13 =	vadd.f32 v15, v13;
	v15 =	vmul.f32 v43, v10;
	_ =	sdelay $0x1  }
0x13c: {  	v14 =	vmul.f32 v14, v11;
	v13 =	vadd.f32 v15, v13;
	_ =	sdelay $0x1  }
0x13d: {  	v13 =	vadd.f32 v14, v13;
	_ =	sdelay $0x1  }
0x13e: {  	v14 =	vperm.xlane v13, v4;
	_ =	sdelay $0x1  }
0x13f: {  	v13 =	vadd.f32 v13, v14;
	_ =	sdelay $0x1  }
0x140: {  	v14 =	vperm.xlane v13, v5  }
0x141: {  	s17 =	spop (v2sf)  }
0x142: {  	s23 =	spop (v2sf);
	v13 =	vadd.f32 v13, v14  }
0x143: {  	s7 =	sshra.s32 s23, $0x7  }
0x144: {  	s4 =	sshra.s32 s17, $0x7;
	p0 =	slt.s32 s7, $0x1E83;
	v14 =	vperm.xlane v13, v6  }
0x145: {  	s7 =	simm.s32 @!p0 $0x1E83;
	p0 =	slt.s32 s4, $0x1E83  }
0x146: {  	s12 =	sadd.s32 $0x3, s12;
	s7 =	sshll.u32 s7, $0x7;
	s4 =	simm.s32 @!p0 $0x1E83;
	v13 =	vadd.f32 v13, v14  }
0x147: {  	s7 =	sand.u32 $0x1FFFFF80, s7;
	s4 =	sshll.u32 s4, $0x7;
	v14 =	vmov s12  }
0x148: {  	s7 =	sadd.s32 s1, s7;
	s4 =	sand.u32 $0x1FFFFF80, s4;
	v15 =	vperm.xlane v13, v7  }
0x149: {  	[tilespmem:s28], [sflag:$0x4] =	stream.strided.gather [hbm4b:s7+s19], $0x2000, s20, s19, $0x38;
	[tilespmem:$0x1C800] =	vst v63  }
0x14a: {  	s4 =	sadd.s32 s2, s4;
	v13 =	vadd.f32 v13, v15  }
0x14b: {  	[tilespmem:s29], [sflag:$0x4] =	stream.strided.gather [hbm4b:s4+s19], $0x2000, s20, s19, $0x38;
	[tilespmem:$0x1C800] =	vst v63  }
0x14c: {  	[tilespmem:v14+s13+$0x0] =	vst.idx.msk $0x1, v13  }
0x14d: {  	_ =	swait.ge [sflag:s18], $0x2000  }
0x14e: {  	[sflag:s18] =	ssyncset.done $0x0  }
0x14f: {  	[sflag:s18] =	ssyncadd.s32 $0xFFFFE000  }
0x150: {  	_ =	swait.ge [sflag:s18], $0x2000  }
0x151: {  	[sflag:s18] =	ssyncset.done $0x0  }
0x152: {  	s12 =	smin.u32 s11, $0x1FB;
	[sflag:s18] =	ssyncadd.s32 $0xFFFFE000  }
0x153: {  	v13 =	vld [tilespmem:s12+$0x4]  }
0x154: {  	v14 =	vld [tilespmem:s12+$0x284];
	_ =	sdelay $0x3  }
0x155: {  	(v2sf) =	vpush v13, $0x0  }
0x156: {  	(v2sf) =	vpush v14, $0x0;
	_ =	sdelay $0xd  }
0x157: {  	s23 =	simm.s32 $0xC000;
	s4 =	spop (v2sf)  }
0x158: {  	s7 =	simm.s32 $0xC000;
	p0 =	sgt.s32 s4, $0xF41FF;
	s17 =	spop (v2sf)  }
0x159: {  	s4 =	sand.u32 $0x7F, s4;
	s7 =	simm.s32 @!p0 $0x8000;
	p0 =	sgt.s32 s17, $0xF41FF  }
0x15a: {  	s17 =	sand.u32 $0x7F, s17;
	s23 =	simm.s32 @!p0 $0x8000;
	s4 =	sor.u32 s4, s7  }
0x15b: {  	v13 =	vor.u32 s4, v0;
	s17 =	sor.u32 s17, s23  }
0x15c: {  	v14 =	vor.u32 s17, v0  }
0x15d: {  	v15 =	vor.u32 s4, v1;
	s23 =	smin.u32 s11, $0x1F5  }
0x15e: {  	v44 =	vor.u32 s17, v1;
	v48 =	vld [tilespmem:s23+$0x28A]  }
0x15f: {  	v45 =	vor.u32 s4, v2;
	v50 =	vld [tilespmem:s23+$0xA]  }
0x160: {  	v46 =	vor.u32 s17, v2;
	v13 =	vld.idx.msk [tilespmem:v13+s21+$0x0], $0xffff  }
0x161: {  	v49 =	vor.u32 s17, v3;
	v14 =	vld.idx.msk [tilespmem:v14+s22+$0x0], $0xffff  }
0x162: {  	v47 =	vor.u32 s4, v3;
	v15 =	vld.idx.msk [tilespmem:v15+s21+$0x0], $0xffff  }
0x163: {  	v16 =	vld.idx.msk [tilespmem:v44+s22+$0x0], $0xffff  }
0x164: {  	v17 =	vld.idx.msk [tilespmem:v45+s21+$0x0], $0xffff  }
0x165: {  	v18 =	vld.idx.msk [tilespmem:v46+s22+$0x0], $0xffff  }
0x166: {  	v51 =	vld.idx.msk [tilespmem:v49+s22+$0x0], $0xffff;
	v13 =	vmul.f32 v14, v13  }
0x167: {  	v14 =	vld.idx.msk [tilespmem:v47+s21+$0x0], $0xffff  }
0x168: {  	(v2sf) =	vpush v48, $0x0;
	v15 =	vmul.f32 v16, v15;
	v13 =	vmul.f32 v13, v8  }
0x169: {  	(v2sf) =	vpush v50, $0x0  }
0x16a: {  	v52 =	vmul.f32 v18, v17;
	v15 =	vmul.f32 v15, v9;
	v13 =	vadd.f32 v13, v12;
	_ =	sdelay $0x1  }
0x16b: {  	v14 =	vmul.f32 v51, v14;
	v13 =	vadd.f32 v15, v13;
	v15 =	vmul.f32 v52, v10;
	_ =	sdelay $0x1  }
0x16c: {  	v14 =	vmul.f32 v14, v11;
	v13 =	vadd.f32 v15, v13;
	_ =	sdelay $0x1  }
0x16d: {  	v13 =	vadd.f32 v14, v13;
	_ =	sdelay $0x1  }
0x16e: {  	v14 =	vperm.xlane v13, v4;
	_ =	sdelay $0x1  }
0x16f: {  	v13 =	vadd.f32 v13, v14;
	_ =	sdelay $0x1  }
0x170: {  	v14 =	vperm.xlane v13, v5  }
0x171: {  	s17 =	spop (v2sf)  }
0x172: {  	s23 =	spop (v2sf);
	v13 =	vadd.f32 v13, v14  }
0x173: {  	s7 =	sshra.s32 s23, $0x7  }
0x174: {  	s4 =	sshra.s32 s17, $0x7;
	p0 =	slt.s32 s7, $0x1E83;
	v14 =	vperm.xlane v13, v6  }
0x175: {  	s7 =	simm.s32 @!p0 $0x1E83;
	p0 =	slt.s32 s4, $0x1E83  }
0x176: {  	s12 =	sadd.s32 $0x4, s12;
	s7 =	sshll.u32 s7, $0x7;
	s4 =	simm.s32 @!p0 $0x1E83;
	v13 =	vadd.f32 v13, v14  }
0x177: {  	s7 =	sand.u32 $0x1FFFFF80, s7;
	s4 =	sshll.u32 s4, $0x7;
	v14 =	vmov s12  }
0x178: {  	s7 =	sadd.s32 s1, s7;
	s4 =	sand.u32 $0x1FFFFF80, s4;
	v15 =	vperm.xlane v13, v7  }
0x179: {  	[tilespmem:s30], [sflag:$0x5] =	stream.strided.gather [hbm4b:s7+s19], $0x2000, s20, s19, $0x38;
	[tilespmem:$0x1C800] =	vst v63  }
0x17a: {  	s4 =	sadd.s32 s2, s4;
	v13 =	vadd.f32 v13, v15  }
0x17b: {  	[tilespmem:s31], [sflag:$0x5] =	stream.strided.gather [hbm4b:s4+s19], $0x2000, s20, s19, $0x38;
	[tilespmem:$0x1C800] =	vst v63  }
0x17c: {  	[tilespmem:v14+s13+$0x0] =	vst.idx.msk $0x1, v13  }
0x17d: {  	_ =	swait.ge [sflag:s6], $0x2000  }
0x17e: {  	[sflag:s6] =	ssyncset.done $0x0  }
0x17f: {  	[sflag:s6] =	ssyncadd.s32 $0xFFFFE000  }
0x180: {  	_ =	swait.ge [sflag:s6], $0x2000  }
0x181: {  	[sflag:s6] =	ssyncset.done $0x0  }
0x182: {  	s12 =	smin.u32 s11, $0x1FA;
	[sflag:s6] =	ssyncadd.s32 $0xFFFFE000  }
0x183: {  	v13 =	vld [tilespmem:s12+$0x5]  }
0x184: {  	v14 =	vld [tilespmem:s12+$0x285];
	_ =	sdelay $0x3  }
0x185: {  	(v2sf) =	vpush v13, $0x0  }
0x186: {  	(v2sf) =	vpush v14, $0x0;
	_ =	sdelay $0xd  }
0x187: {  	s23 =	simm.s32 $0xC000;
	s4 =	spop (v2sf)  }
0x188: {  	s7 =	simm.s32 $0xC000;
	p0 =	sgt.s32 s4, $0xF41FF;
	s17 =	spop (v2sf)  }
0x189: {  	s4 =	sand.u32 $0x7F, s4;
	s7 =	simm.s32 @!p0 $0xA000;
	p0 =	sgt.s32 s17, $0xF41FF  }
0x18a: {  	s17 =	sand.u32 $0x7F, s17;
	s4 =	sor.u32 s4, s7;
	s23 =	simm.s32 @!p0 $0xA000  }
0x18b: {  	s7 =	sor.u32 s17, s23;
	v13 =	vor.u32 s4, v0  }
0x18c: {  	v14 =	vor.u32 s7, v0  }
0x18d: {  	s11 =	smin.u32 s11, $0x1F4;
	v15 =	vor.u32 s4, v1  }
0x18e: {  	v53 =	vld [tilespmem:s11+$0x28B];
	v55 =	vor.u32 s7, v1  }
0x18f: {  	v54 =	vld [tilespmem:s11+$0xB];
	v56 =	vor.u32 s4, v2  }
0x190: {  	v57 =	vor.u32 s7, v2;
	v13 =	vld.idx.msk [tilespmem:v13+s21+$0x0], $0xffff  }
0x191: {  	v59 =	vor.u32 s7, v3;
	v14 =	vld.idx.msk [tilespmem:v14+s22+$0x0], $0xffff  }
0x192: {  	v58 =	vor.u32 s4, v3;
	v15 =	vld.idx.msk [tilespmem:v15+s21+$0x0], $0xffff  }
0x193: {  	v60 =	vld.idx.msk [tilespmem:v55+s22+$0x0], $0xffff  }
0x194: {  	v61 =	vld.idx.msk [tilespmem:v56+s21+$0x0], $0xffff  }
0x195: {  	v62 =	vld.idx.msk [tilespmem:v57+s22+$0x0], $0xffff  }
0x196: {  	v16 =	vld.idx.msk [tilespmem:v59+s22+$0x0], $0xffff;
	v13 =	vmul.f32 v14, v13  }
0x197: {  	v14 =	vld.idx.msk [tilespmem:v58+s21+$0x0], $0xffff  }
0x198: {  	(v2sf) =	vpush v53, $0x0;
	v15 =	vmul.f32 v60, v15;
	v13 =	vmul.f32 v13, v8  }
0x199: {  	(v2sf) =	vpush v54, $0x0  }
0x19a: {  	v63 =	vmul.f32 v62, v61;
	v15 =	vmul.f32 v15, v9;
	v13 =	vadd.f32 v13, v12;
	_ =	sdelay $0x1  }
0x19b: {  	v14 =	vmul.f32 v16, v14;
	v13 =	vadd.f32 v15, v13;
	v15 =	vmul.f32 v63, v10;
	_ =	sdelay $0x1  }
0x19c: {  	v14 =	vmul.f32 v14, v11;
	v13 =	vadd.f32 v15, v13;
	_ =	sdelay $0x1  }
0x19d: {  	v13 =	vadd.f32 v14, v13;
	_ =	sdelay $0x1  }
0x19e: {  	v14 =	vperm.xlane v13, v4;
	_ =	sdelay $0x1  }
0x19f: {  	v13 =	vadd.f32 v13, v14;
	_ =	sdelay $0x1  }
0x1a0: {  	v14 =	vperm.xlane v13, v5  }
0x1a1: {  	s17 =	spop (v2sf)  }
0x1a2: {  	s11 =	spop (v2sf);
	v13 =	vadd.f32 v13, v14  }
0x1a3: {  	s7 =	sshra.s32 s11, $0x7  }
0x1a4: {  	s4 =	sshra.s32 s17, $0x7;
	p0 =	slt.s32 s7, $0x1E83;
	v14 =	vperm.xlane v13, v6  }
0x1a5: {  	s7 =	simm.s32 @!p0 $0x1E83;
	p0 =	slt.s32 s4, $0x1E83  }
0x1a6: {  	s17 =	sadd.s32 $0x5, s12;
	s7 =	sshll.u32 s7, $0x7;
	s4 =	simm.s32 @!p0 $0x1E83;
	v13 =	vadd.f32 v13, v14  }
0x1a7: {  	p0 =	sne.s32 s10, $0x1FF;
	s7 =	sand.u32 $0x1FFFFF80, s7;
	s4 =	sshll.u32 s4, $0x7;
	v14 =	vmov s17  }
.Ltmp0:
0x1a8: {  	s7 =	sadd.s32 s1, s7;
	s4 =	sand.u32 $0x1FFFFF80, s4;
	v15 =	vperm.xlane v13, v7;
	(pc) =	sbr.rel @p0 .LBB2_2-.Ltmp0, $4  }
0x1a9: {  	[tilespmem:s0], [sflag:$0x6] =	stream.strided.gather [hbm4b:s7+s19], $0x2000, s20, s19, $0x38;
	[tilespmem:$0x1C800] =	vst v63  }
0x1aa: {  	s8 =	sadd.s32 $0x6, s8;
	s4 =	sadd.s32 s2, s4;
	v13 =	vadd.f32 v13, v15  }
0x1ab: {  	[tilespmem:s5], [sflag:$0x6] =	stream.strided.gather [hbm4b:s4+s19], $0x2000, s20, s19, $0x38;
	[tilespmem:$0x1C800] =	vst v63  }
0x1ac: {  	s9 =	sadd.s32 $0x6, s9;
	s23 =	simm.s32 $0x2500;
	s10 =	sadd.s32 $0x6, s10;
	[tilespmem:v14+s13+$0x0] =	vst.idx.msk $0x1, v13  }
0x1ad: {  	_ =	swait.ge [sflag:s3], $0x2000  }
0x1ae: {  	[sflag:s3] =	ssyncset.done $0x0  }
0x1af: {  	[sflag:s3] =	ssyncadd.s32 $0xFFFFE000  }
0x1b0: {  	_ =	swait.ge [sflag:s3], $0x2000  }
0x1b1: {  	[sflag:s3] =	ssyncset.done $0x0  }
0x1b2: {  	[sflag:s3] =	ssyncadd.s32 $0xFFFFE000  }
0x1b3: {  	_ =	swait.ge [sflag:s14], $0x2000  }
0x1b4: {  	[sflag:s14] =	ssyncset.done $0x0  }
0x1b5: {  	[sflag:s14] =	ssyncadd.s32 $0xFFFFE000  }
0x1b6: {  	_ =	swait.ge [sflag:s14], $0x2000  }
0x1b7: {  	[sflag:s14] =	ssyncset.done $0x0  }
0x1b8: {  	[sflag:s14] =	ssyncadd.s32 $0xFFFFE000  }
0x1b9: {  	_ =	swait.ge [sflag:s15], $0x2000  }
0x1ba: {  	[sflag:s15] =	ssyncset.done $0x0  }
0x1bb: {  	[sflag:s15] =	ssyncadd.s32 $0xFFFFE000  }
0x1bc: {  	_ =	swait.ge [sflag:s15], $0x2000  }
0x1bd: {  	[sflag:s15] =	ssyncset.done $0x0  }
0x1be: {  	[sflag:s15] =	ssyncadd.s32 $0xFFFFE000  }
0x1bf: {  	_ =	swait.ge [sflag:s16], $0x2000  }
0x1c0: {  	[sflag:s16] =	ssyncset.done $0x0  }
0x1c1: {  	[sflag:s16] =	ssyncadd.s32 $0xFFFFE000  }
0x1c2: {  	_ =	swait.ge [sflag:s16], $0x2000  }
0x1c3: {  	[sflag:s16] =	ssyncset.done $0x0  }
0x1c4: {  	[sflag:s16] =	ssyncadd.s32 $0xFFFFE000  }
0x1c5: {  	_ =	swait.ge [sflag:s18], $0x2000  }
0x1c6: {  	[sflag:s18] =	ssyncset.done $0x0  }
0x1c7: {  	[sflag:s18] =	ssyncadd.s32 $0xFFFFE000  }
0x1c8: {  	_ =	swait.ge [sflag:s18], $0x2000  }
0x1c9: {  	[sflag:s18] =	ssyncset.done $0x0  }
0x1ca: {  	[sflag:s18] =	ssyncadd.s32 $0xFFFFE000  }
0x1cb: {  	_ =	swait.ge [sflag:s6], $0x2000  }
0x1cc: {  	[sflag:s6] =	ssyncset.done $0x0  }
0x1cd: {  	[sflag:s6] =	ssyncadd.s32 $0xFFFFE000  }
0x1ce: {  	_ =	swait.ge [sflag:s6], $0x2000  }
0x1cf: {  	s10 =	simm.s32 $0x0;
	[sflag:s6] =	ssyncset.done $0x0  }
0x1d0: {  	s8 =	simm.s32 $0x7;
	s4 =	rddreg [dreg:$0xd];
	[sflag:s6] =	ssyncadd.s32 $0xFFFFE000  }
0x1d1: {  	[hbm4b:s4+s10] =	stream.linear.scatter [tilespmem:s13], [sflag:$0x7], $0x200, $0x38;
	[tilespmem:$0x1C800] =	vst v63  }
0x1d2: {  	_ =	swait.ge [sflag:s8], $0x200  }
0x1d3: {  	s7 =	rddreg [dreg:$0xf]  }
0x1d4: {  	s17 =	rddreg [dreg:$0xe];
	s7 =	sadd.s32 $0x1, s7  }
0x1d5: {  	p0 =	sne.s32 s7, s17  }
.Ltmp1:
0x1d6: {  	_ = 	snop;
	(pc) =	sbr.rel @p0 .LBB2_1-.Ltmp1, $3  }
0x1d7: {  	_ =	sdelay $0x1  }
0x1d8: {  	[sflag:s8] =	ssyncset.done $0x0  }
0x1d9: {  	[sflag:s8] =	ssyncadd.s32 $0xFFFFFE00  }
0x1da: {  	_ =	sfence.sel $0x180000  }
0x1db: {  	[bflag:$0x0] =	sbarrier.arrive $0xFFFF  }
0x1dc: {  	_ =	strace $0x90000047  }
0x1dd: {  	s0 =	stileid.u32;
	[bflag:$0x2] =	sbarrier.arrive $0xFFFF  }
0x1de: {  	p0 =	sne.s32 s0, $0x0;
	s0 =	rddreg [dreg:$0x7]  }
0x1df: {  	s0 =	sadd.s32 @!p0 $0x100000, s0  }
0x1e0: {  	[sflag:s0] =	ssyncadd.tile.s32 @!p0 $0x1;
	_ =	shalt  }
.Lfunc_end2:
_tile_overlayer_lowered:
.L_overlay_start_2:
0x1e1: {  	(tag) =	ssettag $0x2  }
0x1e2: {  	s0 =	rddreg [dreg:$0x0];
	s2 =	stileid.u32  }
0x1e3: {  	s1 =	rddreg [dreg:$0x1];
	p0 =	sne.s32 s2, $0x0  }
0x1e4: {  	s3 =	rddreg [dreg:$0x2];
	[bflag:$0x3] =	sbarrier.arrive $0xFFFF;
	s2 =	simm.s32 @!p0 $0x1C07  }
0x1e5: {  	[timem:s3], [sflag:s2] =	dma.local @!p0 [hbm:s0], s1  }
0x1e6: {  	s0 =	simm.s32 @!p0 $0x7  }
0x1e7: {  	_ =	swait.ge @!p0 [sflag:s0], s1  }
0x1e8: {  	s1 =	ssub.s32 @!p0 $0x0, s1;
	[sflag:s0] =	ssyncset.done @!p0 $0x0  }
0x1e9: {  	[sflag:s0] =	ssyncadd.s32 @!p0 s1  }
0x1ea: {  	[bflag:$0x3] =	sbarrier.arrive $0xFFFF  }
0x1eb: {  	_ =	shalt  }

</sc_bundles>
